<compile_context>
chip_gen: v7x
topology: tpu7x:2x2x1
jax: 0.10.2.dev20260603
libtpu: 0.0.44.dev20260713+nightly
codegen_flags: <defaults>
</compile_context>

<pallas_src>
import functools

import jax
import jax.numpy as jnp
from jax import lax
from jax.experimental import pallas as pl
from jax.experimental.pallas import tpu as pltpu
from jax.experimental.pallas import tpu_sc as plsc

FEAT = 100
CTX = 26
DD = 32
K = 10
NN = FEAT + CTX
NP = 128
DEPTH_L = 3
NEG = -1e30

TILE_A = 64
TILE_C = 64

F32 = jnp.float32
BF16 = jnp.bfloat16


def _split(a):
    hi = a.astype(BF16)
    return hi, (a - hi.astype(F32)).astype(BF16)


def _sdot(ah, al, bh, bl):
    return (jnp.dot(ah, bh, preferred_element_type=F32) +
            (jnp.dot(ah, bl, preferred_element_type=F32) +
             jnp.dot(al, bh, preferred_element_type=F32)))



def _idx_body(feat_ref, ctx_ref, wqT_ref, wcT_ref, dcnWT_ref, dcnb_ref,
              fgran_ref, fgrp_ref, cgran_ref, cgrp_ref):
    i = pl.program_id(0)
    T = feat_ref.shape[0]
    fv3 = jnp.dot(feat_ref[...].reshape(T * FEAT, DD), wqT_ref[...],
                  preferred_element_type=F32).reshape(T, FEAT, DD)
    cv3 = jnp.dot(ctx_ref[...].reshape(T * CTX, DD), wcT_ref[...],
                  preferred_element_type=F32).reshape(T, CTX, DD)
    x0 = jnp.concatenate(
        [jnp.sum(fv3, axis=2), jnp.sum(cv3, axis=2),
         jnp.zeros((T, NP - NN), F32)], axis=1)
    x = x0
    for l in range(DEPTH_L):
        xw = jnp.dot(x, dcnWT_ref[l], preferred_element_type=F32)
        x = x0 * (xw + dcnb_ref[l]) + x

    lane = lax.broadcasted_iota(jnp.int32, (T, NP), 1)
    fvalid = lane < FEAT
    cvalid = (lane >= FEAT) & (lane < NN)
    fcols = []
    ccols = []
    for _ in range(K):
        fm = jnp.where(fvalid, x, NEG)
        cm = jnp.where(cvalid, x, NEG)
        fmax = jnp.max(fm, axis=1, keepdims=True)
        cmax = jnp.max(cm, axis=1, keepdims=True)
        fi = jnp.min(jnp.where(fm == fmax, lane, NP), axis=1, keepdims=True)
        ci = jnp.min(jnp.where(cm == cmax, lane, NP), axis=1, keepdims=True)
        fvalid = fvalid & (lane != fi)
        cvalid = cvalid & (lane != ci)
        fcols.append(fi)
        ccols.append(ci)
    trow = i * T + lax.broadcasted_iota(jnp.int32, (T, 1), 0)
    frow = jnp.concatenate(fcols, axis=1) + trow * FEAT
    crow = jnp.concatenate(ccols, axis=1) - FEAT + trow * CTX
    fgran_ref[...] = frow // 4
    fgrp_ref[...] = frow % 4
    cgran_ref[...] = crow // 4
    cgrp_ref[...] = crow % 4



def _make_sc_gather(B):
    info = plsc.get_sparse_core_info()
    NW = info.num_cores * info.num_subcores
    rows = B * K
    b_per_w = rows // NW
    CH = 512
    nch = b_per_w // CH
    mesh = plsc.VectorSubcoreMesh(core_axis_name="c", subcore_axis_name="s")

    @functools.partial(
        pl.kernel, mesh=mesh,
        out_type=(jax.ShapeDtypeStruct((rows, NP), F32),
                  jax.ShapeDtypeStruct((rows, NP), F32)),
        scratch_types=[
            pltpu.VMEM((CH,), jnp.int32),
            pltpu.VMEM((CH, NP), F32),
            pltpu.SemaphoreType.DMA,
        ],
    )
    def sc_gather(feat_hbm, ctx_hbm, fidx_hbm, cidx_hbm, gf_hbm, gc_hbm,
                  idx_v, rows_v, sem):
        wid = lax.axis_index("s") * info.num_cores + lax.axis_index("c")
        base = wid * b_per_w
        for ch in range(nch):
            off = base + ch * CH
            pltpu.sync_copy(fidx_hbm.at[pl.ds(off, CH)], idx_v)
            pltpu.async_copy(feat_hbm.at[idx_v], rows_v, sem).wait()
            pltpu.sync_copy(rows_v, gf_hbm.at[pl.ds(off, CH)])
        for ch in range(nch):
            off = base + ch * CH
            pltpu.sync_copy(cidx_hbm.at[pl.ds(off, CH)], idx_v)
            pltpu.async_copy(ctx_hbm.at[idx_v], rows_v, sem).wait()
            pltpu.sync_copy(rows_v, gc_hbm.at[pl.ds(off, CH)])

    return sc_gather


def _gather_granules(featG, ctxG, fgranF, cgranF):
    B = featG.shape[0] * 4 // FEAT
    return _make_sc_gather(B)(featG, ctxG, fgranF, cgranF)



def _out_body(gf_ref, gcW_ref, fgrpF_ref, cgrp_ref, wqte_ref, wc10_ref,
              p320_ref, g_ref, b_ref, out_ref):
    T = gcW_ref.shape[0]
    gf = gf_ref[...]
    fgrp = fgrpF_ref[...]
    tf2 = jnp.zeros((T * K, DD), F32)
    for g in range(4):
        tf2 += jnp.where(fgrp == g, 1.0, 0.0) * gf[:, g * DD:(g + 1) * DD]
    gcW = gcW_ref[...]
    cgrp = cgrp_ref[...]
    parts = []
    for b in range(K):
        sel = cgrp[:, b:b + 1]
        p = jnp.zeros((T, DD), F32)
        for g in range(4):
            p += (jnp.where(sel == g, 1.0, 0.0) *
                  gcW[:, b * NP + g * DD: b * NP + (g + 1) * DD])
        parts.append(p)
    tcraw = jnp.concatenate(parts, axis=1)

    tfE = jnp.dot(tf2, wqte_ref[...],
                  preferred_element_type=F32)
    tcflat = jnp.dot(tcraw, wc10_ref[...],
                     preferred_element_type=F32)
    X = (tfE.reshape(T, K, K * DD) *
         tcflat.reshape(T, 1, K * DD)).reshape(T * K, K * DD)
    mu = jnp.dot(X, p320_ref[...], preferred_element_type=F32)
    d = X - mu
    var = jnp.dot(d * d, p320_ref[...], preferred_element_type=F32)
    out_ref[...] = d * (lax.rsqrt(var + 1e-5) * g_ref[...]) + b_ref[...]



@jax.jit
def _run(featureVec, contextVec, Wq, Wc, dcnW, dcnb, gamma, beta):
    B = featureVec.shape[0]
    dcnWT = jnp.zeros((DEPTH_L, NP, NP), F32
                      ).at[:, :NN, :NN].set(jnp.transpose(dcnW, (0, 2, 1)))
    dcnbP = jnp.zeros((DEPTH_L, 1, NP), F32).at[:, 0, :NN].set(dcnb)

    gridA = (B // TILE_A,)
    ispec = pl.BlockSpec((TILE_A, K), lambda i: (i, 0))
    fgran, fgrp, cgran, cgrp = pl.pallas_call(
        _idx_body,
        grid=gridA,
        in_specs=[
            pl.BlockSpec((TILE_A, FEAT, DD), lambda i: (i, 0, 0)),
            pl.BlockSpec((TILE_A, CTX, DD), lambda i: (i, 0, 0)),
            pl.BlockSpec((DD, DD), lambda i: (0, 0)),
            pl.BlockSpec((DD, DD), lambda i: (0, 0)),
            pl.BlockSpec((DEPTH_L, NP, NP), lambda i: (0, 0, 0)),
            pl.BlockSpec((DEPTH_L, 1, NP), lambda i: (0, 0, 0)),
        ],
        out_specs=[ispec, ispec, ispec, ispec],
        out_shape=[jax.ShapeDtypeStruct((B, K), jnp.int32)] * 4,
    )(featureVec, contextVec, Wq.T, Wc.T, dcnWT, dcnbP)

    gf, gc = _gather_granules(featureVec.reshape(B * FEAT // 4, NP),
                              contextVec.reshape(B * CTX // 4, NP),
                              fgran.reshape(B * K), cgran.reshape(B * K))

    wqte = jnp.tile(Wq.T, (1, K))
    wc10 = jnp.kron(jnp.eye(K, dtype=F32), Wc.T)
    p320 = jnp.kron(jnp.eye(K, dtype=F32),
                    jnp.full((DD, DD), 1.0 / DD, F32))
    g320 = jnp.tile(gamma, K).reshape(1, K * DD)
    b320 = jnp.tile(beta, K).reshape(1, K * DD)

    gridC = (B // TILE_C,)
    out = pl.pallas_call(
        _out_body,
        grid=gridC,
        in_specs=[
            pl.BlockSpec((TILE_C * K, NP), lambda i: (i, 0)),
            pl.BlockSpec((TILE_C, K * NP), lambda i: (i, 0)),
            pl.BlockSpec((TILE_C * K, 1), lambda i: (i, 0)),
            pl.BlockSpec((TILE_C, K), lambda i: (i, 0)),
            pl.BlockSpec((DD, K * DD), lambda i: (0, 0)),
            pl.BlockSpec((K * DD, K * DD), lambda i: (0, 0)),
            pl.BlockSpec((K * DD, K * DD), lambda i: (0, 0)),
            pl.BlockSpec((1, K * DD), lambda i: (0, 0)),
            pl.BlockSpec((1, K * DD), lambda i: (0, 0)),
        ],
        out_specs=pl.BlockSpec((TILE_C * K, K * DD), lambda i: (i, 0)),
        out_shape=jax.ShapeDtypeStruct((B * K, K * DD), F32),
    )(gf, gc.reshape(B, K * NP), fgrp.reshape(B * K, 1), cgrp,
      wqte, wc10, p320, g320, b320)
    return out.reshape(B, K * K, DD)


def kernel(featureVec, contextVec, Wq, Wc, dcnW, dcnb, gamma, beta):
    return _run(featureVec, contextVec, Wq, Wc, dcnW, dcnb, gamma, beta)

# --- scband reference (transcript-rebuilt; emitter-appended) ---
"""Pipeline reference for scband-sparse-dcnattention-layer-72378788873004 (READ-ONLY COPY).

The authoritative reference and input builder live on the scoring server;
editing this copy changes nothing except your own understanding.
"""

import jax, jax.numpy as jnp
import numpy as np

FEATURE_NUM = 100
CONTEXT_NUM = 26
D = 32
TOPK = 10
DEPTH = 3
B = 16384


def setup_inputs(seed: int = 0):
    key = jax.random.key(seed)
    ks = jax.random.split(key, 8)
    N = FEATURE_NUM + CONTEXT_NUM
    return {
        "featureVec": jax.random.normal(ks[0], (B, FEATURE_NUM, D), dtype=jnp.float32),
        "contextVec": jax.random.normal(ks[1], (B, CONTEXT_NUM, D), dtype=jnp.float32),
        "Wq": jax.random.normal(ks[2], (D, D), dtype=jnp.float32) * 0.05,
        "Wc": jax.random.normal(ks[3], (D, D), dtype=jnp.float32) * 0.05,
        "dcnW": jax.random.normal(ks[4], (DEPTH, N, N), dtype=jnp.float32) * 0.05,
        "dcnb": jnp.zeros((DEPTH, N), dtype=jnp.float32),
        "gamma": jnp.ones((D,), dtype=jnp.float32),
        "beta": jnp.zeros((D,), dtype=jnp.float32),
    }


def _layer_norm(x, gamma, beta, eps=1e-5):
    mu = jnp.mean(x, axis=-1, keepdims=True)
    var = jnp.var(x, axis=-1, keepdims=True)
    return (x - mu) / jnp.sqrt(var + eps) * gamma + beta


def _dcn(x0, dcnW, dcnb):
    # DCN-V2 cross network on per-feature scalar summaries, depth=3:
    # x_{l+1} = x0 * (W_l x_l + b_l) + x_l, input/output dim = featureNum+contextFeatureNum
    x = x0
    for l in range(DEPTH):
        x = x0 * (x @ dcnW[l].T + dcnb[l]) + x
    return x


def _topk_gather(feature, indicator, topk):
    vals, idx = jax.lax.top_k(indicator, topk)  # [B, topk]
    return jnp.take_along_axis(feature, idx[:, :, None], axis=1)  # gather rows


def reference(featureVec, contextVec, Wq, Wc, dcnW, dcnb, gamma, beta):
    b = featureVec.shape[0]
    fv = featureVec @ Wq.T  # queryTrans (Linear, no bias)
    cv = contextVec @ Wc.T  # contextTrans (Linear, no bias)
    x0 = jnp.concatenate([jnp.sum(fv, axis=-1), jnp.sum(cv, axis=-1)], axis=1)
    weight = _dcn(x0, dcnW, dcnb)  # [B, featureNum+contextFeatureNum]
    fw = weight[:, :FEATURE_NUM]
    cw = weight[:, FEATURE_NUM:]
    tf = _topk_gather(fv, fw, TOPK)  # [B, topk, D]
    tc = _topk_gather(cv, cw, TOPK)  # [B, topk, D]
    out = tf[:, :, None, :] * tc[:, None, :, :]  # [B, topk, topk, D]
    norm = _layer_norm(out, gamma, beta)
    return norm.reshape(b, -1, D)

if __name__ == "__main__":
    import jax
    _d = setup_inputs()
    print(jax.jit(kernel)(*tuple(_d.values())))

</pallas_src>

<mosaic_0001>
#map = affine_map<(d0, d1) -> (0, 0)>
#map1 = affine_map<(d0, d1) -> (0)>
module attributes {stable_mosaic.version = 14 : i64} {
  func.func @sc_gather(%arg0: i32, %arg1: i32, %arg2: memref<409600x128xf32, #tpu.memory_space<hbm>>, %arg3: memref<106496x128xf32, #tpu.memory_space<hbm>>, %arg4: memref<163840xi32, #tpu.memory_space<hbm>>, %arg5: memref<163840xi32, #tpu.memory_space<hbm>>, %arg6: memref<163840x128xf32, #tpu.memory_space<hbm>>, %arg7: memref<163840x128xf32, #tpu.memory_space<hbm>>, %arg8: memref<512xi32, #tpu.memory_space<vmem>>, %arg9: memref<512x128xf32, #tpu.memory_space<vmem>>, %arg10: memref<!tpu.dma_semaphore, #tpu.memory_space<semaphore_mem>>) attributes {dimension_semantics = [#tpu.dimension_semantics<core_parallel>, #tpu.dimension_semantics<subcore_parallel>], iteration_bounds = array<i64: 2, 16>, scalar_prefetch = 0 : i64, scratch_operands = 3 : i64, tpu.core_type = #tpu.core_type<sc_vector_subcore>, window_params = [{transform_indices = #map}, {transform_indices = #map}, {transform_indices = #map1}, {transform_indices = #map1}, {transform_indices = #map}, {transform_indices = #map}]} {
    %mul3A = arith.constant 2 : i32
    %mul3A_0 = arith.muli %arg1, %mul3A : i32
    %add3A = arith.addi %mul3A_0, %arg0 : i32
    %mul3A_1 = arith.constant 5120 : i32
    %mul3A_2 = arith.muli %add3A, %mul3A_1 : i32
    %add3A_3 = arith.constant 0 : i32
    %add3A_4 = arith.addi %mul3A_2, %add3A_3 : i32
    "tpu.region"() ({
      %run_scoped3A = tpu.sem_alloc : memref<!tpu.dma_semaphore, #tpu.memory_space<semaphore_mem>>
      %dma_start3A_161 = tpu.memref_slice %arg4[%add3A_4] : memref<163840xi32, #tpu.memory_space<hbm>> -> memref<512xi32, #tpu.memory_space<hbm>>
      %dma_start3A_162 = tpu.memref_slice %arg4[%add3A_4] : memref<163840xi32, #tpu.memory_space<hbm>> -> memref<512xi32, #tpu.memory_space<hbm>>
      tpu.enqueue_dma source(%dma_start3A_162 : memref<512xi32, #tpu.memory_space<hbm>>) target(%arg8 : memref<512xi32, #tpu.memory_space<vmem>>) target_semaphore(%run_scoped3A : memref<!tpu.dma_semaphore, #tpu.memory_space<semaphore_mem>>)
      %dma_wait3A_163 = tpu.memref_slice %arg4[%add3A_4] : memref<163840xi32, #tpu.memory_space<hbm>> -> memref<512xi32, #tpu.memory_space<hbm>>
      %dma_wait3A_164 = tpu.memref_slice %arg4[%add3A_4] : memref<163840xi32, #tpu.memory_space<hbm>> -> memref<512xi32, #tpu.memory_space<hbm>>
      tpu.wait_dma2 semaphore(%run_scoped3A : memref<!tpu.dma_semaphore, #tpu.memory_space<semaphore_mem>>) src(%dma_wait3A_164 : memref<512xi32, #tpu.memory_space<hbm>>) dst(%arg8 : memref<512xi32, #tpu.memory_space<vmem>>)
      tpu.yield
    }) : () -> ()
    %dma_start3A = arith.constant 0 : i32
    %dma_start3A_5 = arith.constant 0 : i32
    %dma_start3A_6 = tpu.memref_slice %arg2[%dma_start3A, %dma_start3A_5] : memref<409600x128xf32, #tpu.memory_space<hbm>> -> memref<409600x128xf32, #tpu.memory_space<hbm>>
    tpu.enqueue_indirect_dma source(%dma_start3A_6 : memref<409600x128xf32, #tpu.memory_space<hbm>>) target(%arg9 : memref<512x128xf32, #tpu.memory_space<vmem>>) offsets(%arg8 : memref<512xi32, #tpu.memory_space<vmem>>) semaphore(%arg10 : memref<!tpu.dma_semaphore, #tpu.memory_space<semaphore_mem>>)
    %dma_wait3A = arith.constant 0 : i32
    %dma_wait3A_7 = arith.constant 0 : i32
    %dma_wait3A_8 = tpu.memref_slice %arg2[%dma_wait3A, %dma_wait3A_7] : memref<409600x128xf32, #tpu.memory_space<hbm>> -> memref<409600x128xf32, #tpu.memory_space<hbm>>
    tpu.wait_indirect_dma semaphore(%arg10 : memref<!tpu.dma_semaphore, #tpu.memory_space<semaphore_mem>>) src(%dma_wait3A_8 : memref<409600x128xf32, #tpu.memory_space<hbm>>) dst(%arg9 : memref<512x128xf32, #tpu.memory_space<vmem>>)
    "tpu.region"() ({
      %run_scoped3A = tpu.sem_alloc : memref<!tpu.dma_semaphore, #tpu.memory_space<semaphore_mem>>
      %dma_start3A_161 = arith.constant 0 : i32
      %dma_start3A_162 = tpu.memref_slice %arg6[%add3A_4, %dma_start3A_161] : memref<163840x128xf32, #tpu.memory_space<hbm>> -> memref<512x128xf32, #tpu.memory_space<hbm>>
      %dma_start3A_163 = arith.constant 0 : i32
      %dma_start3A_164 = tpu.memref_slice %arg6[%add3A_4, %dma_start3A_163] : memref<163840x128xf32, #tpu.memory_space<hbm>> -> memref<512x128xf32, #tpu.memory_space<hbm>>
      tpu.enqueue_dma source(%arg9 : memref<512x128xf32, #tpu.memory_space<vmem>>) target(%dma_start3A_164 : memref<512x128xf32, #tpu.memory_space<hbm>>) target_semaphore(%run_scoped3A : memref<!tpu.dma_semaphore, #tpu.memory_space<semaphore_mem>>)
      %dma_wait3A_165 = arith.constant 0 : i32
      %dma_wait3A_166 = tpu.memref_slice %arg6[%add3A_4, %dma_wait3A_165] : memref<163840x128xf32, #tpu.memory_space<hbm>> -> memref<512x128xf32, #tpu.memory_space<hbm>>
      %dma_wait3A_167 = arith.constant 0 : i32
      %dma_wait3A_168 = tpu.memref_slice %arg6[%add3A_4, %dma_wait3A_167] : memref<163840x128xf32, #tpu.memory_space<hbm>> -> memref<512x128xf32, #tpu.memory_space<hbm>>
      tpu.wait_dma2 semaphore(%run_scoped3A : memref<!tpu.dma_semaphore, #tpu.memory_space<semaphore_mem>>) src(%arg9 : memref<512x128xf32, #tpu.memory_space<vmem>>) dst(%dma_wait3A_168 : memref<512x128xf32, #tpu.memory_space<hbm>>)
      tpu.yield
    }) : () -> ()
    %add3A_9 = arith.constant 512 : i32
    %add3A_10 = arith.addi %mul3A_2, %add3A_9 : i32
    "tpu.region"() ({
      %run_scoped3A = tpu.sem_alloc : memref<!tpu.dma_semaphore, #tpu.memory_space<semaphore_mem>>
      %dma_start3A_161 = tpu.memref_slice %arg4[%add3A_10] : memref<163840xi32, #tpu.memory_space<hbm>> -> memref<512xi32, #tpu.memory_space<hbm>>
      %dma_start3A_162 = tpu.memref_slice %arg4[%add3A_10] : memref<163840xi32, #tpu.memory_space<hbm>> -> memref<512xi32, #tpu.memory_space<hbm>>
      tpu.enqueue_dma source(%dma_start3A_162 : memref<512xi32, #tpu.memory_space<hbm>>) target(%arg8 : memref<512xi32, #tpu.memory_space<vmem>>) target_semaphore(%run_scoped3A : memref<!tpu.dma_semaphore, #tpu.memory_space<semaphore_mem>>)
      %dma_wait3A_163 = tpu.memref_slice %arg4[%add3A_10] : memref<163840xi32, #tpu.memory_space<hbm>> -> memref<512xi32, #tpu.memory_space<hbm>>
      %dma_wait3A_164 = tpu.memref_slice %arg4[%add3A_10] : memref<163840xi32, #tpu.memory_space<hbm>> -> memref<512xi32, #tpu.memory_space<hbm>>
      tpu.wait_dma2 semaphore(%run_scoped3A : memref<!tpu.dma_semaphore, #tpu.memory_space<semaphore_mem>>) src(%dma_wait3A_164 : memref<512xi32, #tpu.memory_space<hbm>>) dst(%arg8 : memref<512xi32, #tpu.memory_space<vmem>>)
      tpu.yield
    }) : () -> ()
    %dma_start3A_11 = arith.constant 0 : i32
    %dma_start3A_12 = arith.constant 0 : i32
    %dma_start3A_13 = tpu.memref_slice %arg2[%dma_start3A_11, %dma_start3A_12] : memref<409600x128xf32, #tpu.memory_space<hbm>> -> memref<409600x128xf32, #tpu.memory_space<hbm>>
    tpu.enqueue_indirect_dma source(%dma_start3A_13 : memref<409600x128xf32, #tpu.memory_space<hbm>>) target(%arg9 : memref<512x128xf32, #tpu.memory_space<vmem>>) offsets(%arg8 : memref<512xi32, #tpu.memory_space<vmem>>) semaphore(%arg10 : memref<!tpu.dma_semaphore, #tpu.memory_space<semaphore_mem>>)
    %dma_wait3A_14 = arith.constant 0 : i32
    %dma_wait3A_15 = arith.constant 0 : i32
    %dma_wait3A_16 = tpu.memref_slice %arg2[%dma_wait3A_14, %dma_wait3A_15] : memref<409600x128xf32, #tpu.memory_space<hbm>> -> memref<409600x128xf32, #tpu.memory_space<hbm>>
    tpu.wait_indirect_dma semaphore(%arg10 : memref<!tpu.dma_semaphore, #tpu.memory_space<semaphore_mem>>) src(%dma_wait3A_16 : memref<409600x128xf32, #tpu.memory_space<hbm>>) dst(%arg9 : memref<512x128xf32, #tpu.memory_space<vmem>>)
    "tpu.region"() ({
      %run_scoped3A = tpu.sem_alloc : memref<!tpu.dma_semaphore, #tpu.memory_space<semaphore_mem>>
      %dma_start3A_161 = arith.constant 0 : i32
      %dma_start3A_162 = tpu.memref_slice %arg6[%add3A_10, %dma_start3A_161] : memref<163840x128xf32, #tpu.memory_space<hbm>> -> memref<512x128xf32, #tpu.memory_space<hbm>>
      %dma_start3A_163 = arith.constant 0 : i32
      %dma_start3A_164 = tpu.memref_slice %arg6[%add3A_10, %dma_start3A_163] : memref<163840x128xf32, #tpu.memory_space<hbm>> -> memref<512x128xf32, #tpu.memory_space<hbm>>
      tpu.enqueue_dma source(%arg9 : memref<512x128xf32, #tpu.memory_space<vmem>>) target(%dma_start3A_164 : memref<512x128xf32, #tpu.memory_space<hbm>>) target_semaphore(%run_scoped3A : memref<!tpu.dma_semaphore, #tpu.memory_space<semaphore_mem>>)
      %dma_wait3A_165 = arith.constant 0 : i32
      %dma_wait3A_166 = tpu.memref_slice %arg6[%add3A_10, %dma_wait3A_165] : memref<163840x128xf32, #tpu.memory_space<hbm>> -> memref<512x128xf32, #tpu.memory_space<hbm>>
      %dma_wait3A_167 = arith.constant 0 : i32
      %dma_wait3A_168 = tpu.memref_slice %arg6[%add3A_10, %dma_wait3A_167] : memref<163840x128xf32, #tpu.memory_space<hbm>> -> memref<512x128xf32, #tpu.memory_space<hbm>>
      tpu.wait_dma2 semaphore(%run_scoped3A : memref<!tpu.dma_semaphore, #tpu.memory_space<semaphore_mem>>) src(%arg9 : memref<512x128xf32, #tpu.memory_space<vmem>>) dst(%dma_wait3A_168 : memref<512x128xf32, #tpu.memory_space<hbm>>)
      tpu.yield
    }) : () -> ()
    %add3A_17 = arith.constant 1024 : i32
    %add3A_18 = arith.addi %mul3A_2, %add3A_17 : i32
    "tpu.region"() ({
      %run_scoped3A = tpu.sem_alloc : memref<!tpu.dma_semaphore, #tpu.memory_space<semaphore_mem>>
      %dma_start3A_161 = tpu.memref_slice %arg4[%add3A_18] : memref<163840xi32, #tpu.memory_space<hbm>> -> memref<512xi32, #tpu.memory_space<hbm>>
      %dma_start3A_162 = tpu.memref_slice %arg4[%add3A_18] : memref<163840xi32, #tpu.memory_space<hbm>> -> memref<512xi32, #tpu.memory_space<hbm>>
      tpu.enqueue_dma source(%dma_start3A_162 : memref<512xi32, #tpu.memory_space<hbm>>) target(%arg8 : memref<512xi32, #tpu.memory_space<vmem>>) target_semaphore(%run_scoped3A : memref<!tpu.dma_semaphore, #tpu.memory_space<semaphore_mem>>)
      %dma_wait3A_163 = tpu.memref_slice %arg4[%add3A_18] : memref<163840xi32, #tpu.memory_space<hbm>> -> memref<512xi32, #tpu.memory_space<hbm>>
      %dma_wait3A_164 = tpu.memref_slice %arg4[%add3A_18] : memref<163840xi32, #tpu.memory_space<hbm>> -> memref<512xi32, #tpu.memory_space<hbm>>
      tpu.wait_dma2 semaphore(%run_scoped3A : memref<!tpu.dma_semaphore, #tpu.memory_space<semaphore_mem>>) src(%dma_wait3A_164 : memref<512xi32, #tpu.memory_space<hbm>>) dst(%arg8 : memref<512xi32, #tpu.memory_space<vmem>>)
      tpu.yield
    }) : () -> ()
    %dma_start3A_19 = arith.constant 0 : i32
    %dma_start3A_20 = arith.constant 0 : i32
    %dma_start3A_21 = tpu.memref_slice %arg2[%dma_start3A_19, %dma_start3A_20] : memref<409600x128xf32, #tpu.memory_space<hbm>> -> memref<409600x128xf32, #tpu.memory_space<hbm>>
    tpu.enqueue_indirect_dma source(%dma_start3A_21 : memref<409600x128xf32, #tpu.memory_space<hbm>>) target(%arg9 : memref<512x128xf32, #tpu.memory_space<vmem>>) offsets(%arg8 : memref<512xi32, #tpu.memory_space<vmem>>) semaphore(%arg10 : memref<!tpu.dma_semaphore, #tpu.memory_space<semaphore_mem>>)
    %dma_wait3A_22 = arith.constant 0 : i32
    %dma_wait3A_23 = arith.constant 0 : i32
    %dma_wait3A_24 = tpu.memref_slice %arg2[%dma_wait3A_22, %dma_wait3A_23] : memref<409600x128xf32, #tpu.memory_space<hbm>> -> memref<409600x128xf32, #tpu.memory_space<hbm>>
    tpu.wait_indirect_dma semaphore(%arg10 : memref<!tpu.dma_semaphore, #tpu.memory_space<semaphore_mem>>) src(%dma_wait3A_24 : memref<409600x128xf32, #tpu.memory_space<hbm>>) dst(%arg9 : memref<512x128xf32, #tpu.memory_space<vmem>>)
    "tpu.region"() ({
      %run_scoped3A = tpu.sem_alloc : memref<!tpu.dma_semaphore, #tpu.memory_space<semaphore_mem>>
      %dma_start3A_161 = arith.constant 0 : i32
      %dma_start3A_162 = tpu.memref_slice %arg6[%add3A_18, %dma_start3A_161] : memref<163840x128xf32, #tpu.memory_space<hbm>> -> memref<512x128xf32, #tpu.memory_space<hbm>>
      %dma_start3A_163 = arith.constant 0 : i32
      %dma_start3A_164 = tpu.memref_slice %arg6[%add3A_18, %dma_start3A_163] : memref<163840x128xf32, #tpu.memory_space<hbm>> -> memref<512x128xf32, #tpu.memory_space<hbm>>
      tpu.enqueue_dma source(%arg9 : memref<512x128xf32, #tpu.memory_space<vmem>>) target(%dma_start3A_164 : memref<512x128xf32, #tpu.memory_space<hbm>>) target_semaphore(%run_scoped3A : memref<!tpu.dma_semaphore, #tpu.memory_space<semaphore_mem>>)
      %dma_wait3A_165 = arith.constant 0 : i32
      %dma_wait3A_166 = tpu.memref_slice %arg6[%add3A_18, %dma_wait3A_165] : memref<163840x128xf32, #tpu.memory_space<hbm>> -> memref<512x128xf32, #tpu.memory_space<hbm>>
      %dma_wait3A_167 = arith.constant 0 : i32
      %dma_wait3A_168 = tpu.memref_slice %arg6[%add3A_18, %dma_wait3A_167] : memref<163840x128xf32, #tpu.memory_space<hbm>> -> memref<512x128xf32, #tpu.memory_space<hbm>>
      tpu.wait_dma2 semaphore(%run_scoped3A : memref<!tpu.dma_semaphore, #tpu.memory_space<semaphore_mem>>) src(%arg9 : memref<512x128xf32, #tpu.memory_space<vmem>>) dst(%dma_wait3A_168 : memref<512x128xf32, #tpu.memory_space<hbm>>)
      tpu.yield
    }) : () -> ()
    %add3A_25 = arith.constant 1536 : i32
    %add3A_26 = arith.addi %mul3A_2, %add3A_25 : i32
    "tpu.region"() ({
      %run_scoped3A = tpu.sem_alloc : memref<!tpu.dma_semaphore, #tpu.memory_space<semaphore_mem>>
      %dma_start3A_161 = tpu.memref_slice %arg4[%add3A_26] : memref<163840xi32, #tpu.memory_space<hbm>> -> memref<512xi32, #tpu.memory_space<hbm>>
      %dma_start3A_162 = tpu.memref_slice %arg4[%add3A_26] : memref<163840xi32, #tpu.memory_space<hbm>> -> memref<512xi32, #tpu.memory_space<hbm>>
      tpu.enqueue_dma source(%dma_start3A_162 : memref<512xi32, #tpu.memory_space<hbm>>) target(%arg8 : memref<512xi32, #tpu.memory_space<vmem>>) target_semaphore(%run_scoped3A : memref<!tpu.dma_semaphore, #tpu.memory_space<semaphore_mem>>)
      %dma_wait3A_163 = tpu.memref_slice %arg4[%add3A_26] : memref<163840xi32, #tpu.memory_space<hbm>> -> memref<512xi32, #tpu.memory_space<hbm>>
      %dma_wait3A_164 = tpu.memref_slice %arg4[%add3A_26] : memref<163840xi32, #tpu.memory_space<hbm>> -> memref<512xi32, #tpu.memory_space<hbm>>
      tpu.wait_dma2 semaphore(%run_scoped3A : memref<!tpu.dma_semaphore, #tpu.memory_space<semaphore_mem>>) src(%dma_wait3A_164 : memref<512xi32, #tpu.memory_space<hbm>>) dst(%arg8 : memref<512xi32, #tpu.memory_space<vmem>>)
      tpu.yield
    }) : () -> ()
    %dma_start3A_27 = arith.constant 0 : i32
    %dma_start3A_28 = arith.constant 0 : i32
    %dma_start3A_29 = tpu.memref_slice %arg2[%dma_start3A_27, %dma_start3A_28] : memref<409600x128xf32, #tpu.memory_space<hbm>> -> memref<409600x128xf32, #tpu.memory_space<hbm>>
    tpu.enqueue_indirect_dma source(%dma_start3A_29 : memref<409600x128xf32, #tpu.memory_space<hbm>>) target(%arg9 : memref<512x128xf32, #tpu.memory_space<vmem>>) offsets(%arg8 : memref<512xi32, #tpu.memory_space<vmem>>) semaphore(%arg10 : memref<!tpu.dma_semaphore, #tpu.memory_space<semaphore_mem>>)
    %dma_wait3A_30 = arith.constant 0 : i32
    %dma_wait3A_31 = arith.constant 0 : i32
    %dma_wait3A_32 = tpu.memref_slice %arg2[%dma_wait3A_30, %dma_wait3A_31] : memref<409600x128xf32, #tpu.memory_space<hbm>> -> memref<409600x128xf32, #tpu.memory_space<hbm>>
    tpu.wait_indirect_dma semaphore(%arg10 : memref<!tpu.dma_semaphore, #tpu.memory_space<semaphore_mem>>) src(%dma_wait3A_32 : memref<409600x128xf32, #tpu.memory_space<hbm>>) dst(%arg9 : memref<512x128xf32, #tpu.memory_space<vmem>>)
    "tpu.region"() ({
      %run_scoped3A = tpu.sem_alloc : memref<!tpu.dma_semaphore, #tpu.memory_space<semaphore_mem>>
      %dma_start3A_161 = arith.constant 0 : i32
      %dma_start3A_162 = tpu.memref_slice %arg6[%add3A_26, %dma_start3A_161] : memref<163840x128xf32, #tpu.memory_space<hbm>> -> memref<512x128xf32, #tpu.memory_space<hbm>>
      %dma_start3A_163 = arith.constant 0 : i32
      %dma_start3A_164 = tpu.memref_slice %arg6[%add3A_26, %dma_start3A_163] : memref<163840x128xf32, #tpu.memory_space<hbm>> -> memref<512x128xf32, #tpu.memory_space<hbm>>
      tpu.enqueue_dma source(%arg9 : memref<512x128xf32, #tpu.memory_space<vmem>>) target(%dma_start3A_164 : memref<512x128xf32, #tpu.memory_space<hbm>>) target_semaphore(%run_scoped3A : memref<!tpu.dma_semaphore, #tpu.memory_space<semaphore_mem>>)
      %dma_wait3A_165 = arith.constant 0 : i32
      %dma_wait3A_166 = tpu.memref_slice %arg6[%add3A_26, %dma_wait3A_165] : memref<163840x128xf32, #tpu.memory_space<hbm>> -> memref<512x128xf32, #tpu.memory_space<hbm>>
      %dma_wait3A_167 = arith.constant 0 : i32
      %dma_wait3A_168 = tpu.memref_slice %arg6[%add3A_26, %dma_wait3A_167] : memref<163840x128xf32, #tpu.memory_space<hbm>> -> memref<512x128xf32, #tpu.memory_space<hbm>>
      tpu.wait_dma2 semaphore(%run_scoped3A : memref<!tpu.dma_semaphore, #tpu.memory_space<semaphore_mem>>) src(%arg9 : memref<512x128xf32, #tpu.memory_space<vmem>>) dst(%dma_wait3A_168 : memref<512x128xf32, #tpu.memory_space<hbm>>)
      tpu.yield
    }) : () -> ()
    %add3A_33 = arith.constant 2048 : i32
    %add3A_34 = arith.addi %mul3A_2, %add3A_33 : i32
    "tpu.region"() ({
      %run_scoped3A = tpu.sem_alloc : memref<!tpu.dma_semaphore, #tpu.memory_space<semaphore_mem>>
      %dma_start3A_161 = tpu.memref_slice %arg4[%add3A_34] : memref<163840xi32, #tpu.memory_space<hbm>> -> memref<512xi32, #tpu.memory_space<hbm>>
      %dma_start3A_162 = tpu.memref_slice %arg4[%add3A_34] : memref<163840xi32, #tpu.memory_space<hbm>> -> memref<512xi32, #tpu.memory_space<hbm>>
      tpu.enqueue_dma source(%dma_start3A_162 : memref<512xi32, #tpu.memory_space<hbm>>) target(%arg8 : memref<512xi32, #tpu.memory_space<vmem>>) target_semaphore(%run_scoped3A : memref<!tpu.dma_semaphore, #tpu.memory_space<semaphore_mem>>)
      %dma_wait3A_163 = tpu.memref_slice %arg4[%add3A_34] : memref<163840xi32, #tpu.memory_space<hbm>> -> memref<512xi32, #tpu.memory_space<hbm>>
      %dma_wait3A_164 = tpu.memref_slice %arg4[%add3A_34] : memref<163840xi32, #tpu.memory_space<hbm>> -> memref<512xi32, #tpu.memory_space<hbm>>
      tpu.wait_dma2 semaphore(%run_scoped3A : memref<!tpu.dma_semaphore, #tpu.memory_space<semaphore_mem>>) src(%dma_wait3A_164 : memref<512xi32, #tpu.memory_space<hbm>>) dst(%arg8 : memref<512xi32, #tpu.memory_space<vmem>>)
      tpu.yield
    }) : () -> ()
    %dma_start3A_35 = arith.constant 0 : i32
    %dma_start3A_36 = arith.constant 0 : i32
    %dma_start3A_37 = tpu.memref_slice %arg2[%dma_start3A_35, %dma_start3A_36] : memref<409600x128xf32, #tpu.memory_space<hbm>> -> memref<409600x128xf32, #tpu.memory_space<hbm>>
    tpu.enqueue_indirect_dma source(%dma_start3A_37 : memref<409600x128xf32, #tpu.memory_space<hbm>>) target(%arg9 : memref<512x128xf32, #tpu.memory_space<vmem>>) offsets(%arg8 : memref<512xi32, #tpu.memory_space<vmem>>) semaphore(%arg10 : memref<!tpu.dma_semaphore, #tpu.memory_space<semaphore_mem>>)
    %dma_wait3A_38 = arith.constant 0 : i32
    %dma_wait3A_39 = arith.constant 0 : i32
    %dma_wait3A_40 = tpu.memref_slice %arg2[%dma_wait3A_38, %dma_wait3A_39] : memref<409600x128xf32, #tpu.memory_space<hbm>> -> memref<409600x128xf32, #tpu.memory_space<hbm>>
    tpu.wait_indirect_dma semaphore(%arg10 : memref<!tpu.dma_semaphore, #tpu.memory_space<semaphore_mem>>) src(%dma_wait3A_40 : memref<409600x128xf32, #tpu.memory_space<hbm>>) dst(%arg9 : memref<512x128xf32, #tpu.memory_space<vmem>>)
    "tpu.region"() ({
      %run_scoped3A = tpu.sem_alloc : memref<!tpu.dma_semaphore, #tpu.memory_space<semaphore_mem>>
      %dma_start3A_161 = arith.constant 0 : i32
      %dma_start3A_162 = tpu.memref_slice %arg6[%add3A_34, %dma_start3A_161] : memref<163840x128xf32, #tpu.memory_space<hbm>> -> memref<512x128xf32, #tpu.memory_space<hbm>>
      %dma_start3A_163 = arith.constant 0 : i32
      %dma_start3A_164 = tpu.memref_slice %arg6[%add3A_34, %dma_start3A_163] : memref<163840x128xf32, #tpu.memory_space<hbm>> -> memref<512x128xf32, #tpu.memory_space<hbm>>
      tpu.enqueue_dma source(%arg9 : memref<512x128xf32, #tpu.memory_space<vmem>>) target(%dma_start3A_164 : memref<512x128xf32, #tpu.memory_space<hbm>>) target_semaphore(%run_scoped3A : memref<!tpu.dma_semaphore, #tpu.memory_space<semaphore_mem>>)
      %dma_wait3A_165 = arith.constant 0 : i32
      %dma_wait3A_166 = tpu.memref_slice %arg6[%add3A_34, %dma_wait3A_165] : memref<163840x128xf32, #tpu.memory_space<hbm>> -> memref<512x128xf32, #tpu.memory_space<hbm>>
      %dma_wait3A_167 = arith.constant 0 : i32
      %dma_wait3A_168 = tpu.memref_slice %arg6[%add3A_34, %dma_wait3A_167] : memref<163840x128xf32, #tpu.memory_space<hbm>> -> memref<512x128xf32, #tpu.memory_space<hbm>>
      tpu.wait_dma2 semaphore(%run_scoped3A : memref<!tpu.dma_semaphore, #tpu.memory_space<semaphore_mem>>) src(%arg9 : memref<512x128xf32, #tpu.memory_space<vmem>>) dst(%dma_wait3A_168 : memref<512x128xf32, #tpu.memory_space<hbm>>)
      tpu.yield
    }) : () -> ()
    %add3A_41 = arith.constant 2560 : i32
    %add3A_42 = arith.addi %mul3A_2, %add3A_41 : i32
    "tpu.region"() ({
      %run_scoped3A = tpu.sem_alloc : memref<!tpu.dma_semaphore, #tpu.memory_space<semaphore_mem>>
      %dma_start3A_161 = tpu.memref_slice %arg4[%add3A_42] : memref<163840xi32, #tpu.memory_space<hbm>> -> memref<512xi32, #tpu.memory_space<hbm>>
      %dma_start3A_162 = tpu.memref_slice %arg4[%add3A_42] : memref<163840xi32, #tpu.memory_space<hbm>> -> memref<512xi32, #tpu.memory_space<hbm>>
      tpu.enqueue_dma source(%dma_start3A_162 : memref<512xi32, #tpu.memory_space<hbm>>) target(%arg8 : memref<512xi32, #tpu.memory_space<vmem>>) target_semaphore(%run_scoped3A : memref<!tpu.dma_semaphore, #tpu.memory_space<semaphore_mem>>)
      %dma_wait3A_163 = tpu.memref_slice %arg4[%add3A_42] : memref<163840xi32, #tpu.memory_space<hbm>> -> memref<512xi32, #tpu.memory_space<hbm>>
      %dma_wait3A_164 = tpu.memref_slice %arg4[%add3A_42] : memref<163840xi32, #tpu.memory_space<hbm>> -> memref<512xi32, #tpu.memory_space<hbm>>
      tpu.wait_dma2 semaphore(%run_scoped3A : memref<!tpu.dma_semaphore, #tpu.memory_space<semaphore_mem>>) src(%dma_wait3A_164 : memref<512xi32, #tpu.memory_space<hbm>>) dst(%arg8 : memref<512xi32, #tpu.memory_space<vmem>>)
      tpu.yield
    }) : () -> ()
    %dma_start3A_43 = arith.constant 0 : i32
    %dma_start3A_44 = arith.constant 0 : i32
    %dma_start3A_45 = tpu.memref_slice %arg2[%dma_start3A_43, %dma_start3A_44] : memref<409600x128xf32, #tpu.memory_space<hbm>> -> memref<409600x128xf32, #tpu.memory_space<hbm>>
    tpu.enqueue_indirect_dma source(%dma_start3A_45 : memref<409600x128xf32, #tpu.memory_space<hbm>>) target(%arg9 : memref<512x128xf32, #tpu.memory_space<vmem>>) offsets(%arg8 : memref<512xi32, #tpu.memory_space<vmem>>) semaphore(%arg10 : memref<!tpu.dma_semaphore, #tpu.memory_space<semaphore_mem>>)
    %dma_wait3A_46 = arith.constant 0 : i32
    %dma_wait3A_47 = arith.constant 0 : i32
    %dma_wait3A_48 = tpu.memref_slice %arg2[%dma_wait3A_46, %dma_wait3A_47] : memref<409600x128xf32, #tpu.memory_space<hbm>> -> memref<409600x128xf32, #tpu.memory_space<hbm>>
    tpu.wait_indirect_dma semaphore(%arg10 : memref<!tpu.dma_semaphore, #tpu.memory_space<semaphore_mem>>) src(%dma_wait3A_48 : memref<409600x128xf32, #tpu.memory_space<hbm>>) dst(%arg9 : memref<512x128xf32, #tpu.memory_space<vmem>>)
    "tpu.region"() ({
      %run_scoped3A = tpu.sem_alloc : memref<!tpu.dma_semaphore, #tpu.memory_space<semaphore_mem>>
      %dma_start3A_161 = arith.constant 0 : i32
      %dma_start3A_162 = tpu.memref_slice %arg6[%add3A_42, %dma_start3A_161] : memref<163840x128xf32, #tpu.memory_space<hbm>> -> memref<512x128xf32, #tpu.memory_space<hbm>>
      %dma_start3A_163 = arith.constant 0 : i32
      %dma_start3A_164 = tpu.memref_slice %arg6[%add3A_42, %dma_start3A_163] : memref<163840x128xf32, #tpu.memory_space<hbm>> -> memref<512x128xf32, #tpu.memory_space<hbm>>
      tpu.enqueue_dma source(%arg9 : memref<512x128xf32, #tpu.memory_space<vmem>>) target(%dma_start3A_164 : memref<512x128xf32, #tpu.memory_space<hbm>>) target_semaphore(%run_scoped3A : memref<!tpu.dma_semaphore, #tpu.memory_space<semaphore_mem>>)
      %dma_wait3A_165 = arith.constant 0 : i32
      %dma_wait3A_166 = tpu.memref_slice %arg6[%add3A_42, %dma_wait3A_165] : memref<163840x128xf32, #tpu.memory_space<hbm>> -> memref<512x128xf32, #tpu.memory_space<hbm>>
      %dma_wait3A_167 = arith.constant 0 : i32
      %dma_wait3A_168 = tpu.memref_slice %arg6[%add3A_42, %dma_wait3A_167] : memref<163840x128xf32, #tpu.memory_space<hbm>> -> memref<512x128xf32, #tpu.memory_space<hbm>>
      tpu.wait_dma2 semaphore(%run_scoped3A : memref<!tpu.dma_semaphore, #tpu.memory_space<semaphore_mem>>) src(%arg9 : memref<512x128xf32, #tpu.memory_space<vmem>>) dst(%dma_wait3A_168 : memref<512x128xf32, #tpu.memory_space<hbm>>)
      tpu.yield
    }) : () -> ()
    %add3A_49 = arith.constant 3072 : i32
    %add3A_50 = arith.addi %mul3A_2, %add3A_49 : i32
    "tpu.region"() ({
      %run_scoped3A = tpu.sem_alloc : memref<!tpu.dma_semaphore, #tpu.memory_space<semaphore_mem>>
      %dma_start3A_161 = tpu.memref_slice %arg4[%add3A_50] : memref<163840xi32, #tpu.memory_space<hbm>> -> memref<512xi32, #tpu.memory_space<hbm>>
      %dma_start3A_162 = tpu.memref_slice %arg4[%add3A_50] : memref<163840xi32, #tpu.memory_space<hbm>> -> memref<512xi32, #tpu.memory_space<hbm>>
      tpu.enqueue_dma source(%dma_start3A_162 : memref<512xi32, #tpu.memory_space<hbm>>) target(%arg8 : memref<512xi32, #tpu.memory_space<vmem>>) target_semaphore(%run_scoped3A : memref<!tpu.dma_semaphore, #tpu.memory_space<semaphore_mem>>)
      %dma_wait3A_163 = tpu.memref_slice %arg4[%add3A_50] : memref<163840xi32, #tpu.memory_space<hbm>> -> memref<512xi32, #tpu.memory_space<hbm>>
      %dma_wait3A_164 = tpu.memref_slice %arg4[%add3A_50] : memref<163840xi32, #tpu.memory_space<hbm>> -> memref<512xi32, #tpu.memory_space<hbm>>
      tpu.wait_dma2 semaphore(%run_scoped3A : memref<!tpu.dma_semaphore, #tpu.memory_space<semaphore_mem>>) src(%dma_wait3A_164 : memref<512xi32, #tpu.memory_space<hbm>>) dst(%arg8 : memref<512xi32, #tpu.memory_space<vmem>>)
      tpu.yield
    }) : () -> ()
    %dma_start3A_51 = arith.constant 0 : i32
    %dma_start3A_52 = arith.constant 0 : i32
    %dma_start3A_53 = tpu.memref_slice %arg2[%dma_start3A_51, %dma_start3A_52] : memref<409600x128xf32, #tpu.memory_space<hbm>> -> memref<409600x128xf32, #tpu.memory_space<hbm>>
    tpu.enqueue_indirect_dma source(%dma_start3A_53 : memref<409600x128xf32, #tpu.memory_space<hbm>>) target(%arg9 : memref<512x128xf32, #tpu.memory_space<vmem>>) offsets(%arg8 : memref<512xi32, #tpu.memory_space<vmem>>) semaphore(%arg10 : memref<!tpu.dma_semaphore, #tpu.memory_space<semaphore_mem>>)
    %dma_wait3A_54 = arith.constant 0 : i32
    %dma_wait3A_55 = arith.constant 0 : i32
    %dma_wait3A_56 = tpu.memref_slice %arg2[%dma_wait3A_54, %dma_wait3A_55] : memref<409600x128xf32, #tpu.memory_space<hbm>> -> memref<409600x128xf32, #tpu.memory_space<hbm>>
    tpu.wait_indirect_dma semaphore(%arg10 : memref<!tpu.dma_semaphore, #tpu.memory_space<semaphore_mem>>) src(%dma_wait3A_56 : memref<409600x128xf32, #tpu.memory_space<hbm>>) dst(%arg9 : memref<512x128xf32, #tpu.memory_space<vmem>>)
    "tpu.region"() ({
      %run_scoped3A = tpu.sem_alloc : memref<!tpu.dma_semaphore, #tpu.memory_space<semaphore_mem>>
      %dma_start3A_161 = arith.constant 0 : i32
      %dma_start3A_162 = tpu.memref_slice %arg6[%add3A_50, %dma_start3A_161] : memref<163840x128xf32, #tpu.memory_space<hbm>> -> memref<512x128xf32, #tpu.memory_space<hbm>>
      %dma_start3A_163 = arith.constant 0 : i32
      %dma_start3A_164 = tpu.memref_slice %arg6[%add3A_50, %dma_start3A_163] : memref<163840x128xf32, #tpu.memory_space<hbm>> -> memref<512x128xf32, #tpu.memory_space<hbm>>
      tpu.enqueue_dma source(%arg9 : memref<512x128xf32, #tpu.memory_space<vmem>>) target(%dma_start3A_164 : memref<512x128xf32, #tpu.memory_space<hbm>>) target_semaphore(%run_scoped3A : memref<!tpu.dma_semaphore, #tpu.memory_space<semaphore_mem>>)
      %dma_wait3A_165 = arith.constant 0 : i32
      %dma_wait3A_166 = tpu.memref_slice %arg6[%add3A_50, %dma_wait3A_165] : memref<163840x128xf32, #tpu.memory_space<hbm>> -> memref<512x128xf32, #tpu.memory_space<hbm>>
      %dma_wait3A_167 = arith.constant 0 : i32
      %dma_wait3A_168 = tpu.memref_slice %arg6[%add3A_50, %dma_wait3A_167] : memref<163840x128xf32, #tpu.memory_space<hbm>> -> memref<512x128xf32, #tpu.memory_space<hbm>>
      tpu.wait_dma2 semaphore(%run_scoped3A : memref<!tpu.dma_semaphore, #tpu.memory_space<semaphore_mem>>) src(%arg9 : memref<512x128xf32, #tpu.memory_space<vmem>>) dst(%dma_wait3A_168 : memref<512x128xf32, #tpu.memory_space<hbm>>)
      tpu.yield
    }) : () -> ()
    %add3A_57 = arith.constant 3584 : i32
    %add3A_58 = arith.addi %mul3A_2, %add3A_57 : i32
    "tpu.region"() ({
      %run_scoped3A = tpu.sem_alloc : memref<!tpu.dma_semaphore, #tpu.memory_space<semaphore_mem>>
      %dma_start3A_161 = tpu.memref_slice %arg4[%add3A_58] : memref<163840xi32, #tpu.memory_space<hbm>> -> memref<512xi32, #tpu.memory_space<hbm>>
      %dma_start3A_162 = tpu.memref_slice %arg4[%add3A_58] : memref<163840xi32, #tpu.memory_space<hbm>> -> memref<512xi32, #tpu.memory_space<hbm>>
      tpu.enqueue_dma source(%dma_start3A_162 : memref<512xi32, #tpu.memory_space<hbm>>) target(%arg8 : memref<512xi32, #tpu.memory_space<vmem>>) target_semaphore(%run_scoped3A : memref<!tpu.dma_semaphore, #tpu.memory_space<semaphore_mem>>)
      %dma_wait3A_163 = tpu.memref_slice %arg4[%add3A_58] : memref<163840xi32, #tpu.memory_space<hbm>> -> memref<512xi32, #tpu.memory_space<hbm>>
      %dma_wait3A_164 = tpu.memref_slice %arg4[%add3A_58] : memref<163840xi32, #tpu.memory_space<hbm>> -> memref<512xi32, #tpu.memory_space<hbm>>
      tpu.wait_dma2 semaphore(%run_scoped3A : memref<!tpu.dma_semaphore, #tpu.memory_space<semaphore_mem>>) src(%dma_wait3A_164 : memref<512xi32, #tpu.memory_space<hbm>>) dst(%arg8 : memref<512xi32, #tpu.memory_space<vmem>>)
      tpu.yield
    }) : () -> ()
    %dma_start3A_59 = arith.constant 0 : i32
    %dma_start3A_60 = arith.constant 0 : i32
    %dma_start3A_61 = tpu.memref_slice %arg2[%dma_start3A_59, %dma_start3A_60] : memref<409600x128xf32, #tpu.memory_space<hbm>> -> memref<409600x128xf32, #tpu.memory_space<hbm>>
    tpu.enqueue_indirect_dma source(%dma_start3A_61 : memref<409600x128xf32, #tpu.memory_space<hbm>>) target(%arg9 : memref<512x128xf32, #tpu.memory_space<vmem>>) offsets(%arg8 : memref<512xi32, #tpu.memory_space<vmem>>) semaphore(%arg10 : memref<!tpu.dma_semaphore, #tpu.memory_space<semaphore_mem>>)
    %dma_wait3A_62 = arith.constant 0 : i32
    %dma_wait3A_63 = arith.constant 0 : i32
    %dma_wait3A_64 = tpu.memref_slice %arg2[%dma_wait3A_62, %dma_wait3A_63] : memref<409600x128xf32, #tpu.memory_space<hbm>> -> memref<409600x128xf32, #tpu.memory_space<hbm>>
    tpu.wait_indirect_dma semaphore(%arg10 : memref<!tpu.dma_semaphore, #tpu.memory_space<semaphore_mem>>) src(%dma_wait3A_64 : memref<409600x128xf32, #tpu.memory_space<hbm>>) dst(%arg9 : memref<512x128xf32, #tpu.memory_space<vmem>>)
    "tpu.region"() ({
      %run_scoped3A = tpu.sem_alloc : memref<!tpu.dma_semaphore, #tpu.memory_space<semaphore_mem>>
      %dma_start3A_161 = arith.constant 0 : i32
      %dma_start3A_162 = tpu.memref_slice %arg6[%add3A_58, %dma_start3A_161] : memref<163840x128xf32, #tpu.memory_space<hbm>> -> memref<512x128xf32, #tpu.memory_space<hbm>>
      %dma_start3A_163 = arith.constant 0 : i32
      %dma_start3A_164 = tpu.memref_slice %arg6[%add3A_58, %dma_start3A_163] : memref<163840x128xf32, #tpu.memory_space<hbm>> -> memref<512x128xf32, #tpu.memory_space<hbm>>
      tpu.enqueue_dma source(%arg9 : memref<512x128xf32, #tpu.memory_space<vmem>>) target(%dma_start3A_164 : memref<512x128xf32, #tpu.memory_space<hbm>>) target_semaphore(%run_scoped3A : memref<!tpu.dma_semaphore, #tpu.memory_space<semaphore_mem>>)
      %dma_wait3A_165 = arith.constant 0 : i32
      %dma_wait3A_166 = tpu.memref_slice %arg6[%add3A_58, %dma_wait3A_165] : memref<163840x128xf32, #tpu.memory_space<hbm>> -> memref<512x128xf32, #tpu.memory_space<hbm>>
      %dma_wait3A_167 = arith.constant 0 : i32
      %dma_wait3A_168 = tpu.memref_slice %arg6[%add3A_58, %dma_wait3A_167] : memref<163840x128xf32, #tpu.memory_space<hbm>> -> memref<512x128xf32, #tpu.memory_space<hbm>>
      tpu.wait_dma2 semaphore(%run_scoped3A : memref<!tpu.dma_semaphore, #tpu.memory_space<semaphore_mem>>) src(%arg9 : memref<512x128xf32, #tpu.memory_space<vmem>>) dst(%dma_wait3A_168 : memref<512x128xf32, #tpu.memory_space<hbm>>)
      tpu.yield
    }) : () -> ()
    %add3A_65 = arith.constant 4096 : i32
    %add3A_66 = arith.addi %mul3A_2, %add3A_65 : i32
    "tpu.region"() ({
      %run_scoped3A = tpu.sem_alloc : memref<!tpu.dma_semaphore, #tpu.memory_space<semaphore_mem>>
      %dma_start3A_161 = tpu.memref_slice %arg4[%add3A_66] : memref<163840xi32, #tpu.memory_space<hbm>> -> memref<512xi32, #tpu.memory_space<hbm>>
      %dma_start3A_162 = tpu.memref_slice %arg4[%add3A_66] : memref<163840xi32, #tpu.memory_space<hbm>> -> memref<512xi32, #tpu.memory_space<hbm>>
      tpu.enqueue_dma source(%dma_start3A_162 : memref<512xi32, #tpu.memory_space<hbm>>) target(%arg8 : memref<512xi32, #tpu.memory_space<vmem>>) target_semaphore(%run_scoped3A : memref<!tpu.dma_semaphore, #tpu.memory_space<semaphore_mem>>)
      %dma_wait3A_163 = tpu.memref_slice %arg4[%add3A_66] : memref<163840xi32, #tpu.memory_space<hbm>> -> memref<512xi32, #tpu.memory_space<hbm>>
      %dma_wait3A_164 = tpu.memref_slice %arg4[%add3A_66] : memref<163840xi32, #tpu.memory_space<hbm>> -> memref<512xi32, #tpu.memory_space<hbm>>
      tpu.wait_dma2 semaphore(%run_scoped3A : memref<!tpu.dma_semaphore, #tpu.memory_space<semaphore_mem>>) src(%dma_wait3A_164 : memref<512xi32, #tpu.memory_space<hbm>>) dst(%arg8 : memref<512xi32, #tpu.memory_space<vmem>>)
      tpu.yield
    }) : () -> ()
    %dma_start3A_67 = arith.constant 0 : i32
    %dma_start3A_68 = arith.constant 0 : i32
    %dma_start3A_69 = tpu.memref_slice %arg2[%dma_start3A_67, %dma_start3A_68] : memref<409600x128xf32, #tpu.memory_space<hbm>> -> memref<409600x128xf32, #tpu.memory_space<hbm>>
    tpu.enqueue_indirect_dma source(%dma_start3A_69 : memref<409600x128xf32, #tpu.memory_space<hbm>>) target(%arg9 : memref<512x128xf32, #tpu.memory_space<vmem>>) offsets(%arg8 : memref<512xi32, #tpu.memory_space<vmem>>) semaphore(%arg10 : memref<!tpu.dma_semaphore, #tpu.memory_space<semaphore_mem>>)
    %dma_wait3A_70 = arith.constant 0 : i32
    %dma_wait3A_71 = arith.constant 0 : i32
    %dma_wait3A_72 = tpu.memref_slice %arg2[%dma_wait3A_70, %dma_wait3A_71] : memref<409600x128xf32, #tpu.memory_space<hbm>> -> memref<409600x128xf32, #tpu.memory_space<hbm>>
    tpu.wait_indirect_dma semaphore(%arg10 : memref<!tpu.dma_semaphore, #tpu.memory_space<semaphore_mem>>) src(%dma_wait3A_72 : memref<409600x128xf32, #tpu.memory_space<hbm>>) dst(%arg9 : memref<512x128xf32, #tpu.memory_space<vmem>>)
    "tpu.region"() ({
      %run_scoped3A = tpu.sem_alloc : memref<!tpu.dma_semaphore, #tpu.memory_space<semaphore_mem>>
      %dma_start3A_161 = arith.constant 0 : i32
      %dma_start3A_162 = tpu.memref_slice %arg6[%add3A_66, %dma_start3A_161] : memref<163840x128xf32, #tpu.memory_space<hbm>> -> memref<512x128xf32, #tpu.memory_space<hbm>>
      %dma_start3A_163 = arith.constant 0 : i32
      %dma_start3A_164 = tpu.memref_slice %arg6[%add3A_66, %dma_start3A_163] : memref<163840x128xf32, #tpu.memory_space<hbm>> -> memref<512x128xf32, #tpu.memory_space<hbm>>
      tpu.enqueue_dma source(%arg9 : memref<512x128xf32, #tpu.memory_space<vmem>>) target(%dma_start3A_164 : memref<512x128xf32, #tpu.memory_space<hbm>>) target_semaphore(%run_scoped3A : memref<!tpu.dma_semaphore, #tpu.memory_space<semaphore_mem>>)
      %dma_wait3A_165 = arith.constant 0 : i32
      %dma_wait3A_166 = tpu.memref_slice %arg6[%add3A_66, %dma_wait3A_165] : memref<163840x128xf32, #tpu.memory_space<hbm>> -> memref<512x128xf32, #tpu.memory_space<hbm>>
      %dma_wait3A_167 = arith.constant 0 : i32
      %dma_wait3A_168 = tpu.memref_slice %arg6[%add3A_66, %dma_wait3A_167] : memref<163840x128xf32, #tpu.memory_space<hbm>> -> memref<512x128xf32, #tpu.memory_space<hbm>>
      tpu.wait_dma2 semaphore(%run_scoped3A : memref<!tpu.dma_semaphore, #tpu.memory_space<semaphore_mem>>) src(%arg9 : memref<512x128xf32, #tpu.memory_space<vmem>>) dst(%dma_wait3A_168 : memref<512x128xf32, #tpu.memory_space<hbm>>)
      tpu.yield
    }) : () -> ()
    %add3A_73 = arith.constant 4608 : i32
    %add3A_74 = arith.addi %mul3A_2, %add3A_73 : i32
    "tpu.region"() ({
      %run_scoped3A = tpu.sem_alloc : memref<!tpu.dma_semaphore, #tpu.memory_space<semaphore_mem>>
      %dma_start3A_161 = tpu.memref_slice %arg4[%add3A_74] : memref<163840xi32, #tpu.memory_space<hbm>> -> memref<512xi32, #tpu.memory_space<hbm>>
      %dma_start3A_162 = tpu.memref_slice %arg4[%add3A_74] : memref<163840xi32, #tpu.memory_space<hbm>> -> memref<512xi32, #tpu.memory_space<hbm>>
      tpu.enqueue_dma source(%dma_start3A_162 : memref<512xi32, #tpu.memory_space<hbm>>) target(%arg8 : memref<512xi32, #tpu.memory_space<vmem>>) target_semaphore(%run_scoped3A : memref<!tpu.dma_semaphore, #tpu.memory_space<semaphore_mem>>)
      %dma_wait3A_163 = tpu.memref_slice %arg4[%add3A_74] : memref<163840xi32, #tpu.memory_space<hbm>> -> memref<512xi32, #tpu.memory_space<hbm>>
      %dma_wait3A_164 = tpu.memref_slice %arg4[%add3A_74] : memref<163840xi32, #tpu.memory_space<hbm>> -> memref<512xi32, #tpu.memory_space<hbm>>
      tpu.wait_dma2 semaphore(%run_scoped3A : memref<!tpu.dma_semaphore, #tpu.memory_space<semaphore_mem>>) src(%dma_wait3A_164 : memref<512xi32, #tpu.memory_space<hbm>>) dst(%arg8 : memref<512xi32, #tpu.memory_space<vmem>>)
      tpu.yield
    }) : () -> ()
    %dma_start3A_75 = arith.constant 0 : i32
    %dma_start3A_76 = arith.constant 0 : i32
    %dma_start3A_77 = tpu.memref_slice %arg2[%dma_start3A_75, %dma_start3A_76] : memref<409600x128xf32, #tpu.memory_space<hbm>> -> memref<409600x128xf32, #tpu.memory_space<hbm>>
    tpu.enqueue_indirect_dma source(%dma_start3A_77 : memref<409600x128xf32, #tpu.memory_space<hbm>>) target(%arg9 : memref<512x128xf32, #tpu.memory_space<vmem>>) offsets(%arg8 : memref<512xi32, #tpu.memory_space<vmem>>) semaphore(%arg10 : memref<!tpu.dma_semaphore, #tpu.memory_space<semaphore_mem>>)
    %dma_wait3A_78 = arith.constant 0 : i32
    %dma_wait3A_79 = arith.constant 0 : i32
    %dma_wait3A_80 = tpu.memref_slice %arg2[%dma_wait3A_78, %dma_wait3A_79] : memref<409600x128xf32, #tpu.memory_space<hbm>> -> memref<409600x128xf32, #tpu.memory_space<hbm>>
    tpu.wait_indirect_dma semaphore(%arg10 : memref<!tpu.dma_semaphore, #tpu.memory_space<semaphore_mem>>) src(%dma_wait3A_80 : memref<409600x128xf32, #tpu.memory_space<hbm>>) dst(%arg9 : memref<512x128xf32, #tpu.memory_space<vmem>>)
    "tpu.region"() ({
      %run_scoped3A = tpu.sem_alloc : memref<!tpu.dma_semaphore, #tpu.memory_space<semaphore_mem>>
      %dma_start3A_161 = arith.constant 0 : i32
      %dma_start3A_162 = tpu.memref_slice %arg6[%add3A_74, %dma_start3A_161] : memref<163840x128xf32, #tpu.memory_space<hbm>> -> memref<512x128xf32, #tpu.memory_space<hbm>>
      %dma_start3A_163 = arith.constant 0 : i32
      %dma_start3A_164 = tpu.memref_slice %arg6[%add3A_74, %dma_start3A_163] : memref<163840x128xf32, #tpu.memory_space<hbm>> -> memref<512x128xf32, #tpu.memory_space<hbm>>
      tpu.enqueue_dma source(%arg9 : memref<512x128xf32, #tpu.memory_space<vmem>>) target(%dma_start3A_164 : memref<512x128xf32, #tpu.memory_space<hbm>>) target_semaphore(%run_scoped3A : memref<!tpu.dma_semaphore, #tpu.memory_space<semaphore_mem>>)
      %dma_wait3A_165 = arith.constant 0 : i32
      %dma_wait3A_166 = tpu.memref_slice %arg6[%add3A_74, %dma_wait3A_165] : memref<163840x128xf32, #tpu.memory_space<hbm>> -> memref<512x128xf32, #tpu.memory_space<hbm>>
      %dma_wait3A_167 = arith.constant 0 : i32
      %dma_wait3A_168 = tpu.memref_slice %arg6[%add3A_74, %dma_wait3A_167] : memref<163840x128xf32, #tpu.memory_space<hbm>> -> memref<512x128xf32, #tpu.memory_space<hbm>>
      tpu.wait_dma2 semaphore(%run_scoped3A : memref<!tpu.dma_semaphore, #tpu.memory_space<semaphore_mem>>) src(%arg9 : memref<512x128xf32, #tpu.memory_space<vmem>>) dst(%dma_wait3A_168 : memref<512x128xf32, #tpu.memory_space<hbm>>)
      tpu.yield
    }) : () -> ()
    %add3A_81 = arith.constant 0 : i32
    %add3A_82 = arith.addi %mul3A_2, %add3A_81 : i32
    "tpu.region"() ({
      %run_scoped3A = tpu.sem_alloc : memref<!tpu.dma_semaphore, #tpu.memory_space<semaphore_mem>>
      %dma_start3A_161 = tpu.memref_slice %arg5[%add3A_82] : memref<163840xi32, #tpu.memory_space<hbm>> -> memref<512xi32, #tpu.memory_space<hbm>>
      %dma_start3A_162 = tpu.memref_slice %arg5[%add3A_82] : memref<163840xi32, #tpu.memory_space<hbm>> -> memref<512xi32, #tpu.memory_space<hbm>>
      tpu.enqueue_dma source(%dma_start3A_162 : memref<512xi32, #tpu.memory_space<hbm>>) target(%arg8 : memref<512xi32, #tpu.memory_space<vmem>>) target_semaphore(%run_scoped3A : memref<!tpu.dma_semaphore, #tpu.memory_space<semaphore_mem>>)
      %dma_wait3A_163 = tpu.memref_slice %arg5[%add3A_82] : memref<163840xi32, #tpu.memory_space<hbm>> -> memref<512xi32, #tpu.memory_space<hbm>>
      %dma_wait3A_164 = tpu.memref_slice %arg5[%add3A_82] : memref<163840xi32, #tpu.memory_space<hbm>> -> memref<512xi32, #tpu.memory_space<hbm>>
      tpu.wait_dma2 semaphore(%run_scoped3A : memref<!tpu.dma_semaphore, #tpu.memory_space<semaphore_mem>>) src(%dma_wait3A_164 : memref<512xi32, #tpu.memory_space<hbm>>) dst(%arg8 : memref<512xi32, #tpu.memory_space<vmem>>)
      tpu.yield
    }) : () -> ()
    %dma_start3A_83 = arith.constant 0 : i32
    %dma_start3A_84 = arith.constant 0 : i32
    %dma_start3A_85 = tpu.memref_slice %arg3[%dma_start3A_83, %dma_start3A_84] : memref<106496x128xf32, #tpu.memory_space<hbm>> -> memref<106496x128xf32, #tpu.memory_space<hbm>>
    tpu.enqueue_indirect_dma source(%dma_start3A_85 : memref<106496x128xf32, #tpu.memory_space<hbm>>) target(%arg9 : memref<512x128xf32, #tpu.memory_space<vmem>>) offsets(%arg8 : memref<512xi32, #tpu.memory_space<vmem>>) semaphore(%arg10 : memref<!tpu.dma_semaphore, #tpu.memory_space<semaphore_mem>>)
    %dma_wait3A_86 = arith.constant 0 : i32
    %dma_wait3A_87 = arith.constant 0 : i32
    %dma_wait3A_88 = tpu.memref_slice %arg3[%dma_wait3A_86, %dma_wait3A_87] : memref<106496x128xf32, #tpu.memory_space<hbm>> -> memref<106496x128xf32, #tpu.memory_space<hbm>>
    tpu.wait_indirect_dma semaphore(%arg10 : memref<!tpu.dma_semaphore, #tpu.memory_space<semaphore_mem>>) src(%dma_wait3A_88 : memref<106496x128xf32, #tpu.memory_space<hbm>>) dst(%arg9 : memref<512x128xf32, #tpu.memory_space<vmem>>)
    "tpu.region"() ({
      %run_scoped3A = tpu.sem_alloc : memref<!tpu.dma_semaphore, #tpu.memory_space<semaphore_mem>>
      %dma_start3A_161 = arith.constant 0 : i32
      %dma_start3A_162 = tpu.memref_slice %arg7[%add3A_82, %dma_start3A_161] : memref<163840x128xf32, #tpu.memory_space<hbm>> -> memref<512x128xf32, #tpu.memory_space<hbm>>
      %dma_start3A_163 = arith.constant 0 : i32
      %dma_start3A_164 = tpu.memref_slice %arg7[%add3A_82, %dma_start3A_163] : memref<163840x128xf32, #tpu.memory_space<hbm>> -> memref<512x128xf32, #tpu.memory_space<hbm>>
      tpu.enqueue_dma source(%arg9 : memref<512x128xf32, #tpu.memory_space<vmem>>) target(%dma_start3A_164 : memref<512x128xf32, #tpu.memory_space<hbm>>) target_semaphore(%run_scoped3A : memref<!tpu.dma_semaphore, #tpu.memory_space<semaphore_mem>>)
      %dma_wait3A_165 = arith.constant 0 : i32
      %dma_wait3A_166 = tpu.memref_slice %arg7[%add3A_82, %dma_wait3A_165] : memref<163840x128xf32, #tpu.memory_space<hbm>> -> memref<512x128xf32, #tpu.memory_space<hbm>>
      %dma_wait3A_167 = arith.constant 0 : i32
      %dma_wait3A_168 = tpu.memref_slice %arg7[%add3A_82, %dma_wait3A_167] : memref<163840x128xf32, #tpu.memory_space<hbm>> -> memref<512x128xf32, #tpu.memory_space<hbm>>
      tpu.wait_dma2 semaphore(%run_scoped3A : memref<!tpu.dma_semaphore, #tpu.memory_space<semaphore_mem>>) src(%arg9 : memref<512x128xf32, #tpu.memory_space<vmem>>) dst(%dma_wait3A_168 : memref<512x128xf32, #tpu.memory_space<hbm>>)
      tpu.yield
    }) : () -> ()
    %add3A_89 = arith.constant 512 : i32
    %add3A_90 = arith.addi %mul3A_2, %add3A_89 : i32
    "tpu.region"() ({
      %run_scoped3A = tpu.sem_alloc : memref<!tpu.dma_semaphore, #tpu.memory_space<semaphore_mem>>
      %dma_start3A_161 = tpu.memref_slice %arg5[%add3A_90] : memref<163840xi32, #tpu.memory_space<hbm>> -> memref<512xi32, #tpu.memory_space<hbm>>
      %dma_start3A_162 = tpu.memref_slice %arg5[%add3A_90] : memref<163840xi32, #tpu.memory_space<hbm>> -> memref<512xi32, #tpu.memory_space<hbm>>
      tpu.enqueue_dma source(%dma_start3A_162 : memref<512xi32, #tpu.memory_space<hbm>>) target(%arg8 : memref<512xi32, #tpu.memory_space<vmem>>) target_semaphore(%run_scoped3A : memref<!tpu.dma_semaphore, #tpu.memory_space<semaphore_mem>>)
      %dma_wait3A_163 = tpu.memref_slice %arg5[%add3A_90] : memref<163840xi32, #tpu.memory_space<hbm>> -> memref<512xi32, #tpu.memory_space<hbm>>
      %dma_wait3A_164 = tpu.memref_slice %arg5[%add3A_90] : memref<163840xi32, #tpu.memory_space<hbm>> -> memref<512xi32, #tpu.memory_space<hbm>>
      tpu.wait_dma2 semaphore(%run_scoped3A : memref<!tpu.dma_semaphore, #tpu.memory_space<semaphore_mem>>) src(%dma_wait3A_164 : memref<512xi32, #tpu.memory_space<hbm>>) dst(%arg8 : memref<512xi32, #tpu.memory_space<vmem>>)
      tpu.yield
    }) : () -> ()
    %dma_start3A_91 = arith.constant 0 : i32
    %dma_start3A_92 = arith.constant 0 : i32
    %dma_start3A_93 = tpu.memref_slice %arg3[%dma_start3A_91, %dma_start3A_92] : memref<106496x128xf32, #tpu.memory_space<hbm>> -> memref<106496x128xf32, #tpu.memory_space<hbm>>
    tpu.enqueue_indirect_dma source(%dma_start3A_93 : memref<106496x128xf32, #tpu.memory_space<hbm>>) target(%arg9 : memref<512x128xf32, #tpu.memory_space<vmem>>) offsets(%arg8 : memref<512xi32, #tpu.memory_space<vmem>>) semaphore(%arg10 : memref<!tpu.dma_semaphore, #tpu.memory_space<semaphore_mem>>)
    %dma_wait3A_94 = arith.constant 0 : i32
    %dma_wait3A_95 = arith.constant 0 : i32
    %dma_wait3A_96 = tpu.memref_slice %arg3[%dma_wait3A_94, %dma_wait3A_95] : memref<106496x128xf32, #tpu.memory_space<hbm>> -> memref<106496x128xf32, #tpu.memory_space<hbm>>
    tpu.wait_indirect_dma semaphore(%arg10 : memref<!tpu.dma_semaphore, #tpu.memory_space<semaphore_mem>>) src(%dma_wait3A_96 : memref<106496x128xf32, #tpu.memory_space<hbm>>) dst(%arg9 : memref<512x128xf32, #tpu.memory_space<vmem>>)
    "tpu.region"() ({
      %run_scoped3A = tpu.sem_alloc : memref<!tpu.dma_semaphore, #tpu.memory_space<semaphore_mem>>
      %dma_start3A_161 = arith.constant 0 : i32
      %dma_start3A_162 = tpu.memref_slice %arg7[%add3A_90, %dma_start3A_161] : memref<163840x128xf32, #tpu.memory_space<hbm>> -> memref<512x128xf32, #tpu.memory_space<hbm>>
      %dma_start3A_163 = arith.constant 0 : i32
      %dma_start3A_164 = tpu.memref_slice %arg7[%add3A_90, %dma_start3A_163] : memref<163840x128xf32, #tpu.memory_space<hbm>> -> memref<512x128xf32, #tpu.memory_space<hbm>>
      tpu.enqueue_dma source(%arg9 : memref<512x128xf32, #tpu.memory_space<vmem>>) target(%dma_start3A_164 : memref<512x128xf32, #tpu.memory_space<hbm>>) target_semaphore(%run_scoped3A : memref<!tpu.dma_semaphore, #tpu.memory_space<semaphore_mem>>)
      %dma_wait3A_165 = arith.constant 0 : i32
      %dma_wait3A_166 = tpu.memref_slice %arg7[%add3A_90, %dma_wait3A_165] : memref<163840x128xf32, #tpu.memory_space<hbm>> -> memref<512x128xf32, #tpu.memory_space<hbm>>
      %dma_wait3A_167 = arith.constant 0 : i32
      %dma_wait3A_168 = tpu.memref_slice %arg7[%add3A_90, %dma_wait3A_167] : memref<163840x128xf32, #tpu.memory_space<hbm>> -> memref<512x128xf32, #tpu.memory_space<hbm>>
      tpu.wait_dma2 semaphore(%run_scoped3A : memref<!tpu.dma_semaphore, #tpu.memory_space<semaphore_mem>>) src(%arg9 : memref<512x128xf32, #tpu.memory_space<vmem>>) dst(%dma_wait3A_168 : memref<512x128xf32, #tpu.memory_space<hbm>>)
      tpu.yield
    }) : () -> ()
    %add3A_97 = arith.constant 1024 : i32
    %add3A_98 = arith.addi %mul3A_2, %add3A_97 : i32
    "tpu.region"() ({
      %run_scoped3A = tpu.sem_alloc : memref<!tpu.dma_semaphore, #tpu.memory_space<semaphore_mem>>
      %dma_start3A_161 = tpu.memref_slice %arg5[%add3A_98] : memref<163840xi32, #tpu.memory_space<hbm>> -> memref<512xi32, #tpu.memory_space<hbm>>
      %dma_start3A_162 = tpu.memref_slice %arg5[%add3A_98] : memref<163840xi32, #tpu.memory_space<hbm>> -> memref<512xi32, #tpu.memory_space<hbm>>
      tpu.enqueue_dma source(%dma_start3A_162 : memref<512xi32, #tpu.memory_space<hbm>>) target(%arg8 : memref<512xi32, #tpu.memory_space<vmem>>) target_semaphore(%run_scoped3A : memref<!tpu.dma_semaphore, #tpu.memory_space<semaphore_mem>>)
      %dma_wait3A_163 = tpu.memref_slice %arg5[%add3A_98] : memref<163840xi32, #tpu.memory_space<hbm>> -> memref<512xi32, #tpu.memory_space<hbm>>
      %dma_wait3A_164 = tpu.memref_slice %arg5[%add3A_98] : memref<163840xi32, #tpu.memory_space<hbm>> -> memref<512xi32, #tpu.memory_space<hbm>>
      tpu.wait_dma2 semaphore(%run_scoped3A : memref<!tpu.dma_semaphore, #tpu.memory_space<semaphore_mem>>) src(%dma_wait3A_164 : memref<512xi32, #tpu.memory_space<hbm>>) dst(%arg8 : memref<512xi32, #tpu.memory_space<vmem>>)
      tpu.yield
    }) : () -> ()
    %dma_start3A_99 = arith.constant 0 : i32
    %dma_start3A_100 = arith.constant 0 : i32
    %dma_start3A_101 = tpu.memref_slice %arg3[%dma_start3A_99, %dma_start3A_100] : memref<106496x128xf32, #tpu.memory_space<hbm>> -> memref<106496x128xf32, #tpu.memory_space<hbm>>
    tpu.enqueue_indirect_dma source(%dma_start3A_101 : memref<106496x128xf32, #tpu.memory_space<hbm>>) target(%arg9 : memref<512x128xf32, #tpu.memory_space<vmem>>) offsets(%arg8 : memref<512xi32, #tpu.memory_space<vmem>>) semaphore(%arg10 : memref<!tpu.dma_semaphore, #tpu.memory_space<semaphore_mem>>)
    %dma_wait3A_102 = arith.constant 0 : i32
    %dma_wait3A_103 = arith.constant 0 : i32
    %dma_wait3A_104 = tpu.memref_slice %arg3[%dma_wait3A_102, %dma_wait3A_103] : memref<106496x128xf32, #tpu.memory_space<hbm>> -> memref<106496x128xf32, #tpu.memory_space<hbm>>
    tpu.wait_indirect_dma semaphore(%arg10 : memref<!tpu.dma_semaphore, #tpu.memory_space<semaphore_mem>>) src(%dma_wait3A_104 : memref<106496x128xf32, #tpu.memory_space<hbm>>) dst(%arg9 : memref<512x128xf32, #tpu.memory_space<vmem>>)
    "tpu.region"() ({
      %run_scoped3A = tpu.sem_alloc : memref<!tpu.dma_semaphore, #tpu.memory_space<semaphore_mem>>
      %dma_start3A_161 = arith.constant 0 : i32
      %dma_start3A_162 = tpu.memref_slice %arg7[%add3A_98, %dma_start3A_161] : memref<163840x128xf32, #tpu.memory_space<hbm>> -> memref<512x128xf32, #tpu.memory_space<hbm>>
      %dma_start3A_163 = arith.constant 0 : i32
      %dma_start3A_164 = tpu.memref_slice %arg7[%add3A_98, %dma_start3A_163] : memref<163840x128xf32, #tpu.memory_space<hbm>> -> memref<512x128xf32, #tpu.memory_space<hbm>>
      tpu.enqueue_dma source(%arg9 : memref<512x128xf32, #tpu.memory_space<vmem>>) target(%dma_start3A_164 : memref<512x128xf32, #tpu.memory_space<hbm>>) target_semaphore(%run_scoped3A : memref<!tpu.dma_semaphore, #tpu.memory_space<semaphore_mem>>)
      %dma_wait3A_165 = arith.constant 0 : i32
      %dma_wait3A_166 = tpu.memref_slice %arg7[%add3A_98, %dma_wait3A_165] : memref<163840x128xf32, #tpu.memory_space<hbm>> -> memref<512x128xf32, #tpu.memory_space<hbm>>
      %dma_wait3A_167 = arith.constant 0 : i32
      %dma_wait3A_168 = tpu.memref_slice %arg7[%add3A_98, %dma_wait3A_167] : memref<163840x128xf32, #tpu.memory_space<hbm>> -> memref<512x128xf32, #tpu.memory_space<hbm>>
      tpu.wait_dma2 semaphore(%run_scoped3A : memref<!tpu.dma_semaphore, #tpu.memory_space<semaphore_mem>>) src(%arg9 : memref<512x128xf32, #tpu.memory_space<vmem>>) dst(%dma_wait3A_168 : memref<512x128xf32, #tpu.memory_space<hbm>>)
      tpu.yield
    }) : () -> ()
    %add3A_105 = arith.constant 1536 : i32
    %add3A_106 = arith.addi %mul3A_2, %add3A_105 : i32
    "tpu.region"() ({
      %run_scoped3A = tpu.sem_alloc : memref<!tpu.dma_semaphore, #tpu.memory_space<semaphore_mem>>
      %dma_start3A_161 = tpu.memref_slice %arg5[%add3A_106] : memref<163840xi32, #tpu.memory_space<hbm>> -> memref<512xi32, #tpu.memory_space<hbm>>
      %dma_start3A_162 = tpu.memref_slice %arg5[%add3A_106] : memref<163840xi32, #tpu.memory_space<hbm>> -> memref<512xi32, #tpu.memory_space<hbm>>
      tpu.enqueue_dma source(%dma_start3A_162 : memref<512xi32, #tpu.memory_space<hbm>>) target(%arg8 : memref<512xi32, #tpu.memory_space<vmem>>) target_semaphore(%run_scoped3A : memref<!tpu.dma_semaphore, #tpu.memory_space<semaphore_mem>>)
      %dma_wait3A_163 = tpu.memref_slice %arg5[%add3A_106] : memref<163840xi32, #tpu.memory_space<hbm>> -> memref<512xi32, #tpu.memory_space<hbm>>
      %dma_wait3A_164 = tpu.memref_slice %arg5[%add3A_106] : memref<163840xi32, #tpu.memory_space<hbm>> -> memref<512xi32, #tpu.memory_space<hbm>>
      tpu.wait_dma2 semaphore(%run_scoped3A : memref<!tpu.dma_semaphore, #tpu.memory_space<semaphore_mem>>) src(%dma_wait3A_164 : memref<512xi32, #tpu.memory_space<hbm>>) dst(%arg8 : memref<512xi32, #tpu.memory_space<vmem>>)
      tpu.yield
    }) : () -> ()
    %dma_start3A_107 = arith.constant 0 : i32
    %dma_start3A_108 = arith.constant 0 : i32
    %dma_start3A_109 = tpu.memref_slice %arg3[%dma_start3A_107, %dma_start3A_108] : memref<106496x128xf32, #tpu.memory_space<hbm>> -> memref<106496x128xf32, #tpu.memory_space<hbm>>
    tpu.enqueue_indirect_dma source(%dma_start3A_109 : memref<106496x128xf32, #tpu.memory_space<hbm>>) target(%arg9 : memref<512x128xf32, #tpu.memory_space<vmem>>) offsets(%arg8 : memref<512xi32, #tpu.memory_space<vmem>>) semaphore(%arg10 : memref<!tpu.dma_semaphore, #tpu.memory_space<semaphore_mem>>)
    %dma_wait3A_110 = arith.constant 0 : i32
    %dma_wait3A_111 = arith.constant 0 : i32
    %dma_wait3A_112 = tpu.memref_slice %arg3[%dma_wait3A_110, %dma_wait3A_111] : memref<106496x128xf32, #tpu.memory_space<hbm>> -> memref<106496x128xf32, #tpu.memory_space<hbm>>
    tpu.wait_indirect_dma semaphore(%arg10 : memref<!tpu.dma_semaphore, #tpu.memory_space<semaphore_mem>>) src(%dma_wait3A_112 : memref<106496x128xf32, #tpu.memory_space<hbm>>) dst(%arg9 : memref<512x128xf32, #tpu.memory_space<vmem>>)
    "tpu.region"() ({
      %run_scoped3A = tpu.sem_alloc : memref<!tpu.dma_semaphore, #tpu.memory_space<semaphore_mem>>
      %dma_start3A_161 = arith.constant 0 : i32
      %dma_start3A_162 = tpu.memref_slice %arg7[%add3A_106, %dma_start3A_161] : memref<163840x128xf32, #tpu.memory_space<hbm>> -> memref<512x128xf32, #tpu.memory_space<hbm>>
      %dma_start3A_163 = arith.constant 0 : i32
      %dma_start3A_164 = tpu.memref_slice %arg7[%add3A_106, %dma_start3A_163] : memref<163840x128xf32, #tpu.memory_space<hbm>> -> memref<512x128xf32, #tpu.memory_space<hbm>>
      tpu.enqueue_dma source(%arg9 : memref<512x128xf32, #tpu.memory_space<vmem>>) target(%dma_start3A_164 : memref<512x128xf32, #tpu.memory_space<hbm>>) target_semaphore(%run_scoped3A : memref<!tpu.dma_semaphore, #tpu.memory_space<semaphore_mem>>)
      %dma_wait3A_165 = arith.constant 0 : i32
      %dma_wait3A_166 = tpu.memref_slice %arg7[%add3A_106, %dma_wait3A_165] : memref<163840x128xf32, #tpu.memory_space<hbm>> -> memref<512x128xf32, #tpu.memory_space<hbm>>
      %dma_wait3A_167 = arith.constant 0 : i32
      %dma_wait3A_168 = tpu.memref_slice %arg7[%add3A_106, %dma_wait3A_167] : memref<163840x128xf32, #tpu.memory_space<hbm>> -> memref<512x128xf32, #tpu.memory_space<hbm>>
      tpu.wait_dma2 semaphore(%run_scoped3A : memref<!tpu.dma_semaphore, #tpu.memory_space<semaphore_mem>>) src(%arg9 : memref<512x128xf32, #tpu.memory_space<vmem>>) dst(%dma_wait3A_168 : memref<512x128xf32, #tpu.memory_space<hbm>>)
      tpu.yield
    }) : () -> ()
    %add3A_113 = arith.constant 2048 : i32
    %add3A_114 = arith.addi %mul3A_2, %add3A_113 : i32
    "tpu.region"() ({
      %run_scoped3A = tpu.sem_alloc : memref<!tpu.dma_semaphore, #tpu.memory_space<semaphore_mem>>
      %dma_start3A_161 = tpu.memref_slice %arg5[%add3A_114] : memref<163840xi32, #tpu.memory_space<hbm>> -> memref<512xi32, #tpu.memory_space<hbm>>
      %dma_start3A_162 = tpu.memref_slice %arg5[%add3A_114] : memref<163840xi32, #tpu.memory_space<hbm>> -> memref<512xi32, #tpu.memory_space<hbm>>
      tpu.enqueue_dma source(%dma_start3A_162 : memref<512xi32, #tpu.memory_space<hbm>>) target(%arg8 : memref<512xi32, #tpu.memory_space<vmem>>) target_semaphore(%run_scoped3A : memref<!tpu.dma_semaphore, #tpu.memory_space<semaphore_mem>>)
      %dma_wait3A_163 = tpu.memref_slice %arg5[%add3A_114] : memref<163840xi32, #tpu.memory_space<hbm>> -> memref<512xi32, #tpu.memory_space<hbm>>
      %dma_wait3A_164 = tpu.memref_slice %arg5[%add3A_114] : memref<163840xi32, #tpu.memory_space<hbm>> -> memref<512xi32, #tpu.memory_space<hbm>>
      tpu.wait_dma2 semaphore(%run_scoped3A : memref<!tpu.dma_semaphore, #tpu.memory_space<semaphore_mem>>) src(%dma_wait3A_164 : memref<512xi32, #tpu.memory_space<hbm>>) dst(%arg8 : memref<512xi32, #tpu.memory_space<vmem>>)
      tpu.yield
    }) : () -> ()
    %dma_start3A_115 = arith.constant 0 : i32
    %dma_start3A_116 = arith.constant 0 : i32
    %dma_start3A_117 = tpu.memref_slice %arg3[%dma_start3A_115, %dma_start3A_116] : memref<106496x128xf32, #tpu.memory_space<hbm>> -> memref<106496x128xf32, #tpu.memory_space<hbm>>
    tpu.enqueue_indirect_dma source(%dma_start3A_117 : memref<106496x128xf32, #tpu.memory_space<hbm>>) target(%arg9 : memref<512x128xf32, #tpu.memory_space<vmem>>) offsets(%arg8 : memref<512xi32, #tpu.memory_space<vmem>>) semaphore(%arg10 : memref<!tpu.dma_semaphore, #tpu.memory_space<semaphore_mem>>)
    %dma_wait3A_118 = arith.constant 0 : i32
    %dma_wait3A_119 = arith.constant 0 : i32
    %dma_wait3A_120 = tpu.memref_slice %arg3[%dma_wait3A_118, %dma_wait3A_119] : memref<106496x128xf32, #tpu.memory_space<hbm>> -> memref<106496x128xf32, #tpu.memory_space<hbm>>
    tpu.wait_indirect_dma semaphore(%arg10 : memref<!tpu.dma_semaphore, #tpu.memory_space<semaphore_mem>>) src(%dma_wait3A_120 : memref<106496x128xf32, #tpu.memory_space<hbm>>) dst(%arg9 : memref<512x128xf32, #tpu.memory_space<vmem>>)
    "tpu.region"() ({
      %run_scoped3A = tpu.sem_alloc : memref<!tpu.dma_semaphore, #tpu.memory_space<semaphore_mem>>
      %dma_start3A_161 = arith.constant 0 : i32
      %dma_start3A_162 = tpu.memref_slice %arg7[%add3A_114, %dma_start3A_161] : memref<163840x128xf32, #tpu.memory_space<hbm>> -> memref<512x128xf32, #tpu.memory_space<hbm>>
      %dma_start3A_163 = arith.constant 0 : i32
      %dma_start3A_164 = tpu.memref_slice %arg7[%add3A_114, %dma_start3A_163] : memref<163840x128xf32, #tpu.memory_space<hbm>> -> memref<512x128xf32, #tpu.memory_space<hbm>>
      tpu.enqueue_dma source(%arg9 : memref<512x128xf32, #tpu.memory_space<vmem>>) target(%dma_start3A_164 : memref<512x128xf32, #tpu.memory_space<hbm>>) target_semaphore(%run_scoped3A : memref<!tpu.dma_semaphore, #tpu.memory_space<semaphore_mem>>)
      %dma_wait3A_165 = arith.constant 0 : i32
      %dma_wait3A_166 = tpu.memref_slice %arg7[%add3A_114, %dma_wait3A_165] : memref<163840x128xf32, #tpu.memory_space<hbm>> -> memref<512x128xf32, #tpu.memory_space<hbm>>
      %dma_wait3A_167 = arith.constant 0 : i32
      %dma_wait3A_168 = tpu.memref_slice %arg7[%add3A_114, %dma_wait3A_167] : memref<163840x128xf32, #tpu.memory_space<hbm>> -> memref<512x128xf32, #tpu.memory_space<hbm>>
      tpu.wait_dma2 semaphore(%run_scoped3A : memref<!tpu.dma_semaphore, #tpu.memory_space<semaphore_mem>>) src(%arg9 : memref<512x128xf32, #tpu.memory_space<vmem>>) dst(%dma_wait3A_168 : memref<512x128xf32, #tpu.memory_space<hbm>>)
      tpu.yield
    }) : () -> ()
    %add3A_121 = arith.constant 2560 : i32
    %add3A_122 = arith.addi %mul3A_2, %add3A_121 : i32
    "tpu.region"() ({
      %run_scoped3A = tpu.sem_alloc : memref<!tpu.dma_semaphore, #tpu.memory_space<semaphore_mem>>
      %dma_start3A_161 = tpu.memref_slice %arg5[%add3A_122] : memref<163840xi32, #tpu.memory_space<hbm>> -> memref<512xi32, #tpu.memory_space<hbm>>
      %dma_start3A_162 = tpu.memref_slice %arg5[%add3A_122] : memref<163840xi32, #tpu.memory_space<hbm>> -> memref<512xi32, #tpu.memory_space<hbm>>
      tpu.enqueue_dma source(%dma_start3A_162 : memref<512xi32, #tpu.memory_space<hbm>>) target(%arg8 : memref<512xi32, #tpu.memory_space<vmem>>) target_semaphore(%run_scoped3A : memref<!tpu.dma_semaphore, #tpu.memory_space<semaphore_mem>>)
      %dma_wait3A_163 = tpu.memref_slice %arg5[%add3A_122] : memref<163840xi32, #tpu.memory_space<hbm>> -> memref<512xi32, #tpu.memory_space<hbm>>
      %dma_wait3A_164 = tpu.memref_slice %arg5[%add3A_122] : memref<163840xi32, #tpu.memory_space<hbm>> -> memref<512xi32, #tpu.memory_space<hbm>>
      tpu.wait_dma2 semaphore(%run_scoped3A : memref<!tpu.dma_semaphore, #tpu.memory_space<semaphore_mem>>) src(%dma_wait3A_164 : memref<512xi32, #tpu.memory_space<hbm>>) dst(%arg8 : memref<512xi32, #tpu.memory_space<vmem>>)
      tpu.yield
    }) : () -> ()
    %dma_start3A_123 = arith.constant 0 : i32
    %dma_start3A_124 = arith.constant 0 : i32
    %dma_start3A_125 = tpu.memref_slice %arg3[%dma_start3A_123, %dma_start3A_124] : memref<106496x128xf32, #tpu.memory_space<hbm>> -> memref<106496x128xf32, #tpu.memory_space<hbm>>
    tpu.enqueue_indirect_dma source(%dma_start3A_125 : memref<106496x128xf32, #tpu.memory_space<hbm>>) target(%arg9 : memref<512x128xf32, #tpu.memory_space<vmem>>) offsets(%arg8 : memref<512xi32, #tpu.memory_space<vmem>>) semaphore(%arg10 : memref<!tpu.dma_semaphore, #tpu.memory_space<semaphore_mem>>)
    %dma_wait3A_126 = arith.constant 0 : i32
    %dma_wait3A_127 = arith.constant 0 : i32
    %dma_wait3A_128 = tpu.memref_slice %arg3[%dma_wait3A_126, %dma_wait3A_127] : memref<106496x128xf32, #tpu.memory_space<hbm>> -> memref<106496x128xf32, #tpu.memory_space<hbm>>
    tpu.wait_indirect_dma semaphore(%arg10 : memref<!tpu.dma_semaphore, #tpu.memory_space<semaphore_mem>>) src(%dma_wait3A_128 : memref<106496x128xf32, #tpu.memory_space<hbm>>) dst(%arg9 : memref<512x128xf32, #tpu.memory_space<vmem>>)
    "tpu.region"() ({
      %run_scoped3A = tpu.sem_alloc : memref<!tpu.dma_semaphore, #tpu.memory_space<semaphore_mem>>
      %dma_start3A_161 = arith.constant 0 : i32
      %dma_start3A_162 = tpu.memref_slice %arg7[%add3A_122, %dma_start3A_161] : memref<163840x128xf32, #tpu.memory_space<hbm>> -> memref<512x128xf32, #tpu.memory_space<hbm>>
      %dma_start3A_163 = arith.constant 0 : i32
      %dma_start3A_164 = tpu.memref_slice %arg7[%add3A_122, %dma_start3A_163] : memref<163840x128xf32, #tpu.memory_space<hbm>> -> memref<512x128xf32, #tpu.memory_space<hbm>>
      tpu.enqueue_dma source(%arg9 : memref<512x128xf32, #tpu.memory_space<vmem>>) target(%dma_start3A_164 : memref<512x128xf32, #tpu.memory_space<hbm>>) target_semaphore(%run_scoped3A : memref<!tpu.dma_semaphore, #tpu.memory_space<semaphore_mem>>)
      %dma_wait3A_165 = arith.constant 0 : i32
      %dma_wait3A_166 = tpu.memref_slice %arg7[%add3A_122, %dma_wait3A_165] : memref<163840x128xf32, #tpu.memory_space<hbm>> -> memref<512x128xf32, #tpu.memory_space<hbm>>
      %dma_wait3A_167 = arith.constant 0 : i32
      %dma_wait3A_168 = tpu.memref_slice %arg7[%add3A_122, %dma_wait3A_167] : memref<163840x128xf32, #tpu.memory_space<hbm>> -> memref<512x128xf32, #tpu.memory_space<hbm>>
      tpu.wait_dma2 semaphore(%run_scoped3A : memref<!tpu.dma_semaphore, #tpu.memory_space<semaphore_mem>>) src(%arg9 : memref<512x128xf32, #tpu.memory_space<vmem>>) dst(%dma_wait3A_168 : memref<512x128xf32, #tpu.memory_space<hbm>>)
      tpu.yield
    }) : () -> ()
    %add3A_129 = arith.constant 3072 : i32
    %add3A_130 = arith.addi %mul3A_2, %add3A_129 : i32
    "tpu.region"() ({
      %run_scoped3A = tpu.sem_alloc : memref<!tpu.dma_semaphore, #tpu.memory_space<semaphore_mem>>
      %dma_start3A_161 = tpu.memref_slice %arg5[%add3A_130] : memref<163840xi32, #tpu.memory_space<hbm>> -> memref<512xi32, #tpu.memory_space<hbm>>
      %dma_start3A_162 = tpu.memref_slice %arg5[%add3A_130] : memref<163840xi32, #tpu.memory_space<hbm>> -> memref<512xi32, #tpu.memory_space<hbm>>
      tpu.enqueue_dma source(%dma_start3A_162 : memref<512xi32, #tpu.memory_space<hbm>>) target(%arg8 : memref<512xi32, #tpu.memory_space<vmem>>) target_semaphore(%run_scoped3A : memref<!tpu.dma_semaphore, #tpu.memory_space<semaphore_mem>>)
      %dma_wait3A_163 = tpu.memref_slice %arg5[%add3A_130] : memref<163840xi32, #tpu.memory_space<hbm>> -> memref<512xi32, #tpu.memory_space<hbm>>
      %dma_wait3A_164 = tpu.memref_slice %arg5[%add3A_130] : memref<163840xi32, #tpu.memory_space<hbm>> -> memref<512xi32, #tpu.memory_space<hbm>>
      tpu.wait_dma2 semaphore(%run_scoped3A : memref<!tpu.dma_semaphore, #tpu.memory_space<semaphore_mem>>) src(%dma_wait3A_164 : memref<512xi32, #tpu.memory_space<hbm>>) dst(%arg8 : memref<512xi32, #tpu.memory_space<vmem>>)
      tpu.yield
    }) : () -> ()
    %dma_start3A_131 = arith.constant 0 : i32
    %dma_start3A_132 = arith.constant 0 : i32
    %dma_start3A_133 = tpu.memref_slice %arg3[%dma_start3A_131, %dma_start3A_132] : memref<106496x128xf32, #tpu.memory_space<hbm>> -> memref<106496x128xf32, #tpu.memory_space<hbm>>
    tpu.enqueue_indirect_dma source(%dma_start3A_133 : memref<106496x128xf32, #tpu.memory_space<hbm>>) target(%arg9 : memref<512x128xf32, #tpu.memory_space<vmem>>) offsets(%arg8 : memref<512xi32, #tpu.memory_space<vmem>>) semaphore(%arg10 : memref<!tpu.dma_semaphore, #tpu.memory_space<semaphore_mem>>)
    %dma_wait3A_134 = arith.constant 0 : i32
    %dma_wait3A_135 = arith.constant 0 : i32
    %dma_wait3A_136 = tpu.memref_slice %arg3[%dma_wait3A_134, %dma_wait3A_135] : memref<106496x128xf32, #tpu.memory_space<hbm>> -> memref<106496x128xf32, #tpu.memory_space<hbm>>
    tpu.wait_indirect_dma semaphore(%arg10 : memref<!tpu.dma_semaphore, #tpu.memory_space<semaphore_mem>>) src(%dma_wait3A_136 : memref<106496x128xf32, #tpu.memory_space<hbm>>) dst(%arg9 : memref<512x128xf32, #tpu.memory_space<vmem>>)
    "tpu.region"() ({
      %run_scoped3A = tpu.sem_alloc : memref<!tpu.dma_semaphore, #tpu.memory_space<semaphore_mem>>
      %dma_start3A_161 = arith.constant 0 : i32
      %dma_start3A_162 = tpu.memref_slice %arg7[%add3A_130, %dma_start3A_161] : memref<163840x128xf32, #tpu.memory_space<hbm>> -> memref<512x128xf32, #tpu.memory_space<hbm>>
      %dma_start3A_163 = arith.constant 0 : i32
      %dma_start3A_164 = tpu.memref_slice %arg7[%add3A_130, %dma_start3A_163] : memref<163840x128xf32, #tpu.memory_space<hbm>> -> memref<512x128xf32, #tpu.memory_space<hbm>>
      tpu.enqueue_dma source(%arg9 : memref<512x128xf32, #tpu.memory_space<vmem>>) target(%dma_start3A_164 : memref<512x128xf32, #tpu.memory_space<hbm>>) target_semaphore(%run_scoped3A : memref<!tpu.dma_semaphore, #tpu.memory_space<semaphore_mem>>)
      %dma_wait3A_165 = arith.constant 0 : i32
      %dma_wait3A_166 = tpu.memref_slice %arg7[%add3A_130, %dma_wait3A_165] : memref<163840x128xf32, #tpu.memory_space<hbm>> -> memref<512x128xf32, #tpu.memory_space<hbm>>
      %dma_wait3A_167 = arith.constant 0 : i32
      %dma_wait3A_168 = tpu.memref_slice %arg7[%add3A_130, %dma_wait3A_167] : memref<163840x128xf32, #tpu.memory_space<hbm>> -> memref<512x128xf32, #tpu.memory_space<hbm>>
      tpu.wait_dma2 semaphore(%run_scoped3A : memref<!tpu.dma_semaphore, #tpu.memory_space<semaphore_mem>>) src(%arg9 : memref<512x128xf32, #tpu.memory_space<vmem>>) dst(%dma_wait3A_168 : memref<512x128xf32, #tpu.memory_space<hbm>>)
      tpu.yield
    }) : () -> ()
    %add3A_137 = arith.constant 3584 : i32
    %add3A_138 = arith.addi %mul3A_2, %add3A_137 : i32
    "tpu.region"() ({
      %run_scoped3A = tpu.sem_alloc : memref<!tpu.dma_semaphore, #tpu.memory_space<semaphore_mem>>
      %dma_start3A_161 = tpu.memref_slice %arg5[%add3A_138] : memref<163840xi32, #tpu.memory_space<hbm>> -> memref<512xi32, #tpu.memory_space<hbm>>
      %dma_start3A_162 = tpu.memref_slice %arg5[%add3A_138] : memref<163840xi32, #tpu.memory_space<hbm>> -> memref<512xi32, #tpu.memory_space<hbm>>
      tpu.enqueue_dma source(%dma_start3A_162 : memref<512xi32, #tpu.memory_space<hbm>>) target(%arg8 : memref<512xi32, #tpu.memory_space<vmem>>) target_semaphore(%run_scoped3A : memref<!tpu.dma_semaphore, #tpu.memory_space<semaphore_mem>>)
      %dma_wait3A_163 = tpu.memref_slice %arg5[%add3A_138] : memref<163840xi32, #tpu.memory_space<hbm>> -> memref<512xi32, #tpu.memory_space<hbm>>
      %dma_wait3A_164 = tpu.memref_slice %arg5[%add3A_138] : memref<163840xi32, #tpu.memory_space<hbm>> -> memref<512xi32, #tpu.memory_space<hbm>>
      tpu.wait_dma2 semaphore(%run_scoped3A : memref<!tpu.dma_semaphore, #tpu.memory_space<semaphore_mem>>) src(%dma_wait3A_164 : memref<512xi32, #tpu.memory_space<hbm>>) dst(%arg8 : memref<512xi32, #tpu.memory_space<vmem>>)
      tpu.yield
    }) : () -> ()
    %dma_start3A_139 = arith.constant 0 : i32
    %dma_start3A_140 = arith.constant 0 : i32
    %dma_start3A_141 = tpu.memref_slice %arg3[%dma_start3A_139, %dma_start3A_140] : memref<106496x128xf32, #tpu.memory_space<hbm>> -> memref<106496x128xf32, #tpu.memory_space<hbm>>
    tpu.enqueue_indirect_dma source(%dma_start3A_141 : memref<106496x128xf32, #tpu.memory_space<hbm>>) target(%arg9 : memref<512x128xf32, #tpu.memory_space<vmem>>) offsets(%arg8 : memref<512xi32, #tpu.memory_space<vmem>>) semaphore(%arg10 : memref<!tpu.dma_semaphore, #tpu.memory_space<semaphore_mem>>)
    %dma_wait3A_142 = arith.constant 0 : i32
    %dma_wait3A_143 = arith.constant 0 : i32
    %dma_wait3A_144 = tpu.memref_slice %arg3[%dma_wait3A_142, %dma_wait3A_143] : memref<106496x128xf32, #tpu.memory_space<hbm>> -> memref<106496x128xf32, #tpu.memory_space<hbm>>
    tpu.wait_indirect_dma semaphore(%arg10 : memref<!tpu.dma_semaphore, #tpu.memory_space<semaphore_mem>>) src(%dma_wait3A_144 : memref<106496x128xf32, #tpu.memory_space<hbm>>) dst(%arg9 : memref<512x128xf32, #tpu.memory_space<vmem>>)
    "tpu.region"() ({
      %run_scoped3A = tpu.sem_alloc : memref<!tpu.dma_semaphore, #tpu.memory_space<semaphore_mem>>
      %dma_start3A_161 = arith.constant 0 : i32
      %dma_start3A_162 = tpu.memref_slice %arg7[%add3A_138, %dma_start3A_161] : memref<163840x128xf32, #tpu.memory_space<hbm>> -> memref<512x128xf32, #tpu.memory_space<hbm>>
      %dma_start3A_163 = arith.constant 0 : i32
      %dma_start3A_164 = tpu.memref_slice %arg7[%add3A_138, %dma_start3A_163] : memref<163840x128xf32, #tpu.memory_space<hbm>> -> memref<512x128xf32, #tpu.memory_space<hbm>>
      tpu.enqueue_dma source(%arg9 : memref<512x128xf32, #tpu.memory_space<vmem>>) target(%dma_start3A_164 : memref<512x128xf32, #tpu.memory_space<hbm>>) target_semaphore(%run_scoped3A : memref<!tpu.dma_semaphore, #tpu.memory_space<semaphore_mem>>)
      %dma_wait3A_165 = arith.constant 0 : i32
      %dma_wait3A_166 = tpu.memref_slice %arg7[%add3A_138, %dma_wait3A_165] : memref<163840x128xf32, #tpu.memory_space<hbm>> -> memref<512x128xf32, #tpu.memory_space<hbm>>
      %dma_wait3A_167 = arith.constant 0 : i32
      %dma_wait3A_168 = tpu.memref_slice %arg7[%add3A_138, %dma_wait3A_167] : memref<163840x128xf32, #tpu.memory_space<hbm>> -> memref<512x128xf32, #tpu.memory_space<hbm>>
      tpu.wait_dma2 semaphore(%run_scoped3A : memref<!tpu.dma_semaphore, #tpu.memory_space<semaphore_mem>>) src(%arg9 : memref<512x128xf32, #tpu.memory_space<vmem>>) dst(%dma_wait3A_168 : memref<512x128xf32, #tpu.memory_space<hbm>>)
      tpu.yield
    }) : () -> ()
    %add3A_145 = arith.constant 4096 : i32
    %add3A_146 = arith.addi %mul3A_2, %add3A_145 : i32
    "tpu.region"() ({
      %run_scoped3A = tpu.sem_alloc : memref<!tpu.dma_semaphore, #tpu.memory_space<semaphore_mem>>
      %dma_start3A_161 = tpu.memref_slice %arg5[%add3A_146] : memref<163840xi32, #tpu.memory_space<hbm>> -> memref<512xi32, #tpu.memory_space<hbm>>
      %dma_start3A_162 = tpu.memref_slice %arg5[%add3A_146] : memref<163840xi32, #tpu.memory_space<hbm>> -> memref<512xi32, #tpu.memory_space<hbm>>
      tpu.enqueue_dma source(%dma_start3A_162 : memref<512xi32, #tpu.memory_space<hbm>>) target(%arg8 : memref<512xi32, #tpu.memory_space<vmem>>) target_semaphore(%run_scoped3A : memref<!tpu.dma_semaphore, #tpu.memory_space<semaphore_mem>>)
      %dma_wait3A_163 = tpu.memref_slice %arg5[%add3A_146] : memref<163840xi32, #tpu.memory_space<hbm>> -> memref<512xi32, #tpu.memory_space<hbm>>
      %dma_wait3A_164 = tpu.memref_slice %arg5[%add3A_146] : memref<163840xi32, #tpu.memory_space<hbm>> -> memref<512xi32, #tpu.memory_space<hbm>>
      tpu.wait_dma2 semaphore(%run_scoped3A : memref<!tpu.dma_semaphore, #tpu.memory_space<semaphore_mem>>) src(%dma_wait3A_164 : memref<512xi32, #tpu.memory_space<hbm>>) dst(%arg8 : memref<512xi32, #tpu.memory_space<vmem>>)
      tpu.yield
    }) : () -> ()
    %dma_start3A_147 = arith.constant 0 : i32
    %dma_start3A_148 = arith.constant 0 : i32
    %dma_start3A_149 = tpu.memref_slice %arg3[%dma_start3A_147, %dma_start3A_148] : memref<106496x128xf32, #tpu.memory_space<hbm>> -> memref<106496x128xf32, #tpu.memory_space<hbm>>
    tpu.enqueue_indirect_dma source(%dma_start3A_149 : memref<106496x128xf32, #tpu.memory_space<hbm>>) target(%arg9 : memref<512x128xf32, #tpu.memory_space<vmem>>) offsets(%arg8 : memref<512xi32, #tpu.memory_space<vmem>>) semaphore(%arg10 : memref<!tpu.dma_semaphore, #tpu.memory_space<semaphore_mem>>)
    %dma_wait3A_150 = arith.constant 0 : i32
    %dma_wait3A_151 = arith.constant 0 : i32
    %dma_wait3A_152 = tpu.memref_slice %arg3[%dma_wait3A_150, %dma_wait3A_151] : memref<106496x128xf32, #tpu.memory_space<hbm>> -> memref<106496x128xf32, #tpu.memory_space<hbm>>
    tpu.wait_indirect_dma semaphore(%arg10 : memref<!tpu.dma_semaphore, #tpu.memory_space<semaphore_mem>>) src(%dma_wait3A_152 : memref<106496x128xf32, #tpu.memory_space<hbm>>) dst(%arg9 : memref<512x128xf32, #tpu.memory_space<vmem>>)
    "tpu.region"() ({
      %run_scoped3A = tpu.sem_alloc : memref<!tpu.dma_semaphore, #tpu.memory_space<semaphore_mem>>
      %dma_start3A_161 = arith.constant 0 : i32
      %dma_start3A_162 = tpu.memref_slice %arg7[%add3A_146, %dma_start3A_161] : memref<163840x128xf32, #tpu.memory_space<hbm>> -> memref<512x128xf32, #tpu.memory_space<hbm>>
      %dma_start3A_163 = arith.constant 0 : i32
      %dma_start3A_164 = tpu.memref_slice %arg7[%add3A_146, %dma_start3A_163] : memref<163840x128xf32, #tpu.memory_space<hbm>> -> memref<512x128xf32, #tpu.memory_space<hbm>>
      tpu.enqueue_dma source(%arg9 : memref<512x128xf32, #tpu.memory_space<vmem>>) target(%dma_start3A_164 : memref<512x128xf32, #tpu.memory_space<hbm>>) target_semaphore(%run_scoped3A : memref<!tpu.dma_semaphore, #tpu.memory_space<semaphore_mem>>)
      %dma_wait3A_165 = arith.constant 0 : i32
      %dma_wait3A_166 = tpu.memref_slice %arg7[%add3A_146, %dma_wait3A_165] : memref<163840x128xf32, #tpu.memory_space<hbm>> -> memref<512x128xf32, #tpu.memory_space<hbm>>
      %dma_wait3A_167 = arith.constant 0 : i32
      %dma_wait3A_168 = tpu.memref_slice %arg7[%add3A_146, %dma_wait3A_167] : memref<163840x128xf32, #tpu.memory_space<hbm>> -> memref<512x128xf32, #tpu.memory_space<hbm>>
      tpu.wait_dma2 semaphore(%run_scoped3A : memref<!tpu.dma_semaphore, #tpu.memory_space<semaphore_mem>>) src(%arg9 : memref<512x128xf32, #tpu.memory_space<vmem>>) dst(%dma_wait3A_168 : memref<512x128xf32, #tpu.memory_space<hbm>>)
      tpu.yield
    }) : () -> ()
    %add3A_153 = arith.constant 4608 : i32
    %add3A_154 = arith.addi %mul3A_2, %add3A_153 : i32
    "tpu.region"() ({
      %run_scoped3A = tpu.sem_alloc : memref<!tpu.dma_semaphore, #tpu.memory_space<semaphore_mem>>
      %dma_start3A_161 = tpu.memref_slice %arg5[%add3A_154] : memref<163840xi32, #tpu.memory_space<hbm>> -> memref<512xi32, #tpu.memory_space<hbm>>
      %dma_start3A_162 = tpu.memref_slice %arg5[%add3A_154] : memref<163840xi32, #tpu.memory_space<hbm>> -> memref<512xi32, #tpu.memory_space<hbm>>
      tpu.enqueue_dma source(%dma_start3A_162 : memref<512xi32, #tpu.memory_space<hbm>>) target(%arg8 : memref<512xi32, #tpu.memory_space<vmem>>) target_semaphore(%run_scoped3A : memref<!tpu.dma_semaphore, #tpu.memory_space<semaphore_mem>>)
      %dma_wait3A_163 = tpu.memref_slice %arg5[%add3A_154] : memref<163840xi32, #tpu.memory_space<hbm>> -> memref<512xi32, #tpu.memory_space<hbm>>
      %dma_wait3A_164 = tpu.memref_slice %arg5[%add3A_154] : memref<163840xi32, #tpu.memory_space<hbm>> -> memref<512xi32, #tpu.memory_space<hbm>>
      tpu.wait_dma2 semaphore(%run_scoped3A : memref<!tpu.dma_semaphore, #tpu.memory_space<semaphore_mem>>) src(%dma_wait3A_164 : memref<512xi32, #tpu.memory_space<hbm>>) dst(%arg8 : memref<512xi32, #tpu.memory_space<vmem>>)
      tpu.yield
    }) : () -> ()
    %dma_start3A_155 = arith.constant 0 : i32
    %dma_start3A_156 = arith.constant 0 : i32
    %dma_start3A_157 = tpu.memref_slice %arg3[%dma_start3A_155, %dma_start3A_156] : memref<106496x128xf32, #tpu.memory_space<hbm>> -> memref<106496x128xf32, #tpu.memory_space<hbm>>
    tpu.enqueue_indirect_dma source(%dma_start3A_157 : memref<106496x128xf32, #tpu.memory_space<hbm>>) target(%arg9 : memref<512x128xf32, #tpu.memory_space<vmem>>) offsets(%arg8 : memref<512xi32, #tpu.memory_space<vmem>>) semaphore(%arg10 : memref<!tpu.dma_semaphore, #tpu.memory_space<semaphore_mem>>)
    %dma_wait3A_158 = arith.constant 0 : i32
    %dma_wait3A_159 = arith.constant 0 : i32
    %dma_wait3A_160 = tpu.memref_slice %arg3[%dma_wait3A_158, %dma_wait3A_159] : memref<106496x128xf32, #tpu.memory_space<hbm>> -> memref<106496x128xf32, #tpu.memory_space<hbm>>
    tpu.wait_indirect_dma semaphore(%arg10 : memref<!tpu.dma_semaphore, #tpu.memory_space<semaphore_mem>>) src(%dma_wait3A_160 : memref<106496x128xf32, #tpu.memory_space<hbm>>) dst(%arg9 : memref<512x128xf32, #tpu.memory_space<vmem>>)
    "tpu.region"() ({
      %run_scoped3A = tpu.sem_alloc : memref<!tpu.dma_semaphore, #tpu.memory_space<semaphore_mem>>
      %dma_start3A_161 = arith.constant 0 : i32
      %dma_start3A_162 = tpu.memref_slice %arg7[%add3A_154, %dma_start3A_161] : memref<163840x128xf32, #tpu.memory_space<hbm>> -> memref<512x128xf32, #tpu.memory_space<hbm>>
      %dma_start3A_163 = arith.constant 0 : i32
      %dma_start3A_164 = tpu.memref_slice %arg7[%add3A_154, %dma_start3A_163] : memref<163840x128xf32, #tpu.memory_space<hbm>> -> memref<512x128xf32, #tpu.memory_space<hbm>>
      tpu.enqueue_dma source(%arg9 : memref<512x128xf32, #tpu.memory_space<vmem>>) target(%dma_start3A_164 : memref<512x128xf32, #tpu.memory_space<hbm>>) target_semaphore(%run_scoped3A : memref<!tpu.dma_semaphore, #tpu.memory_space<semaphore_mem>>)
      %dma_wait3A_165 = arith.constant 0 : i32
      %dma_wait3A_166 = tpu.memref_slice %arg7[%add3A_154, %dma_wait3A_165] : memref<163840x128xf32, #tpu.memory_space<hbm>> -> memref<512x128xf32, #tpu.memory_space<hbm>>
      %dma_wait3A_167 = arith.constant 0 : i32
      %dma_wait3A_168 = tpu.memref_slice %arg7[%add3A_154, %dma_wait3A_167] : memref<163840x128xf32, #tpu.memory_space<hbm>> -> memref<512x128xf32, #tpu.memory_space<hbm>>
      tpu.wait_dma2 semaphore(%run_scoped3A : memref<!tpu.dma_semaphore, #tpu.memory_space<semaphore_mem>>) src(%arg9 : memref<512x128xf32, #tpu.memory_space<vmem>>) dst(%dma_wait3A_168 : memref<512x128xf32, #tpu.memory_space<hbm>>)
      tpu.yield
    }) : () -> ()
    return
  }
}

module attributes {stable_mosaic.version = 14 : i64} {
  func.func @_idx_body(%arg0: i32, %arg1: memref<64x100x32xf32, #tpu.memory_space<vmem>>, %arg2: memref<64x26x32xf32, #tpu.memory_space<vmem>>, %arg3: memref<32x32xf32, #tpu.memory_space<vmem>>, %arg4: memref<32x32xf32, #tpu.memory_space<vmem>>, %arg5: memref<3x128x128xf32, #tpu.memory_space<vmem>>, %arg6: memref<3x1x128xf32, #tpu.memory_space<vmem>>, %arg7: memref<64x10xi32, #tpu.memory_space<vmem>>, %arg8: memref<64x10xi32, #tpu.memory_space<vmem>>, %arg9: memref<64x10xi32, #tpu.memory_space<vmem>>, %arg10: memref<64x10xi32, #tpu.memory_space<vmem>>) attributes {dimension_semantics = [#tpu.dimension_semantics<arbitrary>], iteration_bounds = array<i64: 256>, scalar_prefetch = 0 : i64, scratch_operands = 0 : i64, tpu.core_type = #tpu.core_type<tc>, window_params = [{transform_indices = @transform_0, window_bounds = array<i64: 64, 100, 32>}, {transform_indices = @transform_1, window_bounds = array<i64: 64, 26, 32>}, {pipeline_mode = #tpu.pipeline_mode<synchronous>, transform_indices = @transform_2, window_bounds = array<i64: 32, 32>}, {pipeline_mode = #tpu.pipeline_mode<synchronous>, transform_indices = @transform_3, window_bounds = array<i64: 32, 32>}, {pipeline_mode = #tpu.pipeline_mode<synchronous>, transform_indices = @transform_4, window_bounds = array<i64: 3, 128, 128>}, {pipeline_mode = #tpu.pipeline_mode<synchronous>, transform_indices = @transform_5, window_bounds = array<i64: 3, 1, 128>}, {transform_indices = @transform_6, window_bounds = array<i64: 64, 10>}, {transform_indices = @transform_7, window_bounds = array<i64: 64, 10>}, {transform_indices = @transform_8, window_bounds = array<i64: 64, 10>}, {transform_indices = @transform_9, window_bounds = array<i64: 64, 10>}]} {
    %get3A = arith.constant 0 : index
    %get3A_0 = arith.constant 0 : index
    %get3A_1 = arith.constant 0 : index
    %get3A_2 = vector.load %arg1[%get3A, %get3A_0, %get3A_1] : memref<64x100x32xf32, #tpu.memory_space<vmem>>, vector<64x100x32xf32>
    %reshape3A = vector.shape_cast %get3A_2 : vector<64x100x32xf32> to vector<6400x32xf32>
    %get3A_3 = arith.constant 0 : index
    %get3A_4 = arith.constant 0 : index
    %get3A_5 = vector.load %arg3[%get3A_3, %get3A_4] : memref<32x32xf32, #tpu.memory_space<vmem>>, vector<32x32xf32>
    %dot_general3A = arith.constant dense<0.000000e+00> : vector<6400x32xf32>
    %dot_general3A_6 = tpu.matmul %reshape3A, %get3A_5, %dot_general3A {dimension_numbers = #tpu.dot_dimension_numbers<[1], [0], [0], [1], [0, 0, 1, 1], [], []>, transpose_lhs_hint = false} : vector<6400x32xf32>, vector<32x32xf32>, vector<6400x32xf32> -> vector<6400x32xf32>
    %reshape3A_7 = vector.shape_cast %dot_general3A_6 : vector<6400x32xf32> to vector<64x100x32xf32>
    %get3A_8 = arith.constant 0 : index
    %get3A_9 = arith.constant 0 : index
    %get3A_10 = arith.constant 0 : index
    %get3A_11 = vector.load %arg2[%get3A_8, %get3A_9, %get3A_10] : memref<64x26x32xf32, #tpu.memory_space<vmem>>, vector<64x26x32xf32>
    %reshape3A_12 = vector.shape_cast %get3A_11 : vector<64x26x32xf32> to vector<1664x32xf32>
    %get3A_13 = arith.constant 0 : index
    %get3A_14 = arith.constant 0 : index
    %get3A_15 = vector.load %arg4[%get3A_13, %get3A_14] : memref<32x32xf32, #tpu.memory_space<vmem>>, vector<32x32xf32>
    %dot_general3A_16 = arith.constant dense<0.000000e+00> : vector<1664x32xf32>
    %dot_general3A_17 = tpu.matmul %reshape3A_12, %get3A_15, %dot_general3A_16 {dimension_numbers = #tpu.dot_dimension_numbers<[1], [0], [0], [1], [0, 0, 1, 1], [], []>, transpose_lhs_hint = false} : vector<1664x32xf32>, vector<32x32xf32>, vector<1664x32xf32> -> vector<1664x32xf32>
    %reshape3A_18 = vector.shape_cast %dot_general3A_17 : vector<1664x32xf32> to vector<64x26x32xf32>
    %reduce_sum3A = arith.constant dense<0.000000e+00> : vector<64x100xf32>
    %reduce_sum3A_19 = vector.multi_reduction <add>, %reshape3A_7, %reduce_sum3A [2] : vector<64x100x32xf32> to vector<64x100xf32>
    %reduce_sum3A_20 = arith.constant dense<0.000000e+00> : vector<64x26xf32>
    %reduce_sum3A_21 = vector.multi_reduction <add>, %reshape3A_18, %reduce_sum3A_20 [2] : vector<64x26x32xf32> to vector<64x26xf32>
    %broadcast_in_dim3A = arith.constant 0.000000e+00 : f32
    %broadcast_in_dim3A_22 = vector.broadcast %broadcast_in_dim3A : f32 to vector<64x2xf32>
    %concatenate3A = tpu.concatenate %reduce_sum3A_19, %reduce_sum3A_21, %broadcast_in_dim3A_22 in 1 : vector<64x100xf32>, vector<64x26xf32>, vector<64x2xf32> -> vector<64x128xf32>
    %get3A_23 = arith.constant 0 : index
    %get3A_24 = arith.constant 0 : index
    %get3A_25 = arith.constant 0 : index
    %get3A_26 = vector.load %arg5[%get3A_23, %get3A_24, %get3A_25] : memref<3x128x128xf32, #tpu.memory_space<vmem>>, vector<1x128x128xf32>
    %get3A_27 = vector.shape_cast %get3A_26 : vector<1x128x128xf32> to vector<128x128xf32>
    %dot_general3A_28 = arith.constant dense<0.000000e+00> : vector<64x128xf32>
    %dot_general3A_29 = tpu.matmul %concatenate3A, %get3A_27, %dot_general3A_28 {dimension_numbers = #tpu.dot_dimension_numbers<[1], [0], [0], [1], [0, 0, 1, 1], [], []>, transpose_lhs_hint = false} : vector<64x128xf32>, vector<128x128xf32>, vector<64x128xf32> -> vector<64x128xf32>
    %get3A_30 = arith.constant 0 : index
    %get3A_31 = arith.constant 0 : index
    %get3A_32 = arith.constant 0 : index
    %get3A_33 = vector.load %arg6[%get3A_30, %get3A_31, %get3A_32] : memref<3x1x128xf32, #tpu.memory_space<vmem>>, vector<1x1x128xf32>
    %get3A_34 = vector.shape_cast %get3A_33 : vector<1x1x128xf32> to vector<1x128xf32>
    %add3A = vector.broadcast %get3A_34 : vector<1x128xf32> to vector<64x128xf32>
    %add3A_35 = arith.addf %dot_general3A_29, %add3A : vector<64x128xf32>
    %mul3A = arith.mulf %concatenate3A, %add3A_35 : vector<64x128xf32>
    %add3A_36 = arith.addf %mul3A, %concatenate3A : vector<64x128xf32>
    %get3A_37 = arith.constant 1 : index
    %get3A_38 = arith.constant 0 : index
    %get3A_39 = arith.constant 0 : index
    %get3A_40 = vector.load %arg5[%get3A_37, %get3A_38, %get3A_39] : memref<3x128x128xf32, #tpu.memory_space<vmem>>, vector<1x128x128xf32>
    %get3A_41 = vector.shape_cast %get3A_40 : vector<1x128x128xf32> to vector<128x128xf32>
    %dot_general3A_42 = arith.constant dense<0.000000e+00> : vector<64x128xf32>
    %dot_general3A_43 = tpu.matmul %add3A_36, %get3A_41, %dot_general3A_42 {dimension_numbers = #tpu.dot_dimension_numbers<[1], [0], [0], [1], [0, 0, 1, 1], [], []>, transpose_lhs_hint = false} : vector<64x128xf32>, vector<128x128xf32>, vector<64x128xf32> -> vector<64x128xf32>
    %get3A_44 = arith.constant 1 : index
    %get3A_45 = arith.constant 0 : index
    %get3A_46 = arith.constant 0 : index
    %get3A_47 = vector.load %arg6[%get3A_44, %get3A_45, %get3A_46] : memref<3x1x128xf32, #tpu.memory_space<vmem>>, vector<1x1x128xf32>
    %get3A_48 = vector.shape_cast %get3A_47 : vector<1x1x128xf32> to vector<1x128xf32>
    %add3A_49 = vector.broadcast %get3A_48 : vector<1x128xf32> to vector<64x128xf32>
    %add3A_50 = arith.addf %dot_general3A_43, %add3A_49 : vector<64x128xf32>
    %mul3A_51 = arith.mulf %concatenate3A, %add3A_50 : vector<64x128xf32>
    %add3A_52 = arith.addf %mul3A_51, %add3A_36 : vector<64x128xf32>
    %get3A_53 = arith.constant 2 : index
    %get3A_54 = arith.constant 0 : index
    %get3A_55 = arith.constant 0 : index
    %get3A_56 = vector.load %arg5[%get3A_53, %get3A_54, %get3A_55] : memref<3x128x128xf32, #tpu.memory_space<vmem>>, vector<1x128x128xf32>
    %get3A_57 = vector.shape_cast %get3A_56 : vector<1x128x128xf32> to vector<128x128xf32>
    %dot_general3A_58 = arith.constant dense<0.000000e+00> : vector<64x128xf32>
    %dot_general3A_59 = tpu.matmul %add3A_52, %get3A_57, %dot_general3A_58 {dimension_numbers = #tpu.dot_dimension_numbers<[1], [0], [0], [1], [0, 0, 1, 1], [], []>, transpose_lhs_hint = false} : vector<64x128xf32>, vector<128x128xf32>, vector<64x128xf32> -> vector<64x128xf32>
    %get3A_60 = arith.constant 2 : index
    %get3A_61 = arith.constant 0 : index
    %get3A_62 = arith.constant 0 : index
    %get3A_63 = vector.load %arg6[%get3A_60, %get3A_61, %get3A_62] : memref<3x1x128xf32, #tpu.memory_space<vmem>>, vector<1x1x128xf32>
    %get3A_64 = vector.shape_cast %get3A_63 : vector<1x1x128xf32> to vector<1x128xf32>
    %add3A_65 = vector.broadcast %get3A_64 : vector<1x128xf32> to vector<64x128xf32>
    %add3A_66 = arith.addf %dot_general3A_59, %add3A_65 : vector<64x128xf32>
    %mul3A_67 = arith.mulf %concatenate3A, %add3A_66 : vector<64x128xf32>
    %add3A_68 = arith.addf %mul3A_67, %add3A_52 : vector<64x128xf32>
    %iota3A = tpu.iota {dimensions = array<i32: 1>} : vector<64x128xi32>
    %lt3A = arith.constant 100 : i32
    %lt3A_69 = vector.broadcast %lt3A : i32 to vector<64x128xi32>
    %lt3A_70 = arith.cmpi slt, %iota3A, %lt3A_69 : vector<64x128xi32>
    %ge3A = arith.constant 100 : i32
    %ge3A_71 = vector.broadcast %ge3A : i32 to vector<64x128xi32>
    %ge3A_72 = arith.cmpi sge, %iota3A, %ge3A_71 : vector<64x128xi32>
    %lt3A_73 = arith.constant 126 : i32
    %lt3A_74 = vector.broadcast %lt3A_73 : i32 to vector<64x128xi32>
    %lt3A_75 = arith.cmpi slt, %iota3A, %lt3A_74 : vector<64x128xi32>
    %and3A = arith.andi %ge3A_72, %lt3A_75 : vector<64x128xi1>
    %jit3A = arith.constant -1.000000e+30 : f32
    %broadcast_in_dim3A_76 = vector.broadcast %jit3A : f32 to vector<64x128xf32>
    %select_n3A = arith.select %lt3A_70, %add3A_68, %broadcast_in_dim3A_76 : vector<64x128xi1>, vector<64x128xf32>
    %jit3A_77 = arith.constant -1.000000e+30 : f32
    %broadcast_in_dim3A_78 = vector.broadcast %jit3A_77 : f32 to vector<64x128xf32>
    %select_n3A_79 = arith.select %and3A, %add3A_68, %broadcast_in_dim3A_78 : vector<64x128xi1>, vector<64x128xf32>
    %reduce_max3A = arith.constant dense<0xFF800000> : vector<64xf32>
    %reduce_max3A_80 = vector.multi_reduction <maximumf>, %select_n3A, %reduce_max3A [1] : vector<64x128xf32> to vector<64xf32>
    %broadcast_in_dim3A_81 = vector.shape_cast %reduce_max3A_80 : vector<64xf32> to vector<64x1xf32>
    %reduce_max3A_82 = arith.constant dense<0xFF800000> : vector<64xf32>
    %reduce_max3A_83 = vector.multi_reduction <maximumf>, %select_n3A_79, %reduce_max3A_82 [1] : vector<64x128xf32> to vector<64xf32>
    %broadcast_in_dim3A_84 = vector.shape_cast %reduce_max3A_83 : vector<64xf32> to vector<64x1xf32>
    %eq3A = vector.broadcast %broadcast_in_dim3A_81 : vector<64x1xf32> to vector<64x128xf32>
    %eq3A_85 = arith.cmpf oeq, %select_n3A, %eq3A : vector<64x128xf32>
    %jit3A_86 = arith.constant 128 : i32
    %broadcast_in_dim3A_87 = vector.broadcast %jit3A_86 : i32 to vector<64x128xi32>
    %select_n3A_88 = arith.select %eq3A_85, %iota3A, %broadcast_in_dim3A_87 : vector<64x128xi1>, vector<64x128xi32>
    %reduce_min3A = arith.constant dense<2147483647> : vector<64xi32>
    %reduce_min3A_89 = vector.multi_reduction <minsi>, %select_n3A_88, %reduce_min3A [1] : vector<64x128xi32> to vector<64xi32>
    %broadcast_in_dim3A_90 = vector.shape_cast %reduce_min3A_89 : vector<64xi32> to vector<64x1xi32>
    %eq3A_91 = vector.broadcast %broadcast_in_dim3A_84 : vector<64x1xf32> to vector<64x128xf32>
    %eq3A_92 = arith.cmpf oeq, %select_n3A_79, %eq3A_91 : vector<64x128xf32>
    %jit3A_93 = arith.constant 128 : i32
    %broadcast_in_dim3A_94 = vector.broadcast %jit3A_93 : i32 to vector<64x128xi32>
    %select_n3A_95 = arith.select %eq3A_92, %iota3A, %broadcast_in_dim3A_94 : vector<64x128xi1>, vector<64x128xi32>
    %reduce_min3A_96 = arith.constant dense<2147483647> : vector<64xi32>
    %reduce_min3A_97 = vector.multi_reduction <minsi>, %select_n3A_95, %reduce_min3A_96 [1] : vector<64x128xi32> to vector<64xi32>
    %broadcast_in_dim3A_98 = vector.shape_cast %reduce_min3A_97 : vector<64xi32> to vector<64x1xi32>
    %ne3A = vector.broadcast %broadcast_in_dim3A_90 : vector<64x1xi32> to vector<64x128xi32>
    %ne3A_99 = arith.cmpi ne, %iota3A, %ne3A : vector<64x128xi32>
    %and3A_100 = arith.andi %lt3A_70, %ne3A_99 : vector<64x128xi1>
    %ne3A_101 = vector.broadcast %broadcast_in_dim3A_98 : vector<64x1xi32> to vector<64x128xi32>
    %ne3A_102 = arith.cmpi ne, %iota3A, %ne3A_101 : vector<64x128xi32>
    %and3A_103 = arith.andi %and3A, %ne3A_102 : vector<64x128xi1>
    %jit3A_104 = arith.constant -1.000000e+30 : f32
    %broadcast_in_dim3A_105 = vector.broadcast %jit3A_104 : f32 to vector<64x128xf32>
    %select_n3A_106 = arith.select %and3A_100, %add3A_68, %broadcast_in_dim3A_105 : vector<64x128xi1>, vector<64x128xf32>
    %jit3A_107 = arith.constant -1.000000e+30 : f32
    %broadcast_in_dim3A_108 = vector.broadcast %jit3A_107 : f32 to vector<64x128xf32>
    %select_n3A_109 = arith.select %and3A_103, %add3A_68, %broadcast_in_dim3A_108 : vector<64x128xi1>, vector<64x128xf32>
    %reduce_max3A_110 = arith.constant dense<0xFF800000> : vector<64xf32>
    %reduce_max3A_111 = vector.multi_reduction <maximumf>, %select_n3A_106, %reduce_max3A_110 [1] : vector<64x128xf32> to vector<64xf32>
    %broadcast_in_dim3A_112 = vector.shape_cast %reduce_max3A_111 : vector<64xf32> to vector<64x1xf32>
    %reduce_max3A_113 = arith.constant dense<0xFF800000> : vector<64xf32>
    %reduce_max3A_114 = vector.multi_reduction <maximumf>, %select_n3A_109, %reduce_max3A_113 [1] : vector<64x128xf32> to vector<64xf32>
    %broadcast_in_dim3A_115 = vector.shape_cast %reduce_max3A_114 : vector<64xf32> to vector<64x1xf32>
    %eq3A_116 = vector.broadcast %broadcast_in_dim3A_112 : vector<64x1xf32> to vector<64x128xf32>
    %eq3A_117 = arith.cmpf oeq, %select_n3A_106, %eq3A_116 : vector<64x128xf32>
    %jit3A_118 = arith.constant 128 : i32
    %broadcast_in_dim3A_119 = vector.broadcast %jit3A_118 : i32 to vector<64x128xi32>
    %select_n3A_120 = arith.select %eq3A_117, %iota3A, %broadcast_in_dim3A_119 : vector<64x128xi1>, vector<64x128xi32>
    %reduce_min3A_121 = arith.constant dense<2147483647> : vector<64xi32>
    %reduce_min3A_122 = vector.multi_reduction <minsi>, %select_n3A_120, %reduce_min3A_121 [1] : vector<64x128xi32> to vector<64xi32>
    %broadcast_in_dim3A_123 = vector.shape_cast %reduce_min3A_122 : vector<64xi32> to vector<64x1xi32>
    %eq3A_124 = vector.broadcast %broadcast_in_dim3A_115 : vector<64x1xf32> to vector<64x128xf32>
    %eq3A_125 = arith.cmpf oeq, %select_n3A_109, %eq3A_124 : vector<64x128xf32>
    %jit3A_126 = arith.constant 128 : i32
    %broadcast_in_dim3A_127 = vector.broadcast %jit3A_126 : i32 to vector<64x128xi32>
    %select_n3A_128 = arith.select %eq3A_125, %iota3A, %broadcast_in_dim3A_127 : vector<64x128xi1>, vector<64x128xi32>
    %reduce_min3A_129 = arith.constant dense<2147483647> : vector<64xi32>
    %reduce_min3A_130 = vector.multi_reduction <minsi>, %select_n3A_128, %reduce_min3A_129 [1] : vector<64x128xi32> to vector<64xi32>
    %broadcast_in_dim3A_131 = vector.shape_cast %reduce_min3A_130 : vector<64xi32> to vector<64x1xi32>
    %ne3A_132 = vector.broadcast %broadcast_in_dim3A_123 : vector<64x1xi32> to vector<64x128xi32>
    %ne3A_133 = arith.cmpi ne, %iota3A, %ne3A_132 : vector<64x128xi32>
    %and3A_134 = arith.andi %and3A_100, %ne3A_133 : vector<64x128xi1>
    %ne3A_135 = vector.broadcast %broadcast_in_dim3A_131 : vector<64x1xi32> to vector<64x128xi32>
    %ne3A_136 = arith.cmpi ne, %iota3A, %ne3A_135 : vector<64x128xi32>
    %and3A_137 = arith.andi %and3A_103, %ne3A_136 : vector<64x128xi1>
    %jit3A_138 = arith.constant -1.000000e+30 : f32
    %broadcast_in_dim3A_139 = vector.broadcast %jit3A_138 : f32 to vector<64x128xf32>
    %select_n3A_140 = arith.select %and3A_134, %add3A_68, %broadcast_in_dim3A_139 : vector<64x128xi1>, vector<64x128xf32>
    %jit3A_141 = arith.constant -1.000000e+30 : f32
    %broadcast_in_dim3A_142 = vector.broadcast %jit3A_141 : f32 to vector<64x128xf32>
    %select_n3A_143 = arith.select %and3A_137, %add3A_68, %broadcast_in_dim3A_142 : vector<64x128xi1>, vector<64x128xf32>
    %reduce_max3A_144 = arith.constant dense<0xFF800000> : vector<64xf32>
    %reduce_max3A_145 = vector.multi_reduction <maximumf>, %select_n3A_140, %reduce_max3A_144 [1] : vector<64x128xf32> to vector<64xf32>
    %broadcast_in_dim3A_146 = vector.shape_cast %reduce_max3A_145 : vector<64xf32> to vector<64x1xf32>
    %reduce_max3A_147 = arith.constant dense<0xFF800000> : vector<64xf32>
    %reduce_max3A_148 = vector.multi_reduction <maximumf>, %select_n3A_143, %reduce_max3A_147 [1] : vector<64x128xf32> to vector<64xf32>
    %broadcast_in_dim3A_149 = vector.shape_cast %reduce_max3A_148 : vector<64xf32> to vector<64x1xf32>
    %eq3A_150 = vector.broadcast %broadcast_in_dim3A_146 : vector<64x1xf32> to vector<64x128xf32>
    %eq3A_151 = arith.cmpf oeq, %select_n3A_140, %eq3A_150 : vector<64x128xf32>
    %jit3A_152 = arith.constant 128 : i32
    %broadcast_in_dim3A_153 = vector.broadcast %jit3A_152 : i32 to vector<64x128xi32>
    %select_n3A_154 = arith.select %eq3A_151, %iota3A, %broadcast_in_dim3A_153 : vector<64x128xi1>, vector<64x128xi32>
    %reduce_min3A_155 = arith.constant dense<2147483647> : vector<64xi32>
    %reduce_min3A_156 = vector.multi_reduction <minsi>, %select_n3A_154, %reduce_min3A_155 [1] : vector<64x128xi32> to vector<64xi32>
    %broadcast_in_dim3A_157 = vector.shape_cast %reduce_min3A_156 : vector<64xi32> to vector<64x1xi32>
    %eq3A_158 = vector.broadcast %broadcast_in_dim3A_149 : vector<64x1xf32> to vector<64x128xf32>
    %eq3A_159 = arith.cmpf oeq, %select_n3A_143, %eq3A_158 : vector<64x128xf32>
    %jit3A_160 = arith.constant 128 : i32
    %broadcast_in_dim3A_161 = vector.broadcast %jit3A_160 : i32 to vector<64x128xi32>
    %select_n3A_162 = arith.select %eq3A_159, %iota3A, %broadcast_in_dim3A_161 : vector<64x128xi1>, vector<64x128xi32>
    %reduce_min3A_163 = arith.constant dense<2147483647> : vector<64xi32>
    %reduce_min3A_164 = vector.multi_reduction <minsi>, %select_n3A_162, %reduce_min3A_163 [1] : vector<64x128xi32> to vector<64xi32>
    %broadcast_in_dim3A_165 = vector.shape_cast %reduce_min3A_164 : vector<64xi32> to vector<64x1xi32>
    %ne3A_166 = vector.broadcast %broadcast_in_dim3A_157 : vector<64x1xi32> to vector<64x128xi32>
    %ne3A_167 = arith.cmpi ne, %iota3A, %ne3A_166 : vector<64x128xi32>
    %and3A_168 = arith.andi %and3A_134, %ne3A_167 : vector<64x128xi1>
    %ne3A_169 = vector.broadcast %broadcast_in_dim3A_165 : vector<64x1xi32> to vector<64x128xi32>
    %ne3A_170 = arith.cmpi ne, %iota3A, %ne3A_169 : vector<64x128xi32>
    %and3A_171 = arith.andi %and3A_137, %ne3A_170 : vector<64x128xi1>
    %jit3A_172 = arith.constant -1.000000e+30 : f32
    %broadcast_in_dim3A_173 = vector.broadcast %jit3A_172 : f32 to vector<64x128xf32>
    %select_n3A_174 = arith.select %and3A_168, %add3A_68, %broadcast_in_dim3A_173 : vector<64x128xi1>, vector<64x128xf32>
    %jit3A_175 = arith.constant -1.000000e+30 : f32
    %broadcast_in_dim3A_176 = vector.broadcast %jit3A_175 : f32 to vector<64x128xf32>
    %select_n3A_177 = arith.select %and3A_171, %add3A_68, %broadcast_in_dim3A_176 : vector<64x128xi1>, vector<64x128xf32>
    %reduce_max3A_178 = arith.constant dense<0xFF800000> : vector<64xf32>
    %reduce_max3A_179 = vector.multi_reduction <maximumf>, %select_n3A_174, %reduce_max3A_178 [1] : vector<64x128xf32> to vector<64xf32>
    %broadcast_in_dim3A_180 = vector.shape_cast %reduce_max3A_179 : vector<64xf32> to vector<64x1xf32>
    %reduce_max3A_181 = arith.constant dense<0xFF800000> : vector<64xf32>
    %reduce_max3A_182 = vector.multi_reduction <maximumf>, %select_n3A_177, %reduce_max3A_181 [1] : vector<64x128xf32> to vector<64xf32>
    %broadcast_in_dim3A_183 = vector.shape_cast %reduce_max3A_182 : vector<64xf32> to vector<64x1xf32>
    %eq3A_184 = vector.broadcast %broadcast_in_dim3A_180 : vector<64x1xf32> to vector<64x128xf32>
    %eq3A_185 = arith.cmpf oeq, %select_n3A_174, %eq3A_184 : vector<64x128xf32>
    %jit3A_186 = arith.constant 128 : i32
    %broadcast_in_dim3A_187 = vector.broadcast %jit3A_186 : i32 to vector<64x128xi32>
    %select_n3A_188 = arith.select %eq3A_185, %iota3A, %broadcast_in_dim3A_187 : vector<64x128xi1>, vector<64x128xi32>
    %reduce_min3A_189 = arith.constant dense<2147483647> : vector<64xi32>
    %reduce_min3A_190 = vector.multi_reduction <minsi>, %select_n3A_188, %reduce_min3A_189 [1] : vector<64x128xi32> to vector<64xi32>
    %broadcast_in_dim3A_191 = vector.shape_cast %reduce_min3A_190 : vector<64xi32> to vector<64x1xi32>
    %eq3A_192 = vector.broadcast %broadcast_in_dim3A_183 : vector<64x1xf32> to vector<64x128xf32>
    %eq3A_193 = arith.cmpf oeq, %select_n3A_177, %eq3A_192 : vector<64x128xf32>
    %jit3A_194 = arith.constant 128 : i32
    %broadcast_in_dim3A_195 = vector.broadcast %jit3A_194 : i32 to vector<64x128xi32>
    %select_n3A_196 = arith.select %eq3A_193, %iota3A, %broadcast_in_dim3A_195 : vector<64x128xi1>, vector<64x128xi32>
    %reduce_min3A_197 = arith.constant dense<2147483647> : vector<64xi32>
    %reduce_min3A_198 = vector.multi_reduction <minsi>, %select_n3A_196, %reduce_min3A_197 [1] : vector<64x128xi32> to vector<64xi32>
    %broadcast_in_dim3A_199 = vector.shape_cast %reduce_min3A_198 : vector<64xi32> to vector<64x1xi32>
    %ne3A_200 = vector.broadcast %broadcast_in_dim3A_191 : vector<64x1xi32> to vector<64x128xi32>
    %ne3A_201 = arith.cmpi ne, %iota3A, %ne3A_200 : vector<64x128xi32>
    %and3A_202 = arith.andi %and3A_168, %ne3A_201 : vector<64x128xi1>
    %ne3A_203 = vector.broadcast %broadcast_in_dim3A_199 : vector<64x1xi32> to vector<64x128xi32>
    %ne3A_204 = arith.cmpi ne, %iota3A, %ne3A_203 : vector<64x128xi32>
    %and3A_205 = arith.andi %and3A_171, %ne3A_204 : vector<64x128xi1>
    %jit3A_206 = arith.constant -1.000000e+30 : f32
    %broadcast_in_dim3A_207 = vector.broadcast %jit3A_206 : f32 to vector<64x128xf32>
    %select_n3A_208 = arith.select %and3A_202, %add3A_68, %broadcast_in_dim3A_207 : vector<64x128xi1>, vector<64x128xf32>
    %jit3A_209 = arith.constant -1.000000e+30 : f32
    %broadcast_in_dim3A_210 = vector.broadcast %jit3A_209 : f32 to vector<64x128xf32>
    %select_n3A_211 = arith.select %and3A_205, %add3A_68, %broadcast_in_dim3A_210 : vector<64x128xi1>, vector<64x128xf32>
    %reduce_max3A_212 = arith.constant dense<0xFF800000> : vector<64xf32>
    %reduce_max3A_213 = vector.multi_reduction <maximumf>, %select_n3A_208, %reduce_max3A_212 [1] : vector<64x128xf32> to vector<64xf32>
    %broadcast_in_dim3A_214 = vector.shape_cast %reduce_max3A_213 : vector<64xf32> to vector<64x1xf32>
    %reduce_max3A_215 = arith.constant dense<0xFF800000> : vector<64xf32>
    %reduce_max3A_216 = vector.multi_reduction <maximumf>, %select_n3A_211, %reduce_max3A_215 [1] : vector<64x128xf32> to vector<64xf32>
    %broadcast_in_dim3A_217 = vector.shape_cast %reduce_max3A_216 : vector<64xf32> to vector<64x1xf32>
    %eq3A_218 = vector.broadcast %broadcast_in_dim3A_214 : vector<64x1xf32> to vector<64x128xf32>
    %eq3A_219 = arith.cmpf oeq, %select_n3A_208, %eq3A_218 : vector<64x128xf32>
    %jit3A_220 = arith.constant 128 : i32
    %broadcast_in_dim3A_221 = vector.broadcast %jit3A_220 : i32 to vector<64x128xi32>
    %select_n3A_222 = arith.select %eq3A_219, %iota3A, %broadcast_in_dim3A_221 : vector<64x128xi1>, vector<64x128xi32>
    %reduce_min3A_223 = arith.constant dense<2147483647> : vector<64xi32>
    %reduce_min3A_224 = vector.multi_reduction <minsi>, %select_n3A_222, %reduce_min3A_223 [1] : vector<64x128xi32> to vector<64xi32>
    %broadcast_in_dim3A_225 = vector.shape_cast %reduce_min3A_224 : vector<64xi32> to vector<64x1xi32>
    %eq3A_226 = vector.broadcast %broadcast_in_dim3A_217 : vector<64x1xf32> to vector<64x128xf32>
    %eq3A_227 = arith.cmpf oeq, %select_n3A_211, %eq3A_226 : vector<64x128xf32>
    %jit3A_228 = arith.constant 128 : i32
    %broadcast_in_dim3A_229 = vector.broadcast %jit3A_228 : i32 to vector<64x128xi32>
    %select_n3A_230 = arith.select %eq3A_227, %iota3A, %broadcast_in_dim3A_229 : vector<64x128xi1>, vector<64x128xi32>
    %reduce_min3A_231 = arith.constant dense<2147483647> : vector<64xi32>
    %reduce_min3A_232 = vector.multi_reduction <minsi>, %select_n3A_230, %reduce_min3A_231 [1] : vector<64x128xi32> to vector<64xi32>
    %broadcast_in_dim3A_233 = vector.shape_cast %reduce_min3A_232 : vector<64xi32> to vector<64x1xi32>
    %ne3A_234 = vector.broadcast %broadcast_in_dim3A_225 : vector<64x1xi32> to vector<64x128xi32>
    %ne3A_235 = arith.cmpi ne, %iota3A, %ne3A_234 : vector<64x128xi32>
    %and3A_236 = arith.andi %and3A_202, %ne3A_235 : vector<64x128xi1>
    %ne3A_237 = vector.broadcast %broadcast_in_dim3A_233 : vector<64x1xi32> to vector<64x128xi32>
    %ne3A_238 = arith.cmpi ne, %iota3A, %ne3A_237 : vector<64x128xi32>
    %and3A_239 = arith.andi %and3A_205, %ne3A_238 : vector<64x128xi1>
    %jit3A_240 = arith.constant -1.000000e+30 : f32
    %broadcast_in_dim3A_241 = vector.broadcast %jit3A_240 : f32 to vector<64x128xf32>
    %select_n3A_242 = arith.select %and3A_236, %add3A_68, %broadcast_in_dim3A_241 : vector<64x128xi1>, vector<64x128xf32>
    %jit3A_243 = arith.constant -1.000000e+30 : f32
    %broadcast_in_dim3A_244 = vector.broadcast %jit3A_243 : f32 to vector<64x128xf32>
    %select_n3A_245 = arith.select %and3A_239, %add3A_68, %broadcast_in_dim3A_244 : vector<64x128xi1>, vector<64x128xf32>
    %reduce_max3A_246 = arith.constant dense<0xFF800000> : vector<64xf32>
    %reduce_max3A_247 = vector.multi_reduction <maximumf>, %select_n3A_242, %reduce_max3A_246 [1] : vector<64x128xf32> to vector<64xf32>
    %broadcast_in_dim3A_248 = vector.shape_cast %reduce_max3A_247 : vector<64xf32> to vector<64x1xf32>
    %reduce_max3A_249 = arith.constant dense<0xFF800000> : vector<64xf32>
    %reduce_max3A_250 = vector.multi_reduction <maximumf>, %select_n3A_245, %reduce_max3A_249 [1] : vector<64x128xf32> to vector<64xf32>
    %broadcast_in_dim3A_251 = vector.shape_cast %reduce_max3A_250 : vector<64xf32> to vector<64x1xf32>
    %eq3A_252 = vector.broadcast %broadcast_in_dim3A_248 : vector<64x1xf32> to vector<64x128xf32>
    %eq3A_253 = arith.cmpf oeq, %select_n3A_242, %eq3A_252 : vector<64x128xf32>
    %jit3A_254 = arith.constant 128 : i32
    %broadcast_in_dim3A_255 = vector.broadcast %jit3A_254 : i32 to vector<64x128xi32>
    %select_n3A_256 = arith.select %eq3A_253, %iota3A, %broadcast_in_dim3A_255 : vector<64x128xi1>, vector<64x128xi32>
    %reduce_min3A_257 = arith.constant dense<2147483647> : vector<64xi32>
    %reduce_min3A_258 = vector.multi_reduction <minsi>, %select_n3A_256, %reduce_min3A_257 [1] : vector<64x128xi32> to vector<64xi32>
    %broadcast_in_dim3A_259 = vector.shape_cast %reduce_min3A_258 : vector<64xi32> to vector<64x1xi32>
    %eq3A_260 = vector.broadcast %broadcast_in_dim3A_251 : vector<64x1xf32> to vector<64x128xf32>
    %eq3A_261 = arith.cmpf oeq, %select_n3A_245, %eq3A_260 : vector<64x128xf32>
    %jit3A_262 = arith.constant 128 : i32
    %broadcast_in_dim3A_263 = vector.broadcast %jit3A_262 : i32 to vector<64x128xi32>
    %select_n3A_264 = arith.select %eq3A_261, %iota3A, %broadcast_in_dim3A_263 : vector<64x128xi1>, vector<64x128xi32>
    %reduce_min3A_265 = arith.constant dense<2147483647> : vector<64xi32>
    %reduce_min3A_266 = vector.multi_reduction <minsi>, %select_n3A_264, %reduce_min3A_265 [1] : vector<64x128xi32> to vector<64xi32>
    %broadcast_in_dim3A_267 = vector.shape_cast %reduce_min3A_266 : vector<64xi32> to vector<64x1xi32>
    %ne3A_268 = vector.broadcast %broadcast_in_dim3A_259 : vector<64x1xi32> to vector<64x128xi32>
    %ne3A_269 = arith.cmpi ne, %iota3A, %ne3A_268 : vector<64x128xi32>
    %and3A_270 = arith.andi %and3A_236, %ne3A_269 : vector<64x128xi1>
    %ne3A_271 = vector.broadcast %broadcast_in_dim3A_267 : vector<64x1xi32> to vector<64x128xi32>
    %ne3A_272 = arith.cmpi ne, %iota3A, %ne3A_271 : vector<64x128xi32>
    %and3A_273 = arith.andi %and3A_239, %ne3A_272 : vector<64x128xi1>
    %jit3A_274 = arith.constant -1.000000e+30 : f32
    %broadcast_in_dim3A_275 = vector.broadcast %jit3A_274 : f32 to vector<64x128xf32>
    %select_n3A_276 = arith.select %and3A_270, %add3A_68, %broadcast_in_dim3A_275 : vector<64x128xi1>, vector<64x128xf32>
    %jit3A_277 = arith.constant -1.000000e+30 : f32
    %broadcast_in_dim3A_278 = vector.broadcast %jit3A_277 : f32 to vector<64x128xf32>
    %select_n3A_279 = arith.select %and3A_273, %add3A_68, %broadcast_in_dim3A_278 : vector<64x128xi1>, vector<64x128xf32>
    %reduce_max3A_280 = arith.constant dense<0xFF800000> : vector<64xf32>
    %reduce_max3A_281 = vector.multi_reduction <maximumf>, %select_n3A_276, %reduce_max3A_280 [1] : vector<64x128xf32> to vector<64xf32>
    %broadcast_in_dim3A_282 = vector.shape_cast %reduce_max3A_281 : vector<64xf32> to vector<64x1xf32>
    %reduce_max3A_283 = arith.constant dense<0xFF800000> : vector<64xf32>
    %reduce_max3A_284 = vector.multi_reduction <maximumf>, %select_n3A_279, %reduce_max3A_283 [1] : vector<64x128xf32> to vector<64xf32>
    %broadcast_in_dim3A_285 = vector.shape_cast %reduce_max3A_284 : vector<64xf32> to vector<64x1xf32>
    %eq3A_286 = vector.broadcast %broadcast_in_dim3A_282 : vector<64x1xf32> to vector<64x128xf32>
    %eq3A_287 = arith.cmpf oeq, %select_n3A_276, %eq3A_286 : vector<64x128xf32>
    %jit3A_288 = arith.constant 128 : i32
    %broadcast_in_dim3A_289 = vector.broadcast %jit3A_288 : i32 to vector<64x128xi32>
    %select_n3A_290 = arith.select %eq3A_287, %iota3A, %broadcast_in_dim3A_289 : vector<64x128xi1>, vector<64x128xi32>
    %reduce_min3A_291 = arith.constant dense<2147483647> : vector<64xi32>
    %reduce_min3A_292 = vector.multi_reduction <minsi>, %select_n3A_290, %reduce_min3A_291 [1] : vector<64x128xi32> to vector<64xi32>
    %broadcast_in_dim3A_293 = vector.shape_cast %reduce_min3A_292 : vector<64xi32> to vector<64x1xi32>
    %eq3A_294 = vector.broadcast %broadcast_in_dim3A_285 : vector<64x1xf32> to vector<64x128xf32>
    %eq3A_295 = arith.cmpf oeq, %select_n3A_279, %eq3A_294 : vector<64x128xf32>
    %jit3A_296 = arith.constant 128 : i32
    %broadcast_in_dim3A_297 = vector.broadcast %jit3A_296 : i32 to vector<64x128xi32>
    %select_n3A_298 = arith.select %eq3A_295, %iota3A, %broadcast_in_dim3A_297 : vector<64x128xi1>, vector<64x128xi32>
    %reduce_min3A_299 = arith.constant dense<2147483647> : vector<64xi32>
    %reduce_min3A_300 = vector.multi_reduction <minsi>, %select_n3A_298, %reduce_min3A_299 [1] : vector<64x128xi32> to vector<64xi32>
    %broadcast_in_dim3A_301 = vector.shape_cast %reduce_min3A_300 : vector<64xi32> to vector<64x1xi32>
    %ne3A_302 = vector.broadcast %broadcast_in_dim3A_293 : vector<64x1xi32> to vector<64x128xi32>
    %ne3A_303 = arith.cmpi ne, %iota3A, %ne3A_302 : vector<64x128xi32>
    %and3A_304 = arith.andi %and3A_270, %ne3A_303 : vector<64x128xi1>
    %ne3A_305 = vector.broadcast %broadcast_in_dim3A_301 : vector<64x1xi32> to vector<64x128xi32>
    %ne3A_306 = arith.cmpi ne, %iota3A, %ne3A_305 : vector<64x128xi32>
    %and3A_307 = arith.andi %and3A_273, %ne3A_306 : vector<64x128xi1>
    %jit3A_308 = arith.constant -1.000000e+30 : f32
    %broadcast_in_dim3A_309 = vector.broadcast %jit3A_308 : f32 to vector<64x128xf32>
    %select_n3A_310 = arith.select %and3A_304, %add3A_68, %broadcast_in_dim3A_309 : vector<64x128xi1>, vector<64x128xf32>
    %jit3A_311 = arith.constant -1.000000e+30 : f32
    %broadcast_in_dim3A_312 = vector.broadcast %jit3A_311 : f32 to vector<64x128xf32>
    %select_n3A_313 = arith.select %and3A_307, %add3A_68, %broadcast_in_dim3A_312 : vector<64x128xi1>, vector<64x128xf32>
    %reduce_max3A_314 = arith.constant dense<0xFF800000> : vector<64xf32>
    %reduce_max3A_315 = vector.multi_reduction <maximumf>, %select_n3A_310, %reduce_max3A_314 [1] : vector<64x128xf32> to vector<64xf32>
    %broadcast_in_dim3A_316 = vector.shape_cast %reduce_max3A_315 : vector<64xf32> to vector<64x1xf32>
    %reduce_max3A_317 = arith.constant dense<0xFF800000> : vector<64xf32>
    %reduce_max3A_318 = vector.multi_reduction <maximumf>, %select_n3A_313, %reduce_max3A_317 [1] : vector<64x128xf32> to vector<64xf32>
    %broadcast_in_dim3A_319 = vector.shape_cast %reduce_max3A_318 : vector<64xf32> to vector<64x1xf32>
    %eq3A_320 = vector.broadcast %broadcast_in_dim3A_316 : vector<64x1xf32> to vector<64x128xf32>
    %eq3A_321 = arith.cmpf oeq, %select_n3A_310, %eq3A_320 : vector<64x128xf32>
    %jit3A_322 = arith.constant 128 : i32
    %broadcast_in_dim3A_323 = vector.broadcast %jit3A_322 : i32 to vector<64x128xi32>
    %select_n3A_324 = arith.select %eq3A_321, %iota3A, %broadcast_in_dim3A_323 : vector<64x128xi1>, vector<64x128xi32>
    %reduce_min3A_325 = arith.constant dense<2147483647> : vector<64xi32>
    %reduce_min3A_326 = vector.multi_reduction <minsi>, %select_n3A_324, %reduce_min3A_325 [1] : vector<64x128xi32> to vector<64xi32>
    %broadcast_in_dim3A_327 = vector.shape_cast %reduce_min3A_326 : vector<64xi32> to vector<64x1xi32>
    %eq3A_328 = vector.broadcast %broadcast_in_dim3A_319 : vector<64x1xf32> to vector<64x128xf32>
    %eq3A_329 = arith.cmpf oeq, %select_n3A_313, %eq3A_328 : vector<64x128xf32>
    %jit3A_330 = arith.constant 128 : i32
    %broadcast_in_dim3A_331 = vector.broadcast %jit3A_330 : i32 to vector<64x128xi32>
    %select_n3A_332 = arith.select %eq3A_329, %iota3A, %broadcast_in_dim3A_331 : vector<64x128xi1>, vector<64x128xi32>
    %reduce_min3A_333 = arith.constant dense<2147483647> : vector<64xi32>
    %reduce_min3A_334 = vector.multi_reduction <minsi>, %select_n3A_332, %reduce_min3A_333 [1] : vector<64x128xi32> to vector<64xi32>
    %broadcast_in_dim3A_335 = vector.shape_cast %reduce_min3A_334 : vector<64xi32> to vector<64x1xi32>
    %ne3A_336 = vector.broadcast %broadcast_in_dim3A_327 : vector<64x1xi32> to vector<64x128xi32>
    %ne3A_337 = arith.cmpi ne, %iota3A, %ne3A_336 : vector<64x128xi32>
    %and3A_338 = arith.andi %and3A_304, %ne3A_337 : vector<64x128xi1>
    %ne3A_339 = vector.broadcast %broadcast_in_dim3A_335 : vector<64x1xi32> to vector<64x128xi32>
    %ne3A_340 = arith.cmpi ne, %iota3A, %ne3A_339 : vector<64x128xi32>
    %and3A_341 = arith.andi %and3A_307, %ne3A_340 : vector<64x128xi1>
    %jit3A_342 = arith.constant -1.000000e+30 : f32
    %broadcast_in_dim3A_343 = vector.broadcast %jit3A_342 : f32 to vector<64x128xf32>
    %select_n3A_344 = arith.select %and3A_338, %add3A_68, %broadcast_in_dim3A_343 : vector<64x128xi1>, vector<64x128xf32>
    %jit3A_345 = arith.constant -1.000000e+30 : f32
    %broadcast_in_dim3A_346 = vector.broadcast %jit3A_345 : f32 to vector<64x128xf32>
    %select_n3A_347 = arith.select %and3A_341, %add3A_68, %broadcast_in_dim3A_346 : vector<64x128xi1>, vector<64x128xf32>
    %reduce_max3A_348 = arith.constant dense<0xFF800000> : vector<64xf32>
    %reduce_max3A_349 = vector.multi_reduction <maximumf>, %select_n3A_344, %reduce_max3A_348 [1] : vector<64x128xf32> to vector<64xf32>
    %broadcast_in_dim3A_350 = vector.shape_cast %reduce_max3A_349 : vector<64xf32> to vector<64x1xf32>
    %reduce_max3A_351 = arith.constant dense<0xFF800000> : vector<64xf32>
    %reduce_max3A_352 = vector.multi_reduction <maximumf>, %select_n3A_347, %reduce_max3A_351 [1] : vector<64x128xf32> to vector<64xf32>
    %broadcast_in_dim3A_353 = vector.shape_cast %reduce_max3A_352 : vector<64xf32> to vector<64x1xf32>
    %eq3A_354 = vector.broadcast %broadcast_in_dim3A_350 : vector<64x1xf32> to vector<64x128xf32>
    %eq3A_355 = arith.cmpf oeq, %select_n3A_344, %eq3A_354 : vector<64x128xf32>
    %jit3A_356 = arith.constant 128 : i32
    %broadcast_in_dim3A_357 = vector.broadcast %jit3A_356 : i32 to vector<64x128xi32>
    %select_n3A_358 = arith.select %eq3A_355, %iota3A, %broadcast_in_dim3A_357 : vector<64x128xi1>, vector<64x128xi32>
    %reduce_min3A_359 = arith.constant dense<2147483647> : vector<64xi32>
    %reduce_min3A_360 = vector.multi_reduction <minsi>, %select_n3A_358, %reduce_min3A_359 [1] : vector<64x128xi32> to vector<64xi32>
    %broadcast_in_dim3A_361 = vector.shape_cast %reduce_min3A_360 : vector<64xi32> to vector<64x1xi32>
    %eq3A_362 = vector.broadcast %broadcast_in_dim3A_353 : vector<64x1xf32> to vector<64x128xf32>
    %eq3A_363 = arith.cmpf oeq, %select_n3A_347, %eq3A_362 : vector<64x128xf32>
    %jit3A_364 = arith.constant 128 : i32
    %broadcast_in_dim3A_365 = vector.broadcast %jit3A_364 : i32 to vector<64x128xi32>
    %select_n3A_366 = arith.select %eq3A_363, %iota3A, %broadcast_in_dim3A_365 : vector<64x128xi1>, vector<64x128xi32>
    %reduce_min3A_367 = arith.constant dense<2147483647> : vector<64xi32>
    %reduce_min3A_368 = vector.multi_reduction <minsi>, %select_n3A_366, %reduce_min3A_367 [1] : vector<64x128xi32> to vector<64xi32>
    %broadcast_in_dim3A_369 = vector.shape_cast %reduce_min3A_368 : vector<64xi32> to vector<64x1xi32>
    %ne3A_370 = vector.broadcast %broadcast_in_dim3A_361 : vector<64x1xi32> to vector<64x128xi32>
    %ne3A_371 = arith.cmpi ne, %iota3A, %ne3A_370 : vector<64x128xi32>
    %and3A_372 = arith.andi %and3A_338, %ne3A_371 : vector<64x128xi1>
    %ne3A_373 = vector.broadcast %broadcast_in_dim3A_369 : vector<64x1xi32> to vector<64x128xi32>
    %ne3A_374 = arith.cmpi ne, %iota3A, %ne3A_373 : vector<64x128xi32>
    %and3A_375 = arith.andi %and3A_341, %ne3A_374 : vector<64x128xi1>
    %jit3A_376 = arith.constant -1.000000e+30 : f32
    %broadcast_in_dim3A_377 = vector.broadcast %jit3A_376 : f32 to vector<64x128xf32>
    %select_n3A_378 = arith.select %and3A_372, %add3A_68, %broadcast_in_dim3A_377 : vector<64x128xi1>, vector<64x128xf32>
    %jit3A_379 = arith.constant -1.000000e+30 : f32
    %broadcast_in_dim3A_380 = vector.broadcast %jit3A_379 : f32 to vector<64x128xf32>
    %select_n3A_381 = arith.select %and3A_375, %add3A_68, %broadcast_in_dim3A_380 : vector<64x128xi1>, vector<64x128xf32>
    %reduce_max3A_382 = arith.constant dense<0xFF800000> : vector<64xf32>
    %reduce_max3A_383 = vector.multi_reduction <maximumf>, %select_n3A_378, %reduce_max3A_382 [1] : vector<64x128xf32> to vector<64xf32>
    %broadcast_in_dim3A_384 = vector.shape_cast %reduce_max3A_383 : vector<64xf32> to vector<64x1xf32>
    %reduce_max3A_385 = arith.constant dense<0xFF800000> : vector<64xf32>
    %reduce_max3A_386 = vector.multi_reduction <maximumf>, %select_n3A_381, %reduce_max3A_385 [1] : vector<64x128xf32> to vector<64xf32>
    %broadcast_in_dim3A_387 = vector.shape_cast %reduce_max3A_386 : vector<64xf32> to vector<64x1xf32>
    %eq3A_388 = vector.broadcast %broadcast_in_dim3A_384 : vector<64x1xf32> to vector<64x128xf32>
    %eq3A_389 = arith.cmpf oeq, %select_n3A_378, %eq3A_388 : vector<64x128xf32>
    %jit3A_390 = arith.constant 128 : i32
    %broadcast_in_dim3A_391 = vector.broadcast %jit3A_390 : i32 to vector<64x128xi32>
    %select_n3A_392 = arith.select %eq3A_389, %iota3A, %broadcast_in_dim3A_391 : vector<64x128xi1>, vector<64x128xi32>
    %reduce_min3A_393 = arith.constant dense<2147483647> : vector<64xi32>
    %reduce_min3A_394 = vector.multi_reduction <minsi>, %select_n3A_392, %reduce_min3A_393 [1] : vector<64x128xi32> to vector<64xi32>
    %broadcast_in_dim3A_395 = vector.shape_cast %reduce_min3A_394 : vector<64xi32> to vector<64x1xi32>
    %eq3A_396 = vector.broadcast %broadcast_in_dim3A_387 : vector<64x1xf32> to vector<64x128xf32>
    %eq3A_397 = arith.cmpf oeq, %select_n3A_381, %eq3A_396 : vector<64x128xf32>
    %jit3A_398 = arith.constant 128 : i32
    %broadcast_in_dim3A_399 = vector.broadcast %jit3A_398 : i32 to vector<64x128xi32>
    %select_n3A_400 = arith.select %eq3A_397, %iota3A, %broadcast_in_dim3A_399 : vector<64x128xi1>, vector<64x128xi32>
    %reduce_min3A_401 = arith.constant dense<2147483647> : vector<64xi32>
    %reduce_min3A_402 = vector.multi_reduction <minsi>, %select_n3A_400, %reduce_min3A_401 [1] : vector<64x128xi32> to vector<64xi32>
    %broadcast_in_dim3A_403 = vector.shape_cast %reduce_min3A_402 : vector<64xi32> to vector<64x1xi32>
    %mul3A_404 = arith.constant 64 : i32
    %mul3A_405 = arith.muli %arg0, %mul3A_404 : i32
    %iota3A_406 = tpu.iota {dimensions = array<i32: 0>} : vector<64x1xi32>
    %add3A_407 = vector.broadcast %mul3A_405 : i32 to vector<64x1xi32>
    %add3A_408 = arith.addi %add3A_407, %iota3A_406 : vector<64x1xi32>
    %concatenate3A_409 = tpu.concatenate %broadcast_in_dim3A_90, %broadcast_in_dim3A_123, %broadcast_in_dim3A_157, %broadcast_in_dim3A_191, %broadcast_in_dim3A_225, %broadcast_in_dim3A_259, %broadcast_in_dim3A_293, %broadcast_in_dim3A_327, %broadcast_in_dim3A_361, %broadcast_in_dim3A_395 in 1 : vector<64x1xi32>, vector<64x1xi32>, vector<64x1xi32>, vector<64x1xi32>, vector<64x1xi32>, vector<64x1xi32>, vector<64x1xi32>, vector<64x1xi32>, vector<64x1xi32>, vector<64x1xi32> -> vector<64x10xi32>
    %mul3A_410 = arith.constant 100 : i32
    %mul3A_411 = vector.broadcast %mul3A_410 : i32 to vector<64x1xi32>
    %mul3A_412 = arith.muli %add3A_408, %mul3A_411 : vector<64x1xi32>
    %add3A_413 = vector.broadcast %mul3A_412 : vector<64x1xi32> to vector<64x10xi32>
    %add3A_414 = arith.addi %concatenate3A_409, %add3A_413 : vector<64x10xi32>
    %concatenate3A_415 = tpu.concatenate %broadcast_in_dim3A_98, %broadcast_in_dim3A_131, %broadcast_in_dim3A_165, %broadcast_in_dim3A_199, %broadcast_in_dim3A_233, %broadcast_in_dim3A_267, %broadcast_in_dim3A_301, %broadcast_in_dim3A_335, %broadcast_in_dim3A_369, %broadcast_in_dim3A_403 in 1 : vector<64x1xi32>, vector<64x1xi32>, vector<64x1xi32>, vector<64x1xi32>, vector<64x1xi32>, vector<64x1xi32>, vector<64x1xi32>, vector<64x1xi32>, vector<64x1xi32>, vector<64x1xi32> -> vector<64x10xi32>
    %sub3A = arith.constant 100 : i32
    %sub3A_416 = vector.broadcast %sub3A : i32 to vector<64x10xi32>
    %sub3A_417 = arith.subi %concatenate3A_415, %sub3A_416 : vector<64x10xi32>
    %mul3A_418 = arith.constant 26 : i32
    %mul3A_419 = vector.broadcast %mul3A_418 : i32 to vector<64x1xi32>
    %mul3A_420 = arith.muli %add3A_408, %mul3A_419 : vector<64x1xi32>
    %add3A_421 = vector.broadcast %mul3A_420 : vector<64x1xi32> to vector<64x10xi32>
    %add3A_422 = arith.addi %sub3A_417, %add3A_421 : vector<64x10xi32>
    %jit3A_423 = arith.constant 4 : i32
    %div3A = vector.broadcast %jit3A_423 : i32 to vector<64x10xi32>
    %div3A_424 = arith.divsi %add3A_414, %div3A : vector<64x10xi32>
    %sign3A = arith.constant 0 : i32
    %sign3A_425 = vector.broadcast %sign3A : i32 to vector<64x10xi32>
    %sign3A_426 = arith.cmpi sgt, %add3A_414, %sign3A_425 : vector<64x10xi32>
    %sign3A_427 = arith.extui %sign3A_426 : vector<64x10xi1> to vector<64x10xi32>
    %sign3A_428 = arith.constant 0 : i32
    %sign3A_429 = vector.broadcast %sign3A_428 : i32 to vector<64x10xi32>
    %sign3A_430 = arith.cmpi slt, %add3A_414, %sign3A_429 : vector<64x10xi32>
    %sign3A_431 = arith.extui %sign3A_430 : vector<64x10xi1> to vector<64x10xi32>
    %sign3A_432 = arith.subi %sign3A_427, %sign3A_431 : vector<64x10xi32>
    %sign3A_433 = arith.constant 0 : i32
    %sign3A_434 = arith.cmpi sgt, %jit3A_423, %sign3A_433 : i32
    %sign3A_435 = arith.extui %sign3A_434 : i1 to i32
    %sign3A_436 = arith.constant 0 : i32
    %sign3A_437 = arith.cmpi slt, %jit3A_423, %sign3A_436 : i32
    %sign3A_438 = arith.extui %sign3A_437 : i1 to i32
    %sign3A_439 = arith.subi %sign3A_435, %sign3A_438 : i32
    %ne3A_440 = vector.broadcast %sign3A_439 : i32 to vector<64x10xi32>
    %ne3A_441 = arith.cmpi ne, %sign3A_432, %ne3A_440 : vector<64x10xi32>
    %rem3A = vector.broadcast %jit3A_423 : i32 to vector<64x10xi32>
    %rem3A_442 = arith.remsi %add3A_414, %rem3A : vector<64x10xi32>
    %ne3A_443 = arith.constant 0 : i32
    %ne3A_444 = vector.broadcast %ne3A_443 : i32 to vector<64x10xi32>
    %ne3A_445 = arith.cmpi ne, %rem3A_442, %ne3A_444 : vector<64x10xi32>
    %and3A_446 = arith.andi %ne3A_441, %ne3A_445 : vector<64x10xi1>
    %sub3A_447 = arith.constant 1 : i32
    %sub3A_448 = vector.broadcast %sub3A_447 : i32 to vector<64x10xi32>
    %sub3A_449 = arith.subi %div3A_424, %sub3A_448 : vector<64x10xi32>
    %select_n3A_450 = arith.select %and3A_446, %sub3A_449, %div3A_424 : vector<64x10xi1>, vector<64x10xi32>
    %swap3A = arith.constant 0 : index
    %swap3A_451 = arith.constant 0 : index
    %swap3A_452 = vector.load %arg7[%swap3A, %swap3A_451] : memref<64x10xi32, #tpu.memory_space<vmem>>, vector<64x10xi32>
    tpu.vector_store %arg7[%swap3A, %swap3A_451], %select_n3A_450 {strides = array<i32>} : memref<64x10xi32, #tpu.memory_space<vmem>>, vector<64x10xi32>,
    %jit3A_453 = arith.constant 4 : i32
    %eq3A_454 = arith.constant 0 : i32
    %eq3A_455 = arith.cmpi eq, %jit3A_453, %eq3A_454 : i32
    %jit3A_456 = arith.constant 1 : i32
    %select_n3A_457 = arith.select %eq3A_455, %jit3A_456, %jit3A_453 : i32
    %rem3A_458 = vector.broadcast %select_n3A_457 : i32 to vector<64x10xi32>
    %rem3A_459 = arith.remsi %add3A_414, %rem3A_458 : vector<64x10xi32>
    %ne3A_460 = arith.constant 0 : i32
    %ne3A_461 = vector.broadcast %ne3A_460 : i32 to vector<64x10xi32>
    %ne3A_462 = arith.cmpi ne, %rem3A_459, %ne3A_461 : vector<64x10xi32>
    %lt3A_463 = arith.constant 0 : i32
    %lt3A_464 = vector.broadcast %lt3A_463 : i32 to vector<64x10xi32>
    %lt3A_465 = arith.cmpi slt, %rem3A_459, %lt3A_464 : vector<64x10xi32>
    %lt3A_466 = arith.constant 0 : i32
    %lt3A_467 = arith.cmpi slt, %select_n3A_457, %lt3A_466 : i32
    %ne3A_468 = vector.broadcast %lt3A_467 : i1 to vector<64x10xi1>
    %ne3A_469 = vector.broadcast %ne3A_468 : vector<64x10xi1> to vector<64x10xi1>
    %ne3A_470 = arith.xori %lt3A_465, %ne3A_469 : vector<64x10xi1>
    %and3A_471 = arith.andi %ne3A_470, %ne3A_462 : vector<64x10xi1>
    %add3A_472 = vector.broadcast %select_n3A_457 : i32 to vector<64x10xi32>
    %add3A_473 = arith.addi %rem3A_459, %add3A_472 : vector<64x10xi32>
    %select_n3A_474 = arith.select %and3A_471, %add3A_473, %rem3A_459 : vector<64x10xi1>, vector<64x10xi32>
    %swap3A_475 = arith.constant 0 : index
    %swap3A_476 = arith.constant 0 : index
    %swap3A_477 = vector.load %arg8[%swap3A_475, %swap3A_476] : memref<64x10xi32, #tpu.memory_space<vmem>>, vector<64x10xi32>
    tpu.vector_store %arg8[%swap3A_475, %swap3A_476], %select_n3A_474 {strides = array<i32>} : memref<64x10xi32, #tpu.memory_space<vmem>>, vector<64x10xi32>,
    %jit3A_478 = arith.constant 4 : i32
    %div3A_479 = vector.broadcast %jit3A_478 : i32 to vector<64x10xi32>
    %div3A_480 = arith.divsi %add3A_422, %div3A_479 : vector<64x10xi32>
    %sign3A_481 = arith.constant 0 : i32
    %sign3A_482 = vector.broadcast %sign3A_481 : i32 to vector<64x10xi32>
    %sign3A_483 = arith.cmpi sgt, %add3A_422, %sign3A_482 : vector<64x10xi32>
    %sign3A_484 = arith.extui %sign3A_483 : vector<64x10xi1> to vector<64x10xi32>
    %sign3A_485 = arith.constant 0 : i32
    %sign3A_486 = vector.broadcast %sign3A_485 : i32 to vector<64x10xi32>
    %sign3A_487 = arith.cmpi slt, %add3A_422, %sign3A_486 : vector<64x10xi32>
    %sign3A_488 = arith.extui %sign3A_487 : vector<64x10xi1> to vector<64x10xi32>
    %sign3A_489 = arith.subi %sign3A_484, %sign3A_488 : vector<64x10xi32>
    %sign3A_490 = arith.constant 0 : i32
    %sign3A_491 = arith.cmpi sgt, %jit3A_478, %sign3A_490 : i32
    %sign3A_492 = arith.extui %sign3A_491 : i1 to i32
    %sign3A_493 = arith.constant 0 : i32
    %sign3A_494 = arith.cmpi slt, %jit3A_478, %sign3A_493 : i32
    %sign3A_495 = arith.extui %sign3A_494 : i1 to i32
    %sign3A_496 = arith.subi %sign3A_492, %sign3A_495 : i32
    %ne3A_497 = vector.broadcast %sign3A_496 : i32 to vector<64x10xi32>
    %ne3A_498 = arith.cmpi ne, %sign3A_489, %ne3A_497 : vector<64x10xi32>
    %rem3A_499 = vector.broadcast %jit3A_478 : i32 to vector<64x10xi32>
    %rem3A_500 = arith.remsi %add3A_422, %rem3A_499 : vector<64x10xi32>
    %ne3A_501 = arith.constant 0 : i32
    %ne3A_502 = vector.broadcast %ne3A_501 : i32 to vector<64x10xi32>
    %ne3A_503 = arith.cmpi ne, %rem3A_500, %ne3A_502 : vector<64x10xi32>
    %and3A_504 = arith.andi %ne3A_498, %ne3A_503 : vector<64x10xi1>
    %sub3A_505 = arith.constant 1 : i32
    %sub3A_506 = vector.broadcast %sub3A_505 : i32 to vector<64x10xi32>
    %sub3A_507 = arith.subi %div3A_480, %sub3A_506 : vector<64x10xi32>
    %select_n3A_508 = arith.select %and3A_504, %sub3A_507, %div3A_480 : vector<64x10xi1>, vector<64x10xi32>
    %swap3A_509 = arith.constant 0 : index
    %swap3A_510 = arith.constant 0 : index
    %swap3A_511 = vector.load %arg9[%swap3A_509, %swap3A_510] : memref<64x10xi32, #tpu.memory_space<vmem>>, vector<64x10xi32>
    tpu.vector_store %arg9[%swap3A_509, %swap3A_510], %select_n3A_508 {strides = array<i32>} : memref<64x10xi32, #tpu.memory_space<vmem>>, vector<64x10xi32>,
    %jit3A_512 = arith.constant 4 : i32
    %eq3A_513 = arith.constant 0 : i32
    %eq3A_514 = arith.cmpi eq, %jit3A_512, %eq3A_513 : i32
    %jit3A_515 = arith.constant 1 : i32
    %select_n3A_516 = arith.select %eq3A_514, %jit3A_515, %jit3A_512 : i32
    %rem3A_517 = vector.broadcast %select_n3A_516 : i32 to vector<64x10xi32>
    %rem3A_518 = arith.remsi %add3A_422, %rem3A_517 : vector<64x10xi32>
    %ne3A_519 = arith.constant 0 : i32
    %ne3A_520 = vector.broadcast %ne3A_519 : i32 to vector<64x10xi32>
    %ne3A_521 = arith.cmpi ne, %rem3A_518, %ne3A_520 : vector<64x10xi32>
    %lt3A_522 = arith.constant 0 : i32
    %lt3A_523 = vector.broadcast %lt3A_522 : i32 to vector<64x10xi32>
    %lt3A_524 = arith.cmpi slt, %rem3A_518, %lt3A_523 : vector<64x10xi32>
    %lt3A_525 = arith.constant 0 : i32
    %lt3A_526 = arith.cmpi slt, %select_n3A_516, %lt3A_525 : i32
    %ne3A_527 = vector.broadcast %lt3A_526 : i1 to vector<64x10xi1>
    %ne3A_528 = vector.broadcast %ne3A_527 : vector<64x10xi1> to vector<64x10xi1>
    %ne3A_529 = arith.xori %lt3A_524, %ne3A_528 : vector<64x10xi1>
    %and3A_530 = arith.andi %ne3A_529, %ne3A_521 : vector<64x10xi1>
    %add3A_531 = vector.broadcast %select_n3A_516 : i32 to vector<64x10xi32>
    %add3A_532 = arith.addi %rem3A_518, %add3A_531 : vector<64x10xi32>
    %select_n3A_533 = arith.select %and3A_530, %add3A_532, %rem3A_518 : vector<64x10xi1>, vector<64x10xi32>
    %swap3A_534 = arith.constant 0 : index
    %swap3A_535 = arith.constant 0 : index
    %swap3A_536 = vector.load %arg10[%swap3A_534, %swap3A_535] : memref<64x10xi32, #tpu.memory_space<vmem>>, vector<64x10xi32>
    tpu.vector_store %arg10[%swap3A_534, %swap3A_535], %select_n3A_533 {strides = array<i32>} : memref<64x10xi32, #tpu.memory_space<vmem>>, vector<64x10xi32>,
    return
  }
  func.func @transform_0(%arg0: i32) -> (i32, i32, i32) {
    %c0_i32 = arith.constant 0 : i32
    %c0_i32_0 = arith.constant 0 : i32
    %c0_i32_1 = arith.constant 0 : i32
    return %arg0, %c0_i32, %c0_i32_0 : i32, i32, i32
  }
  func.func @transform_1(%arg0: i32) -> (i32, i32, i32) {
    %c0_i32 = arith.constant 0 : i32
    %c0_i32_0 = arith.constant 0 : i32
    %c0_i32_1 = arith.constant 0 : i32
    return %arg0, %c0_i32, %c0_i32_0 : i32, i32, i32
  }
  func.func @transform_2(%arg0: i32) -> (i32, i32) {
    %c0_i32 = arith.constant 0 : i32
    %c0_i32_0 = arith.constant 0 : i32
    %c0_i32_1 = arith.constant 0 : i32
    return %c0_i32, %c0_i32_0 : i32, i32
  }
  func.func @transform_3(%arg0: i32) -> (i32, i32) {
    %c0_i32 = arith.constant 0 : i32
    %c0_i32_0 = arith.constant 0 : i32
    %c0_i32_1 = arith.constant 0 : i32
    return %c0_i32, %c0_i32_0 : i32, i32
  }
  func.func @transform_4(%arg0: i32) -> (i32, i32, i32) {
    %c0_i32 = arith.constant 0 : i32
    %c0_i32_0 = arith.constant 0 : i32
    %c0_i32_1 = arith.constant 0 : i32
    %c0_i32_2 = arith.constant 0 : i32
    return %c0_i32, %c0_i32_0, %c0_i32_1 : i32, i32, i32
  }
  func.func @transform_5(%arg0: i32) -> (i32, i32, i32) {
    %c0_i32 = arith.constant 0 : i32
    %c0_i32_0 = arith.constant 0 : i32
    %c0_i32_1 = arith.constant 0 : i32
    %c0_i32_2 = arith.constant 0 : i32
    return %c0_i32, %c0_i32_0, %c0_i32_1 : i32, i32, i32
  }
  func.func @transform_6(%arg0: i32) -> (i32, i32) {
    %c0_i32 = arith.constant 0 : i32
    %c0_i32_0 = arith.constant 0 : i32
    return %arg0, %c0_i32 : i32, i32
  }
  func.func @transform_7(%arg0: i32) -> (i32, i32) {
    %c0_i32 = arith.constant 0 : i32
    %c0_i32_0 = arith.constant 0 : i32
    return %arg0, %c0_i32 : i32, i32
  }
  func.func @transform_8(%arg0: i32) -> (i32, i32) {
    %c0_i32 = arith.constant 0 : i32
    %c0_i32_0 = arith.constant 0 : i32
    return %arg0, %c0_i32 : i32, i32
  }
  func.func @transform_9(%arg0: i32) -> (i32, i32) {
    %c0_i32 = arith.constant 0 : i32
    %c0_i32_0 = arith.constant 0 : i32
    return %arg0, %c0_i32 : i32, i32
  }
}

module attributes {stable_mosaic.version = 14 : i64} {
  func.func @_out_body(%arg0: i32, %arg1: memref<640x128xf32, #tpu.memory_space<vmem>>, %arg2: memref<64x1280xf32, #tpu.memory_space<vmem>>, %arg3: memref<640x1xi32, #tpu.memory_space<vmem>>, %arg4: memref<64x10xi32, #tpu.memory_space<vmem>>, %arg5: memref<32x320xf32, #tpu.memory_space<vmem>>, %arg6: memref<320x320xf32, #tpu.memory_space<vmem>>, %arg7: memref<320x320xf32, #tpu.memory_space<vmem>>, %arg8: memref<1x320xf32, #tpu.memory_space<vmem>>, %arg9: memref<1x320xf32, #tpu.memory_space<vmem>>, %arg10: memref<640x320xf32, #tpu.memory_space<vmem>>) attributes {dimension_semantics = [#tpu.dimension_semantics<arbitrary>], iteration_bounds = array<i64: 256>, scalar_prefetch = 0 : i64, scratch_operands = 0 : i64, tpu.core_type = #tpu.core_type<tc>, window_params = [{transform_indices = @transform_0, window_bounds = array<i64: 640, 128>}, {transform_indices = @transform_1, window_bounds = array<i64: 64, 1280>}, {transform_indices = @transform_2, window_bounds = array<i64: 640, 1>}, {transform_indices = @transform_3, window_bounds = array<i64: 64, 10>}, {pipeline_mode = #tpu.pipeline_mode<synchronous>, transform_indices = @transform_4, window_bounds = array<i64: 32, 320>}, {pipeline_mode = #tpu.pipeline_mode<synchronous>, transform_indices = @transform_5, window_bounds = array<i64: 320, 320>}, {pipeline_mode = #tpu.pipeline_mode<synchronous>, transform_indices = @transform_6, window_bounds = array<i64: 320, 320>}, {pipeline_mode = #tpu.pipeline_mode<synchronous>, transform_indices = @transform_7, window_bounds = array<i64: 1, 320>}, {pipeline_mode = #tpu.pipeline_mode<synchronous>, transform_indices = @transform_8, window_bounds = array<i64: 1, 320>}, {transform_indices = @transform_9, window_bounds = array<i64: 640, 320>}]} {
    %get3A = arith.constant 0 : index
    %get3A_0 = arith.constant 0 : index
    %get3A_1 = vector.load %arg1[%get3A, %get3A_0] : memref<640x128xf32, #tpu.memory_space<vmem>>, vector<640x128xf32>
    %get3A_2 = arith.constant 0 : index
    %get3A_3 = arith.constant 0 : index
    %get3A_4 = vector.load %arg3[%get3A_2, %get3A_3] : memref<640x1xi32, #tpu.memory_space<vmem>>, vector<640x1xi32>
    %broadcast_in_dim3A = arith.constant 0.000000e+00 : f32
    %broadcast_in_dim3A_5 = vector.broadcast %broadcast_in_dim3A : f32 to vector<640x32xf32>
    %eq3A = arith.constant 0 : i32
    %eq3A_6 = vector.broadcast %eq3A : i32 to vector<640x1xi32>
    %eq3A_7 = arith.cmpi eq, %get3A_4, %eq3A_6 : vector<640x1xi32>
    %jit3A = arith.constant 1.000000e+00 : f32
    %jit3A_8 = arith.constant 0.000000e+00 : f32
    %broadcast_in_dim3A_9 = vector.broadcast %jit3A : f32 to vector<640x1xf32>
    %broadcast_in_dim3A_10 = vector.broadcast %jit3A_8 : f32 to vector<640x1xf32>
    %select_n3A = arith.select %eq3A_7, %broadcast_in_dim3A_9, %broadcast_in_dim3A_10 : vector<640x1xi1>, vector<640x1xf32>
    %slice3A = vector.extract_strided_slice %get3A_1 {offsets = [0, 0], sizes = [640, 32], strides = [1, 1]} : vector<640x128xf32> to vector<640x32xf32>
    %mul3A = vector.broadcast %select_n3A : vector<640x1xf32> to vector<640x32xf32>
    %mul3A_11 = arith.mulf %mul3A, %slice3A : vector<640x32xf32>
    %add3A = arith.addf %broadcast_in_dim3A_5, %mul3A_11 : vector<640x32xf32>
    %eq3A_12 = arith.constant 1 : i32
    %eq3A_13 = vector.broadcast %eq3A_12 : i32 to vector<640x1xi32>
    %eq3A_14 = arith.cmpi eq, %get3A_4, %eq3A_13 : vector<640x1xi32>
    %jit3A_15 = arith.constant 1.000000e+00 : f32
    %jit3A_16 = arith.constant 0.000000e+00 : f32
    %broadcast_in_dim3A_17 = vector.broadcast %jit3A_15 : f32 to vector<640x1xf32>
    %broadcast_in_dim3A_18 = vector.broadcast %jit3A_16 : f32 to vector<640x1xf32>
    %select_n3A_19 = arith.select %eq3A_14, %broadcast_in_dim3A_17, %broadcast_in_dim3A_18 : vector<640x1xi1>, vector<640x1xf32>
    %slice3A_20 = vector.extract_strided_slice %get3A_1 {offsets = [0, 32], sizes = [640, 32], strides = [1, 1]} : vector<640x128xf32> to vector<640x32xf32>
    %mul3A_21 = vector.broadcast %select_n3A_19 : vector<640x1xf32> to vector<640x32xf32>
    %mul3A_22 = arith.mulf %mul3A_21, %slice3A_20 : vector<640x32xf32>
    %add3A_23 = arith.addf %add3A, %mul3A_22 : vector<640x32xf32>
    %eq3A_24 = arith.constant 2 : i32
    %eq3A_25 = vector.broadcast %eq3A_24 : i32 to vector<640x1xi32>
    %eq3A_26 = arith.cmpi eq, %get3A_4, %eq3A_25 : vector<640x1xi32>
    %jit3A_27 = arith.constant 1.000000e+00 : f32
    %jit3A_28 = arith.constant 0.000000e+00 : f32
    %broadcast_in_dim3A_29 = vector.broadcast %jit3A_27 : f32 to vector<640x1xf32>
    %broadcast_in_dim3A_30 = vector.broadcast %jit3A_28 : f32 to vector<640x1xf32>
    %select_n3A_31 = arith.select %eq3A_26, %broadcast_in_dim3A_29, %broadcast_in_dim3A_30 : vector<640x1xi1>, vector<640x1xf32>
    %slice3A_32 = vector.extract_strided_slice %get3A_1 {offsets = [0, 64], sizes = [640, 32], strides = [1, 1]} : vector<640x128xf32> to vector<640x32xf32>
    %mul3A_33 = vector.broadcast %select_n3A_31 : vector<640x1xf32> to vector<640x32xf32>
    %mul3A_34 = arith.mulf %mul3A_33, %slice3A_32 : vector<640x32xf32>
    %add3A_35 = arith.addf %add3A_23, %mul3A_34 : vector<640x32xf32>
    %eq3A_36 = arith.constant 3 : i32
    %eq3A_37 = vector.broadcast %eq3A_36 : i32 to vector<640x1xi32>
    %eq3A_38 = arith.cmpi eq, %get3A_4, %eq3A_37 : vector<640x1xi32>
    %jit3A_39 = arith.constant 1.000000e+00 : f32
    %jit3A_40 = arith.constant 0.000000e+00 : f32
    %broadcast_in_dim3A_41 = vector.broadcast %jit3A_39 : f32 to vector<640x1xf32>
    %broadcast_in_dim3A_42 = vector.broadcast %jit3A_40 : f32 to vector<640x1xf32>
    %select_n3A_43 = arith.select %eq3A_38, %broadcast_in_dim3A_41, %broadcast_in_dim3A_42 : vector<640x1xi1>, vector<640x1xf32>
    %slice3A_44 = vector.extract_strided_slice %get3A_1 {offsets = [0, 96], sizes = [640, 32], strides = [1, 1]} : vector<640x128xf32> to vector<640x32xf32>
    %mul3A_45 = vector.broadcast %select_n3A_43 : vector<640x1xf32> to vector<640x32xf32>
    %mul3A_46 = arith.mulf %mul3A_45, %slice3A_44 : vector<640x32xf32>
    %add3A_47 = arith.addf %add3A_35, %mul3A_46 : vector<640x32xf32>
    %get3A_48 = arith.constant 0 : index
    %get3A_49 = arith.constant 0 : index
    %get3A_50 = vector.load %arg2[%get3A_48, %get3A_49] : memref<64x1280xf32, #tpu.memory_space<vmem>>, vector<64x1280xf32>
    %get3A_51 = arith.constant 0 : index
    %get3A_52 = arith.constant 0 : index
    %get3A_53 = vector.load %arg4[%get3A_51, %get3A_52] : memref<64x10xi32, #tpu.memory_space<vmem>>, vector<64x10xi32>
    %slice3A_54 = vector.extract_strided_slice %get3A_53 {offsets = [0, 0], sizes = [64, 1], strides = [1, 1]} : vector<64x10xi32> to vector<64x1xi32>
    %broadcast_in_dim3A_55 = arith.constant 0.000000e+00 : f32
    %broadcast_in_dim3A_56 = vector.broadcast %broadcast_in_dim3A_55 : f32 to vector<64x32xf32>
    %eq3A_57 = arith.constant 0 : i32
    %eq3A_58 = vector.broadcast %eq3A_57 : i32 to vector<64x1xi32>
    %eq3A_59 = arith.cmpi eq, %slice3A_54, %eq3A_58 : vector<64x1xi32>
    %jit3A_60 = arith.constant 1.000000e+00 : f32
    %jit3A_61 = arith.constant 0.000000e+00 : f32
    %broadcast_in_dim3A_62 = vector.broadcast %jit3A_60 : f32 to vector<64x1xf32>
    %broadcast_in_dim3A_63 = vector.broadcast %jit3A_61 : f32 to vector<64x1xf32>
    %select_n3A_64 = arith.select %eq3A_59, %broadcast_in_dim3A_62, %broadcast_in_dim3A_63 : vector<64x1xi1>, vector<64x1xf32>
    %slice3A_65 = vector.extract_strided_slice %get3A_50 {offsets = [0, 0], sizes = [64, 32], strides = [1, 1]} : vector<64x1280xf32> to vector<64x32xf32>
    %mul3A_66 = vector.broadcast %select_n3A_64 : vector<64x1xf32> to vector<64x32xf32>
    %mul3A_67 = arith.mulf %mul3A_66, %slice3A_65 : vector<64x32xf32>
    %add3A_68 = arith.addf %broadcast_in_dim3A_56, %mul3A_67 : vector<64x32xf32>
    %eq3A_69 = arith.constant 1 : i32
    %eq3A_70 = vector.broadcast %eq3A_69 : i32 to vector<64x1xi32>
    %eq3A_71 = arith.cmpi eq, %slice3A_54, %eq3A_70 : vector<64x1xi32>
    %jit3A_72 = arith.constant 1.000000e+00 : f32
    %jit3A_73 = arith.constant 0.000000e+00 : f32
    %broadcast_in_dim3A_74 = vector.broadcast %jit3A_72 : f32 to vector<64x1xf32>
    %broadcast_in_dim3A_75 = vector.broadcast %jit3A_73 : f32 to vector<64x1xf32>
    %select_n3A_76 = arith.select %eq3A_71, %broadcast_in_dim3A_74, %broadcast_in_dim3A_75 : vector<64x1xi1>, vector<64x1xf32>
    %slice3A_77 = vector.extract_strided_slice %get3A_50 {offsets = [0, 32], sizes = [64, 32], strides = [1, 1]} : vector<64x1280xf32> to vector<64x32xf32>
    %mul3A_78 = vector.broadcast %select_n3A_76 : vector<64x1xf32> to vector<64x32xf32>
    %mul3A_79 = arith.mulf %mul3A_78, %slice3A_77 : vector<64x32xf32>
    %add3A_80 = arith.addf %add3A_68, %mul3A_79 : vector<64x32xf32>
    %eq3A_81 = arith.constant 2 : i32
    %eq3A_82 = vector.broadcast %eq3A_81 : i32 to vector<64x1xi32>
    %eq3A_83 = arith.cmpi eq, %slice3A_54, %eq3A_82 : vector<64x1xi32>
    %jit3A_84 = arith.constant 1.000000e+00 : f32
    %jit3A_85 = arith.constant 0.000000e+00 : f32
    %broadcast_in_dim3A_86 = vector.broadcast %jit3A_84 : f32 to vector<64x1xf32>
    %broadcast_in_dim3A_87 = vector.broadcast %jit3A_85 : f32 to vector<64x1xf32>
    %select_n3A_88 = arith.select %eq3A_83, %broadcast_in_dim3A_86, %broadcast_in_dim3A_87 : vector<64x1xi1>, vector<64x1xf32>
    %slice3A_89 = vector.extract_strided_slice %get3A_50 {offsets = [0, 64], sizes = [64, 32], strides = [1, 1]} : vector<64x1280xf32> to vector<64x32xf32>
    %mul3A_90 = vector.broadcast %select_n3A_88 : vector<64x1xf32> to vector<64x32xf32>
    %mul3A_91 = arith.mulf %mul3A_90, %slice3A_89 : vector<64x32xf32>
    %add3A_92 = arith.addf %add3A_80, %mul3A_91 : vector<64x32xf32>
    %eq3A_93 = arith.constant 3 : i32
    %eq3A_94 = vector.broadcast %eq3A_93 : i32 to vector<64x1xi32>
    %eq3A_95 = arith.cmpi eq, %slice3A_54, %eq3A_94 : vector<64x1xi32>
    %jit3A_96 = arith.constant 1.000000e+00 : f32
    %jit3A_97 = arith.constant 0.000000e+00 : f32
    %broadcast_in_dim3A_98 = vector.broadcast %jit3A_96 : f32 to vector<64x1xf32>
    %broadcast_in_dim3A_99 = vector.broadcast %jit3A_97 : f32 to vector<64x1xf32>
    %select_n3A_100 = arith.select %eq3A_95, %broadcast_in_dim3A_98, %broadcast_in_dim3A_99 : vector<64x1xi1>, vector<64x1xf32>
    %slice3A_101 = vector.extract_strided_slice %get3A_50 {offsets = [0, 96], sizes = [64, 32], strides = [1, 1]} : vector<64x1280xf32> to vector<64x32xf32>
    %mul3A_102 = vector.broadcast %select_n3A_100 : vector<64x1xf32> to vector<64x32xf32>
    %mul3A_103 = arith.mulf %mul3A_102, %slice3A_101 : vector<64x32xf32>
    %add3A_104 = arith.addf %add3A_92, %mul3A_103 : vector<64x32xf32>
    %slice3A_105 = vector.extract_strided_slice %get3A_53 {offsets = [0, 1], sizes = [64, 1], strides = [1, 1]} : vector<64x10xi32> to vector<64x1xi32>
    %broadcast_in_dim3A_106 = arith.constant 0.000000e+00 : f32
    %broadcast_in_dim3A_107 = vector.broadcast %broadcast_in_dim3A_106 : f32 to vector<64x32xf32>
    %eq3A_108 = arith.constant 0 : i32
    %eq3A_109 = vector.broadcast %eq3A_108 : i32 to vector<64x1xi32>
    %eq3A_110 = arith.cmpi eq, %slice3A_105, %eq3A_109 : vector<64x1xi32>
    %jit3A_111 = arith.constant 1.000000e+00 : f32
    %jit3A_112 = arith.constant 0.000000e+00 : f32
    %broadcast_in_dim3A_113 = vector.broadcast %jit3A_111 : f32 to vector<64x1xf32>
    %broadcast_in_dim3A_114 = vector.broadcast %jit3A_112 : f32 to vector<64x1xf32>
    %select_n3A_115 = arith.select %eq3A_110, %broadcast_in_dim3A_113, %broadcast_in_dim3A_114 : vector<64x1xi1>, vector<64x1xf32>
    %slice3A_116 = vector.extract_strided_slice %get3A_50 {offsets = [0, 128], sizes = [64, 32], strides = [1, 1]} : vector<64x1280xf32> to vector<64x32xf32>
    %mul3A_117 = vector.broadcast %select_n3A_115 : vector<64x1xf32> to vector<64x32xf32>
    %mul3A_118 = arith.mulf %mul3A_117, %slice3A_116 : vector<64x32xf32>
    %add3A_119 = arith.addf %broadcast_in_dim3A_107, %mul3A_118 : vector<64x32xf32>
    %eq3A_120 = arith.constant 1 : i32
    %eq3A_121 = vector.broadcast %eq3A_120 : i32 to vector<64x1xi32>
    %eq3A_122 = arith.cmpi eq, %slice3A_105, %eq3A_121 : vector<64x1xi32>
    %jit3A_123 = arith.constant 1.000000e+00 : f32
    %jit3A_124 = arith.constant 0.000000e+00 : f32
    %broadcast_in_dim3A_125 = vector.broadcast %jit3A_123 : f32 to vector<64x1xf32>
    %broadcast_in_dim3A_126 = vector.broadcast %jit3A_124 : f32 to vector<64x1xf32>
    %select_n3A_127 = arith.select %eq3A_122, %broadcast_in_dim3A_125, %broadcast_in_dim3A_126 : vector<64x1xi1>, vector<64x1xf32>
    %slice3A_128 = vector.extract_strided_slice %get3A_50 {offsets = [0, 160], sizes = [64, 32], strides = [1, 1]} : vector<64x1280xf32> to vector<64x32xf32>
    %mul3A_129 = vector.broadcast %select_n3A_127 : vector<64x1xf32> to vector<64x32xf32>
    %mul3A_130 = arith.mulf %mul3A_129, %slice3A_128 : vector<64x32xf32>
    %add3A_131 = arith.addf %add3A_119, %mul3A_130 : vector<64x32xf32>
    %eq3A_132 = arith.constant 2 : i32
    %eq3A_133 = vector.broadcast %eq3A_132 : i32 to vector<64x1xi32>
    %eq3A_134 = arith.cmpi eq, %slice3A_105, %eq3A_133 : vector<64x1xi32>
    %jit3A_135 = arith.constant 1.000000e+00 : f32
    %jit3A_136 = arith.constant 0.000000e+00 : f32
    %broadcast_in_dim3A_137 = vector.broadcast %jit3A_135 : f32 to vector<64x1xf32>
    %broadcast_in_dim3A_138 = vector.broadcast %jit3A_136 : f32 to vector<64x1xf32>
    %select_n3A_139 = arith.select %eq3A_134, %broadcast_in_dim3A_137, %broadcast_in_dim3A_138 : vector<64x1xi1>, vector<64x1xf32>
    %slice3A_140 = vector.extract_strided_slice %get3A_50 {offsets = [0, 192], sizes = [64, 32], strides = [1, 1]} : vector<64x1280xf32> to vector<64x32xf32>
    %mul3A_141 = vector.broadcast %select_n3A_139 : vector<64x1xf32> to vector<64x32xf32>
    %mul3A_142 = arith.mulf %mul3A_141, %slice3A_140 : vector<64x32xf32>
    %add3A_143 = arith.addf %add3A_131, %mul3A_142 : vector<64x32xf32>
    %eq3A_144 = arith.constant 3 : i32
    %eq3A_145 = vector.broadcast %eq3A_144 : i32 to vector<64x1xi32>
    %eq3A_146 = arith.cmpi eq, %slice3A_105, %eq3A_145 : vector<64x1xi32>
    %jit3A_147 = arith.constant 1.000000e+00 : f32
    %jit3A_148 = arith.constant 0.000000e+00 : f32
    %broadcast_in_dim3A_149 = vector.broadcast %jit3A_147 : f32 to vector<64x1xf32>
    %broadcast_in_dim3A_150 = vector.broadcast %jit3A_148 : f32 to vector<64x1xf32>
    %select_n3A_151 = arith.select %eq3A_146, %broadcast_in_dim3A_149, %broadcast_in_dim3A_150 : vector<64x1xi1>, vector<64x1xf32>
    %slice3A_152 = vector.extract_strided_slice %get3A_50 {offsets = [0, 224], sizes = [64, 32], strides = [1, 1]} : vector<64x1280xf32> to vector<64x32xf32>
    %mul3A_153 = vector.broadcast %select_n3A_151 : vector<64x1xf32> to vector<64x32xf32>
    %mul3A_154 = arith.mulf %mul3A_153, %slice3A_152 : vector<64x32xf32>
    %add3A_155 = arith.addf %add3A_143, %mul3A_154 : vector<64x32xf32>
    %slice3A_156 = vector.extract_strided_slice %get3A_53 {offsets = [0, 2], sizes = [64, 1], strides = [1, 1]} : vector<64x10xi32> to vector<64x1xi32>
    %broadcast_in_dim3A_157 = arith.constant 0.000000e+00 : f32
    %broadcast_in_dim3A_158 = vector.broadcast %broadcast_in_dim3A_157 : f32 to vector<64x32xf32>
    %eq3A_159 = arith.constant 0 : i32
    %eq3A_160 = vector.broadcast %eq3A_159 : i32 to vector<64x1xi32>
    %eq3A_161 = arith.cmpi eq, %slice3A_156, %eq3A_160 : vector<64x1xi32>
    %jit3A_162 = arith.constant 1.000000e+00 : f32
    %jit3A_163 = arith.constant 0.000000e+00 : f32
    %broadcast_in_dim3A_164 = vector.broadcast %jit3A_162 : f32 to vector<64x1xf32>
    %broadcast_in_dim3A_165 = vector.broadcast %jit3A_163 : f32 to vector<64x1xf32>
    %select_n3A_166 = arith.select %eq3A_161, %broadcast_in_dim3A_164, %broadcast_in_dim3A_165 : vector<64x1xi1>, vector<64x1xf32>
    %slice3A_167 = vector.extract_strided_slice %get3A_50 {offsets = [0, 256], sizes = [64, 32], strides = [1, 1]} : vector<64x1280xf32> to vector<64x32xf32>
    %mul3A_168 = vector.broadcast %select_n3A_166 : vector<64x1xf32> to vector<64x32xf32>
    %mul3A_169 = arith.mulf %mul3A_168, %slice3A_167 : vector<64x32xf32>
    %add3A_170 = arith.addf %broadcast_in_dim3A_158, %mul3A_169 : vector<64x32xf32>
    %eq3A_171 = arith.constant 1 : i32
    %eq3A_172 = vector.broadcast %eq3A_171 : i32 to vector<64x1xi32>
    %eq3A_173 = arith.cmpi eq, %slice3A_156, %eq3A_172 : vector<64x1xi32>
    %jit3A_174 = arith.constant 1.000000e+00 : f32
    %jit3A_175 = arith.constant 0.000000e+00 : f32
    %broadcast_in_dim3A_176 = vector.broadcast %jit3A_174 : f32 to vector<64x1xf32>
    %broadcast_in_dim3A_177 = vector.broadcast %jit3A_175 : f32 to vector<64x1xf32>
    %select_n3A_178 = arith.select %eq3A_173, %broadcast_in_dim3A_176, %broadcast_in_dim3A_177 : vector<64x1xi1>, vector<64x1xf32>
    %slice3A_179 = vector.extract_strided_slice %get3A_50 {offsets = [0, 288], sizes = [64, 32], strides = [1, 1]} : vector<64x1280xf32> to vector<64x32xf32>
    %mul3A_180 = vector.broadcast %select_n3A_178 : vector<64x1xf32> to vector<64x32xf32>
    %mul3A_181 = arith.mulf %mul3A_180, %slice3A_179 : vector<64x32xf32>
    %add3A_182 = arith.addf %add3A_170, %mul3A_181 : vector<64x32xf32>
    %eq3A_183 = arith.constant 2 : i32
    %eq3A_184 = vector.broadcast %eq3A_183 : i32 to vector<64x1xi32>
    %eq3A_185 = arith.cmpi eq, %slice3A_156, %eq3A_184 : vector<64x1xi32>
    %jit3A_186 = arith.constant 1.000000e+00 : f32
    %jit3A_187 = arith.constant 0.000000e+00 : f32
    %broadcast_in_dim3A_188 = vector.broadcast %jit3A_186 : f32 to vector<64x1xf32>
    %broadcast_in_dim3A_189 = vector.broadcast %jit3A_187 : f32 to vector<64x1xf32>
    %select_n3A_190 = arith.select %eq3A_185, %broadcast_in_dim3A_188, %broadcast_in_dim3A_189 : vector<64x1xi1>, vector<64x1xf32>
    %slice3A_191 = vector.extract_strided_slice %get3A_50 {offsets = [0, 320], sizes = [64, 32], strides = [1, 1]} : vector<64x1280xf32> to vector<64x32xf32>
    %mul3A_192 = vector.broadcast %select_n3A_190 : vector<64x1xf32> to vector<64x32xf32>
    %mul3A_193 = arith.mulf %mul3A_192, %slice3A_191 : vector<64x32xf32>
    %add3A_194 = arith.addf %add3A_182, %mul3A_193 : vector<64x32xf32>
    %eq3A_195 = arith.constant 3 : i32
    %eq3A_196 = vector.broadcast %eq3A_195 : i32 to vector<64x1xi32>
    %eq3A_197 = arith.cmpi eq, %slice3A_156, %eq3A_196 : vector<64x1xi32>
    %jit3A_198 = arith.constant 1.000000e+00 : f32
    %jit3A_199 = arith.constant 0.000000e+00 : f32
    %broadcast_in_dim3A_200 = vector.broadcast %jit3A_198 : f32 to vector<64x1xf32>
    %broadcast_in_dim3A_201 = vector.broadcast %jit3A_199 : f32 to vector<64x1xf32>
    %select_n3A_202 = arith.select %eq3A_197, %broadcast_in_dim3A_200, %broadcast_in_dim3A_201 : vector<64x1xi1>, vector<64x1xf32>
    %slice3A_203 = vector.extract_strided_slice %get3A_50 {offsets = [0, 352], sizes = [64, 32], strides = [1, 1]} : vector<64x1280xf32> to vector<64x32xf32>
    %mul3A_204 = vector.broadcast %select_n3A_202 : vector<64x1xf32> to vector<64x32xf32>
    %mul3A_205 = arith.mulf %mul3A_204, %slice3A_203 : vector<64x32xf32>
    %add3A_206 = arith.addf %add3A_194, %mul3A_205 : vector<64x32xf32>
    %slice3A_207 = vector.extract_strided_slice %get3A_53 {offsets = [0, 3], sizes = [64, 1], strides = [1, 1]} : vector<64x10xi32> to vector<64x1xi32>
    %broadcast_in_dim3A_208 = arith.constant 0.000000e+00 : f32
    %broadcast_in_dim3A_209 = vector.broadcast %broadcast_in_dim3A_208 : f32 to vector<64x32xf32>
    %eq3A_210 = arith.constant 0 : i32
    %eq3A_211 = vector.broadcast %eq3A_210 : i32 to vector<64x1xi32>
    %eq3A_212 = arith.cmpi eq, %slice3A_207, %eq3A_211 : vector<64x1xi32>
    %jit3A_213 = arith.constant 1.000000e+00 : f32
    %jit3A_214 = arith.constant 0.000000e+00 : f32
    %broadcast_in_dim3A_215 = vector.broadcast %jit3A_213 : f32 to vector<64x1xf32>
    %broadcast_in_dim3A_216 = vector.broadcast %jit3A_214 : f32 to vector<64x1xf32>
    %select_n3A_217 = arith.select %eq3A_212, %broadcast_in_dim3A_215, %broadcast_in_dim3A_216 : vector<64x1xi1>, vector<64x1xf32>
    %slice3A_218 = vector.extract_strided_slice %get3A_50 {offsets = [0, 384], sizes = [64, 32], strides = [1, 1]} : vector<64x1280xf32> to vector<64x32xf32>
    %mul3A_219 = vector.broadcast %select_n3A_217 : vector<64x1xf32> to vector<64x32xf32>
    %mul3A_220 = arith.mulf %mul3A_219, %slice3A_218 : vector<64x32xf32>
    %add3A_221 = arith.addf %broadcast_in_dim3A_209, %mul3A_220 : vector<64x32xf32>
    %eq3A_222 = arith.constant 1 : i32
    %eq3A_223 = vector.broadcast %eq3A_222 : i32 to vector<64x1xi32>
    %eq3A_224 = arith.cmpi eq, %slice3A_207, %eq3A_223 : vector<64x1xi32>
    %jit3A_225 = arith.constant 1.000000e+00 : f32
    %jit3A_226 = arith.constant 0.000000e+00 : f32
    %broadcast_in_dim3A_227 = vector.broadcast %jit3A_225 : f32 to vector<64x1xf32>
    %broadcast_in_dim3A_228 = vector.broadcast %jit3A_226 : f32 to vector<64x1xf32>
    %select_n3A_229 = arith.select %eq3A_224, %broadcast_in_dim3A_227, %broadcast_in_dim3A_228 : vector<64x1xi1>, vector<64x1xf32>
    %slice3A_230 = vector.extract_strided_slice %get3A_50 {offsets = [0, 416], sizes = [64, 32], strides = [1, 1]} : vector<64x1280xf32> to vector<64x32xf32>
    %mul3A_231 = vector.broadcast %select_n3A_229 : vector<64x1xf32> to vector<64x32xf32>
    %mul3A_232 = arith.mulf %mul3A_231, %slice3A_230 : vector<64x32xf32>
    %add3A_233 = arith.addf %add3A_221, %mul3A_232 : vector<64x32xf32>
    %eq3A_234 = arith.constant 2 : i32
    %eq3A_235 = vector.broadcast %eq3A_234 : i32 to vector<64x1xi32>
    %eq3A_236 = arith.cmpi eq, %slice3A_207, %eq3A_235 : vector<64x1xi32>
    %jit3A_237 = arith.constant 1.000000e+00 : f32
    %jit3A_238 = arith.constant 0.000000e+00 : f32
    %broadcast_in_dim3A_239 = vector.broadcast %jit3A_237 : f32 to vector<64x1xf32>
    %broadcast_in_dim3A_240 = vector.broadcast %jit3A_238 : f32 to vector<64x1xf32>
    %select_n3A_241 = arith.select %eq3A_236, %broadcast_in_dim3A_239, %broadcast_in_dim3A_240 : vector<64x1xi1>, vector<64x1xf32>
    %slice3A_242 = vector.extract_strided_slice %get3A_50 {offsets = [0, 448], sizes = [64, 32], strides = [1, 1]} : vector<64x1280xf32> to vector<64x32xf32>
    %mul3A_243 = vector.broadcast %select_n3A_241 : vector<64x1xf32> to vector<64x32xf32>
    %mul3A_244 = arith.mulf %mul3A_243, %slice3A_242 : vector<64x32xf32>
    %add3A_245 = arith.addf %add3A_233, %mul3A_244 : vector<64x32xf32>
    %eq3A_246 = arith.constant 3 : i32
    %eq3A_247 = vector.broadcast %eq3A_246 : i32 to vector<64x1xi32>
    %eq3A_248 = arith.cmpi eq, %slice3A_207, %eq3A_247 : vector<64x1xi32>
    %jit3A_249 = arith.constant 1.000000e+00 : f32
    %jit3A_250 = arith.constant 0.000000e+00 : f32
    %broadcast_in_dim3A_251 = vector.broadcast %jit3A_249 : f32 to vector<64x1xf32>
    %broadcast_in_dim3A_252 = vector.broadcast %jit3A_250 : f32 to vector<64x1xf32>
    %select_n3A_253 = arith.select %eq3A_248, %broadcast_in_dim3A_251, %broadcast_in_dim3A_252 : vector<64x1xi1>, vector<64x1xf32>
    %slice3A_254 = vector.extract_strided_slice %get3A_50 {offsets = [0, 480], sizes = [64, 32], strides = [1, 1]} : vector<64x1280xf32> to vector<64x32xf32>
    %mul3A_255 = vector.broadcast %select_n3A_253 : vector<64x1xf32> to vector<64x32xf32>
    %mul3A_256 = arith.mulf %mul3A_255, %slice3A_254 : vector<64x32xf32>
    %add3A_257 = arith.addf %add3A_245, %mul3A_256 : vector<64x32xf32>
    %slice3A_258 = vector.extract_strided_slice %get3A_53 {offsets = [0, 4], sizes = [64, 1], strides = [1, 1]} : vector<64x10xi32> to vector<64x1xi32>
    %broadcast_in_dim3A_259 = arith.constant 0.000000e+00 : f32
    %broadcast_in_dim3A_260 = vector.broadcast %broadcast_in_dim3A_259 : f32 to vector<64x32xf32>
    %eq3A_261 = arith.constant 0 : i32
    %eq3A_262 = vector.broadcast %eq3A_261 : i32 to vector<64x1xi32>
    %eq3A_263 = arith.cmpi eq, %slice3A_258, %eq3A_262 : vector<64x1xi32>
    %jit3A_264 = arith.constant 1.000000e+00 : f32
    %jit3A_265 = arith.constant 0.000000e+00 : f32
    %broadcast_in_dim3A_266 = vector.broadcast %jit3A_264 : f32 to vector<64x1xf32>
    %broadcast_in_dim3A_267 = vector.broadcast %jit3A_265 : f32 to vector<64x1xf32>
    %select_n3A_268 = arith.select %eq3A_263, %broadcast_in_dim3A_266, %broadcast_in_dim3A_267 : vector<64x1xi1>, vector<64x1xf32>
    %slice3A_269 = vector.extract_strided_slice %get3A_50 {offsets = [0, 512], sizes = [64, 32], strides = [1, 1]} : vector<64x1280xf32> to vector<64x32xf32>
    %mul3A_270 = vector.broadcast %select_n3A_268 : vector<64x1xf32> to vector<64x32xf32>
    %mul3A_271 = arith.mulf %mul3A_270, %slice3A_269 : vector<64x32xf32>
    %add3A_272 = arith.addf %broadcast_in_dim3A_260, %mul3A_271 : vector<64x32xf32>
    %eq3A_273 = arith.constant 1 : i32
    %eq3A_274 = vector.broadcast %eq3A_273 : i32 to vector<64x1xi32>
    %eq3A_275 = arith.cmpi eq, %slice3A_258, %eq3A_274 : vector<64x1xi32>
    %jit3A_276 = arith.constant 1.000000e+00 : f32
    %jit3A_277 = arith.constant 0.000000e+00 : f32
    %broadcast_in_dim3A_278 = vector.broadcast %jit3A_276 : f32 to vector<64x1xf32>
    %broadcast_in_dim3A_279 = vector.broadcast %jit3A_277 : f32 to vector<64x1xf32>
    %select_n3A_280 = arith.select %eq3A_275, %broadcast_in_dim3A_278, %broadcast_in_dim3A_279 : vector<64x1xi1>, vector<64x1xf32>
    %slice3A_281 = vector.extract_strided_slice %get3A_50 {offsets = [0, 544], sizes = [64, 32], strides = [1, 1]} : vector<64x1280xf32> to vector<64x32xf32>
    %mul3A_282 = vector.broadcast %select_n3A_280 : vector<64x1xf32> to vector<64x32xf32>
    %mul3A_283 = arith.mulf %mul3A_282, %slice3A_281 : vector<64x32xf32>
    %add3A_284 = arith.addf %add3A_272, %mul3A_283 : vector<64x32xf32>
    %eq3A_285 = arith.constant 2 : i32
    %eq3A_286 = vector.broadcast %eq3A_285 : i32 to vector<64x1xi32>
    %eq3A_287 = arith.cmpi eq, %slice3A_258, %eq3A_286 : vector<64x1xi32>
    %jit3A_288 = arith.constant 1.000000e+00 : f32
    %jit3A_289 = arith.constant 0.000000e+00 : f32
    %broadcast_in_dim3A_290 = vector.broadcast %jit3A_288 : f32 to vector<64x1xf32>
    %broadcast_in_dim3A_291 = vector.broadcast %jit3A_289 : f32 to vector<64x1xf32>
    %select_n3A_292 = arith.select %eq3A_287, %broadcast_in_dim3A_290, %broadcast_in_dim3A_291 : vector<64x1xi1>, vector<64x1xf32>
    %slice3A_293 = vector.extract_strided_slice %get3A_50 {offsets = [0, 576], sizes = [64, 32], strides = [1, 1]} : vector<64x1280xf32> to vector<64x32xf32>
    %mul3A_294 = vector.broadcast %select_n3A_292 : vector<64x1xf32> to vector<64x32xf32>
    %mul3A_295 = arith.mulf %mul3A_294, %slice3A_293 : vector<64x32xf32>
    %add3A_296 = arith.addf %add3A_284, %mul3A_295 : vector<64x32xf32>
    %eq3A_297 = arith.constant 3 : i32
    %eq3A_298 = vector.broadcast %eq3A_297 : i32 to vector<64x1xi32>
    %eq3A_299 = arith.cmpi eq, %slice3A_258, %eq3A_298 : vector<64x1xi32>
    %jit3A_300 = arith.constant 1.000000e+00 : f32
    %jit3A_301 = arith.constant 0.000000e+00 : f32
    %broadcast_in_dim3A_302 = vector.broadcast %jit3A_300 : f32 to vector<64x1xf32>
    %broadcast_in_dim3A_303 = vector.broadcast %jit3A_301 : f32 to vector<64x1xf32>
    %select_n3A_304 = arith.select %eq3A_299, %broadcast_in_dim3A_302, %broadcast_in_dim3A_303 : vector<64x1xi1>, vector<64x1xf32>
    %slice3A_305 = vector.extract_strided_slice %get3A_50 {offsets = [0, 608], sizes = [64, 32], strides = [1, 1]} : vector<64x1280xf32> to vector<64x32xf32>
    %mul3A_306 = vector.broadcast %select_n3A_304 : vector<64x1xf32> to vector<64x32xf32>
    %mul3A_307 = arith.mulf %mul3A_306, %slice3A_305 : vector<64x32xf32>
    %add3A_308 = arith.addf %add3A_296, %mul3A_307 : vector<64x32xf32>
    %slice3A_309 = vector.extract_strided_slice %get3A_53 {offsets = [0, 5], sizes = [64, 1], strides = [1, 1]} : vector<64x10xi32> to vector<64x1xi32>
    %broadcast_in_dim3A_310 = arith.constant 0.000000e+00 : f32
    %broadcast_in_dim3A_311 = vector.broadcast %broadcast_in_dim3A_310 : f32 to vector<64x32xf32>
    %eq3A_312 = arith.constant 0 : i32
    %eq3A_313 = vector.broadcast %eq3A_312 : i32 to vector<64x1xi32>
    %eq3A_314 = arith.cmpi eq, %slice3A_309, %eq3A_313 : vector<64x1xi32>
    %jit3A_315 = arith.constant 1.000000e+00 : f32
    %jit3A_316 = arith.constant 0.000000e+00 : f32
    %broadcast_in_dim3A_317 = vector.broadcast %jit3A_315 : f32 to vector<64x1xf32>
    %broadcast_in_dim3A_318 = vector.broadcast %jit3A_316 : f32 to vector<64x1xf32>
    %select_n3A_319 = arith.select %eq3A_314, %broadcast_in_dim3A_317, %broadcast_in_dim3A_318 : vector<64x1xi1>, vector<64x1xf32>
    %slice3A_320 = vector.extract_strided_slice %get3A_50 {offsets = [0, 640], sizes = [64, 32], strides = [1, 1]} : vector<64x1280xf32> to vector<64x32xf32>
    %mul3A_321 = vector.broadcast %select_n3A_319 : vector<64x1xf32> to vector<64x32xf32>
    %mul3A_322 = arith.mulf %mul3A_321, %slice3A_320 : vector<64x32xf32>
    %add3A_323 = arith.addf %broadcast_in_dim3A_311, %mul3A_322 : vector<64x32xf32>
    %eq3A_324 = arith.constant 1 : i32
    %eq3A_325 = vector.broadcast %eq3A_324 : i32 to vector<64x1xi32>
    %eq3A_326 = arith.cmpi eq, %slice3A_309, %eq3A_325 : vector<64x1xi32>
    %jit3A_327 = arith.constant 1.000000e+00 : f32
    %jit3A_328 = arith.constant 0.000000e+00 : f32
    %broadcast_in_dim3A_329 = vector.broadcast %jit3A_327 : f32 to vector<64x1xf32>
    %broadcast_in_dim3A_330 = vector.broadcast %jit3A_328 : f32 to vector<64x1xf32>
    %select_n3A_331 = arith.select %eq3A_326, %broadcast_in_dim3A_329, %broadcast_in_dim3A_330 : vector<64x1xi1>, vector<64x1xf32>
    %slice3A_332 = vector.extract_strided_slice %get3A_50 {offsets = [0, 672], sizes = [64, 32], strides = [1, 1]} : vector<64x1280xf32> to vector<64x32xf32>
    %mul3A_333 = vector.broadcast %select_n3A_331 : vector<64x1xf32> to vector<64x32xf32>
    %mul3A_334 = arith.mulf %mul3A_333, %slice3A_332 : vector<64x32xf32>
    %add3A_335 = arith.addf %add3A_323, %mul3A_334 : vector<64x32xf32>
    %eq3A_336 = arith.constant 2 : i32
    %eq3A_337 = vector.broadcast %eq3A_336 : i32 to vector<64x1xi32>
    %eq3A_338 = arith.cmpi eq, %slice3A_309, %eq3A_337 : vector<64x1xi32>
    %jit3A_339 = arith.constant 1.000000e+00 : f32
    %jit3A_340 = arith.constant 0.000000e+00 : f32
    %broadcast_in_dim3A_341 = vector.broadcast %jit3A_339 : f32 to vector<64x1xf32>
    %broadcast_in_dim3A_342 = vector.broadcast %jit3A_340 : f32 to vector<64x1xf32>
    %select_n3A_343 = arith.select %eq3A_338, %broadcast_in_dim3A_341, %broadcast_in_dim3A_342 : vector<64x1xi1>, vector<64x1xf32>
    %slice3A_344 = vector.extract_strided_slice %get3A_50 {offsets = [0, 704], sizes = [64, 32], strides = [1, 1]} : vector<64x1280xf32> to vector<64x32xf32>
    %mul3A_345 = vector.broadcast %select_n3A_343 : vector<64x1xf32> to vector<64x32xf32>
    %mul3A_346 = arith.mulf %mul3A_345, %slice3A_344 : vector<64x32xf32>
    %add3A_347 = arith.addf %add3A_335, %mul3A_346 : vector<64x32xf32>
    %eq3A_348 = arith.constant 3 : i32
    %eq3A_349 = vector.broadcast %eq3A_348 : i32 to vector<64x1xi32>
    %eq3A_350 = arith.cmpi eq, %slice3A_309, %eq3A_349 : vector<64x1xi32>
    %jit3A_351 = arith.constant 1.000000e+00 : f32
    %jit3A_352 = arith.constant 0.000000e+00 : f32
    %broadcast_in_dim3A_353 = vector.broadcast %jit3A_351 : f32 to vector<64x1xf32>
    %broadcast_in_dim3A_354 = vector.broadcast %jit3A_352 : f32 to vector<64x1xf32>
    %select_n3A_355 = arith.select %eq3A_350, %broadcast_in_dim3A_353, %broadcast_in_dim3A_354 : vector<64x1xi1>, vector<64x1xf32>
    %slice3A_356 = vector.extract_strided_slice %get3A_50 {offsets = [0, 736], sizes = [64, 32], strides = [1, 1]} : vector<64x1280xf32> to vector<64x32xf32>
    %mul3A_357 = vector.broadcast %select_n3A_355 : vector<64x1xf32> to vector<64x32xf32>
    %mul3A_358 = arith.mulf %mul3A_357, %slice3A_356 : vector<64x32xf32>
    %add3A_359 = arith.addf %add3A_347, %mul3A_358 : vector<64x32xf32>
    %slice3A_360 = vector.extract_strided_slice %get3A_53 {offsets = [0, 6], sizes = [64, 1], strides = [1, 1]} : vector<64x10xi32> to vector<64x1xi32>
    %broadcast_in_dim3A_361 = arith.constant 0.000000e+00 : f32
    %broadcast_in_dim3A_362 = vector.broadcast %broadcast_in_dim3A_361 : f32 to vector<64x32xf32>
    %eq3A_363 = arith.constant 0 : i32
    %eq3A_364 = vector.broadcast %eq3A_363 : i32 to vector<64x1xi32>
    %eq3A_365 = arith.cmpi eq, %slice3A_360, %eq3A_364 : vector<64x1xi32>
    %jit3A_366 = arith.constant 1.000000e+00 : f32
    %jit3A_367 = arith.constant 0.000000e+00 : f32
    %broadcast_in_dim3A_368 = vector.broadcast %jit3A_366 : f32 to vector<64x1xf32>
    %broadcast_in_dim3A_369 = vector.broadcast %jit3A_367 : f32 to vector<64x1xf32>
    %select_n3A_370 = arith.select %eq3A_365, %broadcast_in_dim3A_368, %broadcast_in_dim3A_369 : vector<64x1xi1>, vector<64x1xf32>
    %slice3A_371 = vector.extract_strided_slice %get3A_50 {offsets = [0, 768], sizes = [64, 32], strides = [1, 1]} : vector<64x1280xf32> to vector<64x32xf32>
    %mul3A_372 = vector.broadcast %select_n3A_370 : vector<64x1xf32> to vector<64x32xf32>
    %mul3A_373 = arith.mulf %mul3A_372, %slice3A_371 : vector<64x32xf32>
    %add3A_374 = arith.addf %broadcast_in_dim3A_362, %mul3A_373 : vector<64x32xf32>
    %eq3A_375 = arith.constant 1 : i32
    %eq3A_376 = vector.broadcast %eq3A_375 : i32 to vector<64x1xi32>
    %eq3A_377 = arith.cmpi eq, %slice3A_360, %eq3A_376 : vector<64x1xi32>
    %jit3A_378 = arith.constant 1.000000e+00 : f32
    %jit3A_379 = arith.constant 0.000000e+00 : f32
    %broadcast_in_dim3A_380 = vector.broadcast %jit3A_378 : f32 to vector<64x1xf32>
    %broadcast_in_dim3A_381 = vector.broadcast %jit3A_379 : f32 to vector<64x1xf32>
    %select_n3A_382 = arith.select %eq3A_377, %broadcast_in_dim3A_380, %broadcast_in_dim3A_381 : vector<64x1xi1>, vector<64x1xf32>
    %slice3A_383 = vector.extract_strided_slice %get3A_50 {offsets = [0, 800], sizes = [64, 32], strides = [1, 1]} : vector<64x1280xf32> to vector<64x32xf32>
    %mul3A_384 = vector.broadcast %select_n3A_382 : vector<64x1xf32> to vector<64x32xf32>
    %mul3A_385 = arith.mulf %mul3A_384, %slice3A_383 : vector<64x32xf32>
    %add3A_386 = arith.addf %add3A_374, %mul3A_385 : vector<64x32xf32>
    %eq3A_387 = arith.constant 2 : i32
    %eq3A_388 = vector.broadcast %eq3A_387 : i32 to vector<64x1xi32>
    %eq3A_389 = arith.cmpi eq, %slice3A_360, %eq3A_388 : vector<64x1xi32>
    %jit3A_390 = arith.constant 1.000000e+00 : f32
    %jit3A_391 = arith.constant 0.000000e+00 : f32
    %broadcast_in_dim3A_392 = vector.broadcast %jit3A_390 : f32 to vector<64x1xf32>
    %broadcast_in_dim3A_393 = vector.broadcast %jit3A_391 : f32 to vector<64x1xf32>
    %select_n3A_394 = arith.select %eq3A_389, %broadcast_in_dim3A_392, %broadcast_in_dim3A_393 : vector<64x1xi1>, vector<64x1xf32>
    %slice3A_395 = vector.extract_strided_slice %get3A_50 {offsets = [0, 832], sizes = [64, 32], strides = [1, 1]} : vector<64x1280xf32> to vector<64x32xf32>
    %mul3A_396 = vector.broadcast %select_n3A_394 : vector<64x1xf32> to vector<64x32xf32>
    %mul3A_397 = arith.mulf %mul3A_396, %slice3A_395 : vector<64x32xf32>
    %add3A_398 = arith.addf %add3A_386, %mul3A_397 : vector<64x32xf32>
    %eq3A_399 = arith.constant 3 : i32
    %eq3A_400 = vector.broadcast %eq3A_399 : i32 to vector<64x1xi32>
    %eq3A_401 = arith.cmpi eq, %slice3A_360, %eq3A_400 : vector<64x1xi32>
    %jit3A_402 = arith.constant 1.000000e+00 : f32
    %jit3A_403 = arith.constant 0.000000e+00 : f32
    %broadcast_in_dim3A_404 = vector.broadcast %jit3A_402 : f32 to vector<64x1xf32>
    %broadcast_in_dim3A_405 = vector.broadcast %jit3A_403 : f32 to vector<64x1xf32>
    %select_n3A_406 = arith.select %eq3A_401, %broadcast_in_dim3A_404, %broadcast_in_dim3A_405 : vector<64x1xi1>, vector<64x1xf32>
    %slice3A_407 = vector.extract_strided_slice %get3A_50 {offsets = [0, 864], sizes = [64, 32], strides = [1, 1]} : vector<64x1280xf32> to vector<64x32xf32>
    %mul3A_408 = vector.broadcast %select_n3A_406 : vector<64x1xf32> to vector<64x32xf32>
    %mul3A_409 = arith.mulf %mul3A_408, %slice3A_407 : vector<64x32xf32>
    %add3A_410 = arith.addf %add3A_398, %mul3A_409 : vector<64x32xf32>
    %slice3A_411 = vector.extract_strided_slice %get3A_53 {offsets = [0, 7], sizes = [64, 1], strides = [1, 1]} : vector<64x10xi32> to vector<64x1xi32>
    %broadcast_in_dim3A_412 = arith.constant 0.000000e+00 : f32
    %broadcast_in_dim3A_413 = vector.broadcast %broadcast_in_dim3A_412 : f32 to vector<64x32xf32>
    %eq3A_414 = arith.constant 0 : i32
    %eq3A_415 = vector.broadcast %eq3A_414 : i32 to vector<64x1xi32>
    %eq3A_416 = arith.cmpi eq, %slice3A_411, %eq3A_415 : vector<64x1xi32>
    %jit3A_417 = arith.constant 1.000000e+00 : f32
    %jit3A_418 = arith.constant 0.000000e+00 : f32
    %broadcast_in_dim3A_419 = vector.broadcast %jit3A_417 : f32 to vector<64x1xf32>
    %broadcast_in_dim3A_420 = vector.broadcast %jit3A_418 : f32 to vector<64x1xf32>
    %select_n3A_421 = arith.select %eq3A_416, %broadcast_in_dim3A_419, %broadcast_in_dim3A_420 : vector<64x1xi1>, vector<64x1xf32>
    %slice3A_422 = vector.extract_strided_slice %get3A_50 {offsets = [0, 896], sizes = [64, 32], strides = [1, 1]} : vector<64x1280xf32> to vector<64x32xf32>
    %mul3A_423 = vector.broadcast %select_n3A_421 : vector<64x1xf32> to vector<64x32xf32>
    %mul3A_424 = arith.mulf %mul3A_423, %slice3A_422 : vector<64x32xf32>
    %add3A_425 = arith.addf %broadcast_in_dim3A_413, %mul3A_424 : vector<64x32xf32>
    %eq3A_426 = arith.constant 1 : i32
    %eq3A_427 = vector.broadcast %eq3A_426 : i32 to vector<64x1xi32>
    %eq3A_428 = arith.cmpi eq, %slice3A_411, %eq3A_427 : vector<64x1xi32>
    %jit3A_429 = arith.constant 1.000000e+00 : f32
    %jit3A_430 = arith.constant 0.000000e+00 : f32
    %broadcast_in_dim3A_431 = vector.broadcast %jit3A_429 : f32 to vector<64x1xf32>
    %broadcast_in_dim3A_432 = vector.broadcast %jit3A_430 : f32 to vector<64x1xf32>
    %select_n3A_433 = arith.select %eq3A_428, %broadcast_in_dim3A_431, %broadcast_in_dim3A_432 : vector<64x1xi1>, vector<64x1xf32>
    %slice3A_434 = vector.extract_strided_slice %get3A_50 {offsets = [0, 928], sizes = [64, 32], strides = [1, 1]} : vector<64x1280xf32> to vector<64x32xf32>
    %mul3A_435 = vector.broadcast %select_n3A_433 : vector<64x1xf32> to vector<64x32xf32>
    %mul3A_436 = arith.mulf %mul3A_435, %slice3A_434 : vector<64x32xf32>
    %add3A_437 = arith.addf %add3A_425, %mul3A_436 : vector<64x32xf32>
    %eq3A_438 = arith.constant 2 : i32
    %eq3A_439 = vector.broadcast %eq3A_438 : i32 to vector<64x1xi32>
    %eq3A_440 = arith.cmpi eq, %slice3A_411, %eq3A_439 : vector<64x1xi32>
    %jit3A_441 = arith.constant 1.000000e+00 : f32
    %jit3A_442 = arith.constant 0.000000e+00 : f32
    %broadcast_in_dim3A_443 = vector.broadcast %jit3A_441 : f32 to vector<64x1xf32>
    %broadcast_in_dim3A_444 = vector.broadcast %jit3A_442 : f32 to vector<64x1xf32>
    %select_n3A_445 = arith.select %eq3A_440, %broadcast_in_dim3A_443, %broadcast_in_dim3A_444 : vector<64x1xi1>, vector<64x1xf32>
    %slice3A_446 = vector.extract_strided_slice %get3A_50 {offsets = [0, 960], sizes = [64, 32], strides = [1, 1]} : vector<64x1280xf32> to vector<64x32xf32>
    %mul3A_447 = vector.broadcast %select_n3A_445 : vector<64x1xf32> to vector<64x32xf32>
    %mul3A_448 = arith.mulf %mul3A_447, %slice3A_446 : vector<64x32xf32>
    %add3A_449 = arith.addf %add3A_437, %mul3A_448 : vector<64x32xf32>
    %eq3A_450 = arith.constant 3 : i32
    %eq3A_451 = vector.broadcast %eq3A_450 : i32 to vector<64x1xi32>
    %eq3A_452 = arith.cmpi eq, %slice3A_411, %eq3A_451 : vector<64x1xi32>
    %jit3A_453 = arith.constant 1.000000e+00 : f32
    %jit3A_454 = arith.constant 0.000000e+00 : f32
    %broadcast_in_dim3A_455 = vector.broadcast %jit3A_453 : f32 to vector<64x1xf32>
    %broadcast_in_dim3A_456 = vector.broadcast %jit3A_454 : f32 to vector<64x1xf32>
    %select_n3A_457 = arith.select %eq3A_452, %broadcast_in_dim3A_455, %broadcast_in_dim3A_456 : vector<64x1xi1>, vector<64x1xf32>
    %slice3A_458 = vector.extract_strided_slice %get3A_50 {offsets = [0, 992], sizes = [64, 32], strides = [1, 1]} : vector<64x1280xf32> to vector<64x32xf32>
    %mul3A_459 = vector.broadcast %select_n3A_457 : vector<64x1xf32> to vector<64x32xf32>
    %mul3A_460 = arith.mulf %mul3A_459, %slice3A_458 : vector<64x32xf32>
    %add3A_461 = arith.addf %add3A_449, %mul3A_460 : vector<64x32xf32>
    %slice3A_462 = vector.extract_strided_slice %get3A_53 {offsets = [0, 8], sizes = [64, 1], strides = [1, 1]} : vector<64x10xi32> to vector<64x1xi32>
    %broadcast_in_dim3A_463 = arith.constant 0.000000e+00 : f32
    %broadcast_in_dim3A_464 = vector.broadcast %broadcast_in_dim3A_463 : f32 to vector<64x32xf32>
    %eq3A_465 = arith.constant 0 : i32
    %eq3A_466 = vector.broadcast %eq3A_465 : i32 to vector<64x1xi32>
    %eq3A_467 = arith.cmpi eq, %slice3A_462, %eq3A_466 : vector<64x1xi32>
    %jit3A_468 = arith.constant 1.000000e+00 : f32
    %jit3A_469 = arith.constant 0.000000e+00 : f32
    %broadcast_in_dim3A_470 = vector.broadcast %jit3A_468 : f32 to vector<64x1xf32>
    %broadcast_in_dim3A_471 = vector.broadcast %jit3A_469 : f32 to vector<64x1xf32>
    %select_n3A_472 = arith.select %eq3A_467, %broadcast_in_dim3A_470, %broadcast_in_dim3A_471 : vector<64x1xi1>, vector<64x1xf32>
    %slice3A_473 = vector.extract_strided_slice %get3A_50 {offsets = [0, 1024], sizes = [64, 32], strides = [1, 1]} : vector<64x1280xf32> to vector<64x32xf32>
    %mul3A_474 = vector.broadcast %select_n3A_472 : vector<64x1xf32> to vector<64x32xf32>
    %mul3A_475 = arith.mulf %mul3A_474, %slice3A_473 : vector<64x32xf32>
    %add3A_476 = arith.addf %broadcast_in_dim3A_464, %mul3A_475 : vector<64x32xf32>
    %eq3A_477 = arith.constant 1 : i32
    %eq3A_478 = vector.broadcast %eq3A_477 : i32 to vector<64x1xi32>
    %eq3A_479 = arith.cmpi eq, %slice3A_462, %eq3A_478 : vector<64x1xi32>
    %jit3A_480 = arith.constant 1.000000e+00 : f32
    %jit3A_481 = arith.constant 0.000000e+00 : f32
    %broadcast_in_dim3A_482 = vector.broadcast %jit3A_480 : f32 to vector<64x1xf32>
    %broadcast_in_dim3A_483 = vector.broadcast %jit3A_481 : f32 to vector<64x1xf32>
    %select_n3A_484 = arith.select %eq3A_479, %broadcast_in_dim3A_482, %broadcast_in_dim3A_483 : vector<64x1xi1>, vector<64x1xf32>
    %slice3A_485 = vector.extract_strided_slice %get3A_50 {offsets = [0, 1056], sizes = [64, 32], strides = [1, 1]} : vector<64x1280xf32> to vector<64x32xf32>
    %mul3A_486 = vector.broadcast %select_n3A_484 : vector<64x1xf32> to vector<64x32xf32>
    %mul3A_487 = arith.mulf %mul3A_486, %slice3A_485 : vector<64x32xf32>
    %add3A_488 = arith.addf %add3A_476, %mul3A_487 : vector<64x32xf32>
    %eq3A_489 = arith.constant 2 : i32
    %eq3A_490 = vector.broadcast %eq3A_489 : i32 to vector<64x1xi32>
    %eq3A_491 = arith.cmpi eq, %slice3A_462, %eq3A_490 : vector<64x1xi32>
    %jit3A_492 = arith.constant 1.000000e+00 : f32
    %jit3A_493 = arith.constant 0.000000e+00 : f32
    %broadcast_in_dim3A_494 = vector.broadcast %jit3A_492 : f32 to vector<64x1xf32>
    %broadcast_in_dim3A_495 = vector.broadcast %jit3A_493 : f32 to vector<64x1xf32>
    %select_n3A_496 = arith.select %eq3A_491, %broadcast_in_dim3A_494, %broadcast_in_dim3A_495 : vector<64x1xi1>, vector<64x1xf32>
    %slice3A_497 = vector.extract_strided_slice %get3A_50 {offsets = [0, 1088], sizes = [64, 32], strides = [1, 1]} : vector<64x1280xf32> to vector<64x32xf32>
    %mul3A_498 = vector.broadcast %select_n3A_496 : vector<64x1xf32> to vector<64x32xf32>
    %mul3A_499 = arith.mulf %mul3A_498, %slice3A_497 : vector<64x32xf32>
    %add3A_500 = arith.addf %add3A_488, %mul3A_499 : vector<64x32xf32>
    %eq3A_501 = arith.constant 3 : i32
    %eq3A_502 = vector.broadcast %eq3A_501 : i32 to vector<64x1xi32>
    %eq3A_503 = arith.cmpi eq, %slice3A_462, %eq3A_502 : vector<64x1xi32>
    %jit3A_504 = arith.constant 1.000000e+00 : f32
    %jit3A_505 = arith.constant 0.000000e+00 : f32
    %broadcast_in_dim3A_506 = vector.broadcast %jit3A_504 : f32 to vector<64x1xf32>
    %broadcast_in_dim3A_507 = vector.broadcast %jit3A_505 : f32 to vector<64x1xf32>
    %select_n3A_508 = arith.select %eq3A_503, %broadcast_in_dim3A_506, %broadcast_in_dim3A_507 : vector<64x1xi1>, vector<64x1xf32>
    %slice3A_509 = vector.extract_strided_slice %get3A_50 {offsets = [0, 1120], sizes = [64, 32], strides = [1, 1]} : vector<64x1280xf32> to vector<64x32xf32>
    %mul3A_510 = vector.broadcast %select_n3A_508 : vector<64x1xf32> to vector<64x32xf32>
    %mul3A_511 = arith.mulf %mul3A_510, %slice3A_509 : vector<64x32xf32>
    %add3A_512 = arith.addf %add3A_500, %mul3A_511 : vector<64x32xf32>
    %slice3A_513 = vector.extract_strided_slice %get3A_53 {offsets = [0, 9], sizes = [64, 1], strides = [1, 1]} : vector<64x10xi32> to vector<64x1xi32>
    %broadcast_in_dim3A_514 = arith.constant 0.000000e+00 : f32
    %broadcast_in_dim3A_515 = vector.broadcast %broadcast_in_dim3A_514 : f32 to vector<64x32xf32>
    %eq3A_516 = arith.constant 0 : i32
    %eq3A_517 = vector.broadcast %eq3A_516 : i32 to vector<64x1xi32>
    %eq3A_518 = arith.cmpi eq, %slice3A_513, %eq3A_517 : vector<64x1xi32>
    %jit3A_519 = arith.constant 1.000000e+00 : f32
    %jit3A_520 = arith.constant 0.000000e+00 : f32
    %broadcast_in_dim3A_521 = vector.broadcast %jit3A_519 : f32 to vector<64x1xf32>
    %broadcast_in_dim3A_522 = vector.broadcast %jit3A_520 : f32 to vector<64x1xf32>
    %select_n3A_523 = arith.select %eq3A_518, %broadcast_in_dim3A_521, %broadcast_in_dim3A_522 : vector<64x1xi1>, vector<64x1xf32>
    %slice3A_524 = vector.extract_strided_slice %get3A_50 {offsets = [0, 1152], sizes = [64, 32], strides = [1, 1]} : vector<64x1280xf32> to vector<64x32xf32>
    %mul3A_525 = vector.broadcast %select_n3A_523 : vector<64x1xf32> to vector<64x32xf32>
    %mul3A_526 = arith.mulf %mul3A_525, %slice3A_524 : vector<64x32xf32>
    %add3A_527 = arith.addf %broadcast_in_dim3A_515, %mul3A_526 : vector<64x32xf32>
    %eq3A_528 = arith.constant 1 : i32
    %eq3A_529 = vector.broadcast %eq3A_528 : i32 to vector<64x1xi32>
    %eq3A_530 = arith.cmpi eq, %slice3A_513, %eq3A_529 : vector<64x1xi32>
    %jit3A_531 = arith.constant 1.000000e+00 : f32
    %jit3A_532 = arith.constant 0.000000e+00 : f32
    %broadcast_in_dim3A_533 = vector.broadcast %jit3A_531 : f32 to vector<64x1xf32>
    %broadcast_in_dim3A_534 = vector.broadcast %jit3A_532 : f32 to vector<64x1xf32>
    %select_n3A_535 = arith.select %eq3A_530, %broadcast_in_dim3A_533, %broadcast_in_dim3A_534 : vector<64x1xi1>, vector<64x1xf32>
    %slice3A_536 = vector.extract_strided_slice %get3A_50 {offsets = [0, 1184], sizes = [64, 32], strides = [1, 1]} : vector<64x1280xf32> to vector<64x32xf32>
    %mul3A_537 = vector.broadcast %select_n3A_535 : vector<64x1xf32> to vector<64x32xf32>
    %mul3A_538 = arith.mulf %mul3A_537, %slice3A_536 : vector<64x32xf32>
    %add3A_539 = arith.addf %add3A_527, %mul3A_538 : vector<64x32xf32>
    %eq3A_540 = arith.constant 2 : i32
    %eq3A_541 = vector.broadcast %eq3A_540 : i32 to vector<64x1xi32>
    %eq3A_542 = arith.cmpi eq, %slice3A_513, %eq3A_541 : vector<64x1xi32>
    %jit3A_543 = arith.constant 1.000000e+00 : f32
    %jit3A_544 = arith.constant 0.000000e+00 : f32
    %broadcast_in_dim3A_545 = vector.broadcast %jit3A_543 : f32 to vector<64x1xf32>
    %broadcast_in_dim3A_546 = vector.broadcast %jit3A_544 : f32 to vector<64x1xf32>
    %select_n3A_547 = arith.select %eq3A_542, %broadcast_in_dim3A_545, %broadcast_in_dim3A_546 : vector<64x1xi1>, vector<64x1xf32>
    %slice3A_548 = vector.extract_strided_slice %get3A_50 {offsets = [0, 1216], sizes = [64, 32], strides = [1, 1]} : vector<64x1280xf32> to vector<64x32xf32>
    %mul3A_549 = vector.broadcast %select_n3A_547 : vector<64x1xf32> to vector<64x32xf32>
    %mul3A_550 = arith.mulf %mul3A_549, %slice3A_548 : vector<64x32xf32>
    %add3A_551 = arith.addf %add3A_539, %mul3A_550 : vector<64x32xf32>
    %eq3A_552 = arith.constant 3 : i32
    %eq3A_553 = vector.broadcast %eq3A_552 : i32 to vector<64x1xi32>
    %eq3A_554 = arith.cmpi eq, %slice3A_513, %eq3A_553 : vector<64x1xi32>
    %jit3A_555 = arith.constant 1.000000e+00 : f32
    %jit3A_556 = arith.constant 0.000000e+00 : f32
    %broadcast_in_dim3A_557 = vector.broadcast %jit3A_555 : f32 to vector<64x1xf32>
    %broadcast_in_dim3A_558 = vector.broadcast %jit3A_556 : f32 to vector<64x1xf32>
    %select_n3A_559 = arith.select %eq3A_554, %broadcast_in_dim3A_557, %broadcast_in_dim3A_558 : vector<64x1xi1>, vector<64x1xf32>
    %slice3A_560 = vector.extract_strided_slice %get3A_50 {offsets = [0, 1248], sizes = [64, 32], strides = [1, 1]} : vector<64x1280xf32> to vector<64x32xf32>
    %mul3A_561 = vector.broadcast %select_n3A_559 : vector<64x1xf32> to vector<64x32xf32>
    %mul3A_562 = arith.mulf %mul3A_561, %slice3A_560 : vector<64x32xf32>
    %add3A_563 = arith.addf %add3A_551, %mul3A_562 : vector<64x32xf32>
    %concatenate3A = tpu.concatenate %add3A_104, %add3A_155, %add3A_206, %add3A_257, %add3A_308, %add3A_359, %add3A_410, %add3A_461, %add3A_512, %add3A_563 in 1 : vector<64x32xf32>, vector<64x32xf32>, vector<64x32xf32>, vector<64x32xf32>, vector<64x32xf32>, vector<64x32xf32>, vector<64x32xf32>, vector<64x32xf32>, vector<64x32xf32>, vector<64x32xf32> -> vector<64x320xf32>
    %get3A_564 = arith.constant 0 : index
    %get3A_565 = arith.constant 0 : index
    %get3A_566 = vector.load %arg5[%get3A_564, %get3A_565] : memref<32x320xf32, #tpu.memory_space<vmem>>, vector<32x320xf32>
    %dot_general3A = arith.constant dense<0.000000e+00> : vector<640x320xf32>
    %dot_general3A_567 = tpu.matmul %add3A_47, %get3A_566, %dot_general3A {dimension_numbers = #tpu.dot_dimension_numbers<[1], [0], [0], [1], [0, 0, 1, 1], [], []>, transpose_lhs_hint = false} : vector<640x32xf32>, vector<32x320xf32>, vector<640x320xf32> -> vector<640x320xf32>
    %get3A_568 = arith.constant 0 : index
    %get3A_569 = arith.constant 0 : index
    %get3A_570 = vector.load %arg6[%get3A_568, %get3A_569] : memref<320x320xf32, #tpu.memory_space<vmem>>, vector<320x320xf32>
    %dot_general3A_571 = arith.constant dense<0.000000e+00> : vector<64x320xf32>
    %dot_general3A_572 = tpu.matmul %concatenate3A, %get3A_570, %dot_general3A_571 {dimension_numbers = #tpu.dot_dimension_numbers<[1], [0], [0], [1], [0, 0, 1, 1], [], []>, transpose_lhs_hint = false} : vector<64x320xf32>, vector<320x320xf32>, vector<64x320xf32> -> vector<64x320xf32>
    %reshape3A = vector.shape_cast %dot_general3A_567 : vector<640x320xf32> to vector<64x10x320xf32>
    %reshape3A_573 = vector.shape_cast %dot_general3A_572 : vector<64x320xf32> to vector<64x1x320xf32>
    %mul3A_574 = vector.broadcast %reshape3A_573 : vector<64x1x320xf32> to vector<64x10x320xf32>
    %mul3A_575 = arith.mulf %reshape3A, %mul3A_574 : vector<64x10x320xf32>
    %reshape3A_576 = vector.shape_cast %mul3A_575 : vector<64x10x320xf32> to vector<640x320xf32>
    %get3A_577 = arith.constant 0 : index
    %get3A_578 = arith.constant 0 : index
    %get3A_579 = vector.load %arg7[%get3A_577, %get3A_578] : memref<320x320xf32, #tpu.memory_space<vmem>>, vector<320x320xf32>
    %dot_general3A_580 = arith.constant dense<0.000000e+00> : vector<640x320xf32>
    %dot_general3A_581 = tpu.matmul %reshape3A_576, %get3A_579, %dot_general3A_580 {dimension_numbers = #tpu.dot_dimension_numbers<[1], [0], [0], [1], [0, 0, 1, 1], [], []>, transpose_lhs_hint = false} : vector<640x320xf32>, vector<320x320xf32>, vector<640x320xf32> -> vector<640x320xf32>
    %sub3A = arith.subf %reshape3A_576, %dot_general3A_581 : vector<640x320xf32>
    %mul3A_582 = arith.mulf %sub3A, %sub3A : vector<640x320xf32>
    %get3A_583 = arith.constant 0 : index
    %get3A_584 = arith.constant 0 : index
    %get3A_585 = vector.load %arg7[%get3A_583, %get3A_584] : memref<320x320xf32, #tpu.memory_space<vmem>>, vector<320x320xf32>
    %dot_general3A_586 = arith.constant dense<0.000000e+00> : vector<640x320xf32>
    %dot_general3A_587 = tpu.matmul %mul3A_582, %get3A_585, %dot_general3A_586 {dimension_numbers = #tpu.dot_dimension_numbers<[1], [0], [0], [1], [0, 0, 1, 1], [], []>, transpose_lhs_hint = false} : vector<640x320xf32>, vector<320x320xf32>, vector<640x320xf32> -> vector<640x320xf32>
    %add3A_588 = arith.constant 9.99999974E-6 : f32
    %add3A_589 = vector.broadcast %add3A_588 : f32 to vector<640x320xf32>
    %add3A_590 = arith.addf %dot_general3A_587, %add3A_589 : vector<640x320xf32>
    %rsqrt3A = math.rsqrt %add3A_590 : vector<640x320xf32>
    %get3A_591 = arith.constant 0 : index
    %get3A_592 = arith.constant 0 : index
    %get3A_593 = vector.load %arg8[%get3A_591, %get3A_592] : memref<1x320xf32, #tpu.memory_space<vmem>>, vector<1x320xf32>
    %mul3A_594 = vector.broadcast %get3A_593 : vector<1x320xf32> to vector<640x320xf32>
    %mul3A_595 = arith.mulf %rsqrt3A, %mul3A_594 : vector<640x320xf32>
    %mul3A_596 = arith.mulf %sub3A, %mul3A_595 : vector<640x320xf32>
    %get3A_597 = arith.constant 0 : index
    %get3A_598 = arith.constant 0 : index
    %get3A_599 = vector.load %arg9[%get3A_597, %get3A_598] : memref<1x320xf32, #tpu.memory_space<vmem>>, vector<1x320xf32>
    %add3A_600 = vector.broadcast %get3A_599 : vector<1x320xf32> to vector<640x320xf32>
    %add3A_601 = arith.addf %mul3A_596, %add3A_600 : vector<640x320xf32>
    %swap3A = arith.constant 0 : index
    %swap3A_602 = arith.constant 0 : index
    %swap3A_603 = vector.load %arg10[%swap3A, %swap3A_602] : memref<640x320xf32, #tpu.memory_space<vmem>>, vector<640x320xf32>
    tpu.vector_store %arg10[%swap3A, %swap3A_602], %add3A_601 {strides = array<i32>} : memref<640x320xf32, #tpu.memory_space<vmem>>, vector<640x320xf32>,
    return
  }
  func.func @transform_0(%arg0: i32) -> (i32, i32) {
    %c0_i32 = arith.constant 0 : i32
    %c0_i32_0 = arith.constant 0 : i32
    return %arg0, %c0_i32 : i32, i32
  }
  func.func @transform_1(%arg0: i32) -> (i32, i32) {
    %c0_i32 = arith.constant 0 : i32
    %c0_i32_0 = arith.constant 0 : i32
    return %arg0, %c0_i32 : i32, i32
  }
  func.func @transform_2(%arg0: i32) -> (i32, i32) {
    %c0_i32 = arith.constant 0 : i32
    %c0_i32_0 = arith.constant 0 : i32
    return %arg0, %c0_i32 : i32, i32
  }
  func.func @transform_3(%arg0: i32) -> (i32, i32) {
    %c0_i32 = arith.constant 0 : i32
    %c0_i32_0 = arith.constant 0 : i32
    return %arg0, %c0_i32 : i32, i32
  }
  func.func @transform_4(%arg0: i32) -> (i32, i32) {
    %c0_i32 = arith.constant 0 : i32
    %c0_i32_0 = arith.constant 0 : i32
    %c0_i32_1 = arith.constant 0 : i32
    return %c0_i32, %c0_i32_0 : i32, i32
  }
  func.func @transform_5(%arg0: i32) -> (i32, i32) {
    %c0_i32 = arith.constant 0 : i32
    %c0_i32_0 = arith.constant 0 : i32
    %c0_i32_1 = arith.constant 0 : i32
    return %c0_i32, %c0_i32_0 : i32, i32
  }
  func.func @transform_6(%arg0: i32) -> (i32, i32) {
    %c0_i32 = arith.constant 0 : i32
    %c0_i32_0 = arith.constant 0 : i32
    %c0_i32_1 = arith.constant 0 : i32
    return %c0_i32, %c0_i32_0 : i32, i32
  }
  func.func @transform_7(%arg0: i32) -> (i32, i32) {
    %c0_i32 = arith.constant 0 : i32
    %c0_i32_0 = arith.constant 0 : i32
    %c0_i32_1 = arith.constant 0 : i32
    return %c0_i32, %c0_i32_0 : i32, i32
  }
  func.func @transform_8(%arg0: i32) -> (i32, i32) {
    %c0_i32 = arith.constant 0 : i32
    %c0_i32_0 = arith.constant 0 : i32
    %c0_i32_1 = arith.constant 0 : i32
    return %c0_i32, %c0_i32_0 : i32, i32
  }
  func.func @transform_9(%arg0: i32) -> (i32, i32) {
    %c0_i32 = arith.constant 0 : i32
    %c0_i32_0 = arith.constant 0 : i32
    return %arg0, %c0_i32 : i32, i32
  }
}

</mosaic_0001>

<sc_bundles>
// kernel: _run.5.cloned.1.call-start
scs
__scs_entry_jumppad:
0x0: {  	(pc) =	sbr.rel $0x88, $3  }
0x1: {  	(tag) =	ssettag $0x0;
	lr =	simm.s32 $0x1  }
0x2: {  	[smem:$0x3F99] =	sst lr;
	_ =	strace $0xD0000000  }
0x3: {  	_ = 	snop  }
0x4: {  	_ = 	snop  }
0x5: {  	_ = 	snop  }
0x6: {  	_ = 	snop  }
0x7: {  	_ = 	snop  }
__scs_overlays_trampoline_lowered:
0x8: {  	[smem:$0x3FA8] =	sst s0  }
0x9: {  	[smem:$0x3FA9] =	sst s1  }
0xa: {  	[smem:$0x3FAA] =	sst s2  }
0xb: {  	[smem:$0x3FAB] =	sst s3  }
0xc: {  	[smem:$0x3FAC] =	sst s4  }
0xd: {  	[smem:$0x3FAD] =	sst s5  }
0xe: {  	[smem:$0x3FAE] =	sst s6  }
0xf: {  	[smem:$0x3FAF] =	sst s7  }
0x10: {  	[smem:$0x3FB0] =	sst s8  }
0x11: {  	[smem:$0x3FB1] =	sst s9;
	s0 =	simm.s32 @!p0 $0x0  }
0x12: {  	s1 =	sld [smem:$0x3F97];
	s0 =	simm.s32 @p0 $0x1  }
0x13: {  	[smem:$0x3FB2] =	sst s0;
	s0 =	simm.s32 @!p1 $0x0  }
0x14: {  	s2 =	sld [smem:$0x3F96];
	s0 =	simm.s32 @p1 $0x1  }
0x15: {  	[smem:$0x3FB3] =	sst s0;
	s0 =	simm.s32 @!p2 $0x0  }
0x16: {  	s3 =	sld [smem:$0x3FDB];
	s0 =	simm.s32 @p2 $0x1  }
0x17: {  	s4 =	simm.s32 $0x1BF5;
	[smem:$0x3FB5] =	sst s0  }
0x18: {  	s0 =	sld [smem:$0x3F98];
	_ =	swait.ge [sflag:s4], $0x0  }
0x19: {  	s7 =	sld [smem:$0x3F99]  }
0x1a: {  	s8 =	sadd.s32 $0xFFFFE003, lr  }
0x1b: {  	s9 =	sadd.s32 $0xFFFFFEF7, lr;
	s5 =	simm.s32 $0xFFFFFFFF;
	p2 =	slt.u32 s8, $0xFFFFF086  }
0x1c: {  	p1 =	slt.u32 s9, $0xF7A;
	s5 =	simm.s32 @!p2 $0x0  }
0x1d: {  	s5 =	simm.s32 @p1 $0x1;
	p0 =	seq.s32 s7, s2  }
0x1e: {  	s7 =	smul.u32 @!p0 $0xF7A, s2;
	p2 =	seq.s32 @!p0 s5, $0x0  }
0x1f: {  	s9 =	smul.u32 $0xF7A, s1;
	s8 =	simm.s32 @!p0 $0x1BF5;
	p2 =	por !p2, p0  }
0x20: {  	[sflag:s8] =	ssyncset.s32 @!p0 $0xFFFFF086;
	s6 =	sadd.s32 @!p0 s3, s7;
	s7 =	simm.s32 @!p0 $0x108  }
0x21: {  	s3 =	sadd.s32 s3, s9;
	s6 =	sadd.s32 @!p0 $0x88, s6;
	s7 =	simm.s32 @p2 $0x1082  }
0x22: {  	[simem:s7], [sflag:s8] =	dma.local @!p0 [hbm:s6], $0xF7A  }
0x23: {  	s9 =	sor.u32 $0xD0000000, s2;
	s6 =	simm.s32 $0x108;
	_ =	swait.ge @!p0 [sflag:s8], $0x0  }
0x24: {  	s3 =	sadd.s32 $0x88, s3;
	s6 =	simm.s32 @!p1 $0x1082;
	[sflag:s4] =	ssyncset.s32 $0xFFFFF086  }
0x25: {  	[simem:s6], [sflag:s4] =	dma.local [hbm:s3], $0xF7A  }
0x26: {  	[smem:$0x3F99] =	sst s1;
	(tag) =	ssettag s2;
	_ =	strace s9  }
0x27: {  	s1 =	sld [smem:$0x3FA9]  }
0x28: {  	s2 =	sld [smem:$0x3FAA]  }
0x29: {  	s4 =	sld [smem:$0x3FAC]  }
0x2a: {  	p0 =	seq.s32 s5, $0x0;
	s5 =	sld [smem:$0x3FAD]  }
0x2b: {  	s6 =	sld [smem:$0x3FAE]  }
0x2c: {  	s7 =	sld [smem:$0x3FAF]  }
0x2d: {  	s3 =	simm.s32 $0x108;
	s8 =	sld [smem:$0x3FB0]  }
0x2e: {  	s3 =	simm.s32 @!p0 $0x1082;
	s9 =	sld [smem:$0x3FB1]  }
0x2f: {  	lr =	sadd.s32 s0, s3;
	s0 =	sld [smem:$0x3FA8]  }
0x30: {  	s3 =	sld [smem:$0x3FAB]  }
0x31: {  	[smem:$0x3FB4] =	sst s10  }
0x32: {  	s10 =	sld [smem:$0x3FB2];
	_ =	sdelay $0x3  }
0x33: {  	p0 =	seq.s32 s10, $0x1;
	s10 =	sld [smem:$0x3FB4];
	_ =	sdelay $0x3  }
0x34: {  	[smem:$0x3FB4] =	sst s10  }
0x35: {  	s10 =	sld [smem:$0x3FB3];
	_ =	sdelay $0x3  }
0x36: {  	p1 =	seq.s32 s10, $0x1;
	s10 =	sld [smem:$0x3FB4];
	_ =	sdelay $0x3  }
0x37: {  	[smem:$0x3FB4] =	sst s10  }
0x38: {  	s10 =	sld [smem:$0x3FB5]  }
0x39: {  	_ = 	snop;
	(pc) =	sbr.ind lr, $3  }
0x3a: {  	_ = 	snop  }
0x3b: {  	_ = 	snop  }
0x3c: {  	p2 =	seq.s32 s10, $0x1;
	s10 =	sld [smem:$0x3FB4]  }
0x3d: {  	_ =	shalt  }
0x3e: {  	_ =	shalt  }
0x3f: {  	_ =	shalt  }
0x40: {  	_ =	shalt  }
0x41: {  	_ =	shalt  }
0x42: {  	_ =	shalt  }
0x43: {  	_ =	shalt  }
0x44: {  	_ =	shalt  }
0x45: {  	_ =	shalt  }
0x46: {  	_ =	shalt  }
0x47: {  	_ =	shalt  }
0x48: {  	_ =	shalt  }
0x49: {  	_ =	shalt  }
0x4a: {  	_ =	shalt  }
0x4b: {  	_ =	shalt  }
0x4c: {  	_ =	shalt  }
0x4d: {  	_ =	shalt  }
0x4e: {  	_ =	shalt  }
0x4f: {  	_ =	shalt  }
0x50: {  	_ =	shalt  }
0x51: {  	_ =	shalt  }
0x52: {  	_ =	shalt  }
0x53: {  	_ =	shalt  }
0x54: {  	_ =	shalt  }
0x55: {  	_ =	shalt  }
0x56: {  	_ =	shalt  }
0x57: {  	_ =	shalt  }
0x58: {  	_ =	shalt  }
0x59: {  	_ =	shalt  }
0x5a: {  	_ =	shalt  }
0x5b: {  	_ =	shalt  }
0x5c: {  	_ =	shalt  }
0x5d: {  	_ =	shalt  }
0x5e: {  	_ =	shalt  }
0x5f: {  	_ =	shalt  }
0x60: {  	_ =	shalt  }
0x61: {  	_ =	shalt  }
0x62: {  	_ =	shalt  }
0x63: {  	_ =	shalt  }
0x64: {  	_ =	shalt  }
0x65: {  	_ =	shalt  }
0x66: {  	_ =	shalt  }
0x67: {  	_ =	shalt  }
0x68: {  	_ =	shalt  }
0x69: {  	_ =	shalt  }
0x6a: {  	_ =	shalt  }
0x6b: {  	_ =	shalt  }
0x6c: {  	_ =	shalt  }
0x6d: {  	_ =	shalt  }
0x6e: {  	_ =	shalt  }
0x6f: {  	_ =	shalt  }
0x70: {  	_ =	shalt  }
0x71: {  	_ =	shalt  }
0x72: {  	_ =	shalt  }
0x73: {  	_ =	shalt  }
0x74: {  	_ =	shalt  }
0x75: {  	_ =	shalt  }
0x76: {  	_ =	shalt  }
0x77: {  	_ =	shalt  }
0x78: {  	_ =	shalt  }
0x79: {  	_ =	shalt  }
0x7a: {  	_ =	shalt  }
0x7b: {  	_ =	shalt  }
0x7c: {  	_ =	shalt  }
0x7d: {  	_ =	shalt  }
0x7e: {  	_ =	shalt  }
0x7f: {  	_ =	shalt  }
0x80: {  	_ =	shalt  }
0x81: {  	_ =	shalt  }
0x82: {  	_ =	shalt  }
0x83: {  	_ =	shalt  }
0x84: {  	_ =	shalt  }
0x85: {  	_ =	shalt  }
0x86: {  	_ =	shalt  }
0x87: {  	_ =	shalt  }
.Lfunc_end0:
.L_simem_size_0:
called_computation.1_lowered:
.L_overlay_start_0:
0x88: {  	s2 =	sld [smem:$0x3FD9]  }
0x89: {  	s3 =	sld [smem:$0x3FFE];
	_ =	sdelay $0x1  }
0x8a: {  	s1 =	srdreg.scid  }
0x8b: {  	s0 =	sand.u32 $0x1, s1  }
0x8c: {  	s17 =	sshll.u32 s0, $0xA;
	s2 =	sadd.s32 s3, s2  }
0x8d: {  	s2 =	sadd.s32 s2, s17  }
0x8e: {  	[smem:$0x3FC0] =	sst s2  }
0x8f: {  	_ = 	snop  }
0x90: {  	s2 =	sld [smem:$0x3FD0];
	(tm) =	ssettm $0x1  }
0x91: {  	s18 =	sld [smem:$0x3FFB];
	_ =	sdelay $0x3  }
0x92: {  	_ =	strace s18  }
0x93: {  	s3 =	sld [smem:$0x3FFC];
	_ =	sdelay $0x3  }
0x94: {  	_ =	strace s3  }
0x95: {  	s3 =	sld [smem:$0x3FFD];
	_ =	sdelay $0x3  }
0x96: {  	_ =	strace s3  }
0x97: {  	_ =	strace $0x8FFFFFFF  }
0x98: {  	s19 =	sld [smem:$0x3FDB];
	_ =	sdelay $0x1  }
0x99: {  	s4 =	simm.s32 $_scs_section_size  }
0x9a: {  	s5 =	simm.s32 $_size__tile_overlayer_lowered;
	s6 =	simm.s32 $_tile_overlayer_lowered  }
0x9b: {  	s22 =	simm.s32 $0x1BFF;
	s21 =	sshll.u32 s6, $0x1;
	s3 =	sadd.s32 s4, s19  }
0x9c: {  	s7 =	simm.s32 $0x0;
	s20 =	sshll.u32 s5, $0x1;
	s5 =	sadd.s32 s21, s3  }
0x9d: {  	[timem:s7], [sflag:s22] =	dma.local [hbm:s5], s20  }
0x9e: {  	_ =	swait.ge [sflag:s22], s20  }
0x9f: {  	s4 =	ssub.s32 $0x0, s20;
	[sflag:s22] =	ssyncset.done $0x0  }
0xa0: {  	[sflag:s22] =	ssyncadd.s32 s4;
	_ =	sdelay $0x1  }
0xa1: {  	s23 =	simm.s32 $0x1B8B  }
0xa2: {  	_ =	swait.ge [sflag:s23], $0x1  }
0xa3: {  	[sflag:s23] =	ssyncset.done $0x0  }
0xa4: {  	s25 =	simm.s32 $0x1B8E;
	s24 =	sld [smem:$0x3FFE];
	[sflag:s23] =	ssyncadd.s32 $0xFFFFFFFF  }
0xa5: {  	s26 =	simm.s32 $execute0_lowered;
	[smem:$0x3FD2] =	sst s25  }
0xa6: {  	s5 =	sshll.u32 s26, $0x1;
	_ =	strace $0x80000046;
	[dreg:$0x1] =	wrdreg $0xFFFFFFFF  }
0xa7: {  	s28 =	simm.s32 $_size_execute0_lowered;
	s3 =	sadd.s32 s3, s5;
	[dreg:$0x0] =	wrdreg $0x0  }
0xa8: {  	s5 =	sshll.u32 s28, $0x1;
	[dreg:$0x2] =	wrdreg s3  }
0xa9: {  	[dreg:$0x3] =	wrdreg s5  }
0xaa: {  	[dreg:$0x4] =	wrdreg $0xC0  }
0xab: {  	_ =	task [dreg:s7], $0x5FFFF  }
0xac: {  	[dreg:$0x1] =	wrdreg $0xFFFFFFFF  }
0xad: {  	[dreg:$0x0] =	wrdreg $0x60  }
0xae: {  	[dreg:$0x2] =	wrdreg s2  }
0xaf: {  	[dreg:$0x3] =	wrdreg s24  }
0xb0: {  	[dreg:$0x4] =	wrdreg $0x9  }
0xb1: {  	_ =	task.clear_ibuf [dreg:s7], $0x5FFFF;
	_ =	strace $0x90000046  }
0xb2: {  	s29 =	simm.s32 $0x9;
	_ =	strace $0x80000048  }
0xb3: {  	_ =	swait.ge [sflag:s29], $0x1  }
0xb4: {  	[sflag:s29] =	ssyncadd.s32 $0xFFFFFFFF  }
0xb5: {  	_ =	strace $0x90000048  }
0xb6: {  	_ =	sfence  }
0xb7: {  	s30 =	sld [smem:$0x0];
	_ =	sdelay $0x2  }
0xb8: {  	s31 =	sshll.u32 s1, $0xD;
	s1 =	sshrl.u32 s1, $0x2  }
0xb9: {  	s3 =	sand.u32 $0x4000, s31;
	s1 =	sadd.s32 s1, s30  }
0xba: {  	s0 =	sor.u32 s3, s0;
	s1 =	sshll.u32 s1, $0x11  }
0xbb: {  	s0 =	sor.u32 s1, s0  }
0xbc: {  	s0 =	sadd.s32 $0x8F2B, s0  }
0xbd: {  	[sflag:s0] =	ssyncadd.remote.s32 $0x1  }
0xbe: {  	_ =	sfence.sel $0xFFFF  }
0xbf: {  	[dreg:$0x0] =	wrdreg $0xFFFFFFFF;
	(pc) =	sbr.abs _section_cstart, $3  }
0xc0: {  	[dreg:$0x1] =	wrdreg $0xFFFFFFFF  }
0xc1: {  	_ =	task.clear_ibuf [dreg:s7], $0x2FFFF;
	_ =	strace $0x9FFFFFFF  }
0xc2: {  	(tm) =	ssettm $0x7FFFFFFF  }
0xc3: {  	_ =	shalt  }
tec
execute0_lowered:
.L_overlay_start_1:
0x0: {  	(tag) =	ssettag $0x1  }
0x1: {  	s0 =	srdreg.scid;
	s3 =	stileid.u32  }
0x2: {  	s2 =	rddreg [dreg:$0x0];
	s31 =	sand.u32 $0x1, s0;
	s14 =	sshll.u32 s3, $0x1  }
0x3: {  	s1 =	rddreg [dreg:$0x1];
	s0 =	sor.u32 s31, s14  }
0x4: {  	s3 =	simm.s32 $0x0;
	s8 =	sadd.s32 $0x42C00, s1;
	s11 =	smul.u32 $0x1400, s0  }
0x5: {  	s9 =	sadd.s32 $0x2CCC00, s1;
	[smem:$0x7FF] =	sst s3;
	s12 =	smul.u32 $0x14000, s0  }
0x6: {  	_ =	strace $0x80000047;
	s10 =	sshrl.u32 s11, $0x3;
	s4 =	sor.u32 $0x200, s11  }
0x7: {  	s16 =	sadd.s32 s9, s12;
	s19 =	sadd.s32 $0x400, s11;
	s21 =	sadd.s32 $0x600, s11  }
0x8: {  	s25 =	sadd.s32 $0x800, s11;
	s5 =	sadd.s32 $0xA00, s11;
	s0 =	sadd.s32 $0x1000, s11  }
0x9: {  	s15 =	sadd.s32 s8, s10;
	s13 =	sshrl.u32 s4, $0x3;
	[dreg:$0x4] =	wrdreg s16  }
0xa: {  	s14 =	sshll.u32 s4, $0x4;
	[dreg:$0x3] =	wrdreg s15;
	s17 =	sadd.s32 s8, s13  }
0xb: {  	s16 =	sshll.u32 s19, $0x4;
	s18 =	sadd.s32 s9, s14;
	[dreg:$0x5] =	wrdreg s17  }
0xc: {  	s15 =	sshrl.u32 s19, $0x3;
	s22 =	sadd.s32 s9, s16;
	[dreg:$0x6] =	wrdreg s18  }
0xd: {  	s19 =	sshrl.u32 s25, $0x3;
	s20 =	sadd.s32 s8, s15;
	[dreg:$0x8] =	wrdreg s22  }
0xe: {  	s17 =	sshrl.u32 s21, $0x3;
	s26 =	sadd.s32 s8, s19;
	[dreg:$0x7] =	wrdreg s20  }
0xf: {  	s18 =	sshll.u32 s21, $0x4;
	s21 =	sshrl.u32 s5, $0x3;
	[dreg:$0xb] =	wrdreg s26  }
0x10: {  	s22 =	sshll.u32 s5, $0x4;
	s23 =	sadd.s32 s8, s17;
	s26 =	rddreg [dreg:$0x3]  }
0x11: {  	s5 =	sadd.s32 $0xE00, s11;
	s24 =	sadd.s32 s9, s18;
	[dreg:$0x9] =	wrdreg s23  }
0x12: {  	s20 =	sshll.u32 s25, $0x4;
	s7 =	sadd.s32 s8, s21;
	[dreg:$0xa] =	wrdreg s24  }
0x13: {  	[dreg:$0xd] =	wrdreg s7;
	s23 =	sadd.s32 s9, s22;
	s24 =	sadd.s32 $0xC00, s11  }
0x14: {  	[tilespmem:s3], [sflag:$0x2] =	stream.linear.gather [hbm4b:s26+s3], $0x200, $0x38;
	[tilespmem:$0x10200] =	vst v63  }
0x15: {  	s6 =	sadd.s32 s9, s20;
	[dreg:$0xe] =	wrdreg s23;
	s23 =	sshrl.u32 s24, $0x3  }
0x16: {  	[dreg:$0xc] =	wrdreg s6;
	s24 =	sshll.u32 s24, $0x4;
	s25 =	sadd.s32 s8, s23  }
0x17: {  	s26 =	sshll.u32 s5, $0x4;
	s6 =	sadd.s32 s9, s24;
	[dreg:$0xf] =	wrdreg s25  }
0x18: {  	[dreg:$0x10] =	wrdreg s6;
	s25 =	sshrl.u32 s5, $0x3;
	s6 =	sadd.s32 s9, s26  }
0x19: {  	s28 =	sshrl.u32 s0, $0x3;
	s7 =	sadd.s32 s8, s25;
	[dreg:$0x12] =	wrdreg s6  }
0x1a: {  	[dreg:$0x11] =	wrdreg s7;
	s7 =	sadd.s32 s8, s28  }
0x1b: {  	s4 =	simm.s32 $0x2;
	[dreg:$0x13] =	wrdreg s7  }
0x1c: {  	_ =	swait.ge [sflag:s4], $0x200  }
0x1d: {  	[sflag:s4] =	ssyncset.done $0x0  }
0x1e: {  	s5 =	simm.s32 $0x200;
	s6 =	simm.s32 $0x1;
	[sflag:s4] =	ssyncadd.s32 $0xFFFFFE00  }
0x1f: {  	[tilespmem:s5], [sflag:$0x1] =	stream.indirect.gather [hbm4b:s2+s5], $0x80, s3, s5, $0xb8;
	[tilespmem:$0x10200] =	vst v63  }
0x20: {  	_ =	swait.ge [sflag:s6], $0x10000  }
0x21: {  	[sflag:s6] =	ssyncset.done $0x0  }
0x22: {  	s7 =	rddreg [dreg:$0x4];
	[sflag:s6] =	ssyncadd.s32 $0xFFFF0000  }
0x23: {  	[hbm4b:s7+s3] =	stream.linear.scatter [tilespmem:s5], [sflag:$0x2], $0x10000, $0x38;
	[tilespmem:$0x10200] =	vst v63  }
0x24: {  	_ =	swait.ge [sflag:s4], $0x10000  }
0x25: {  	[sflag:s4] =	ssyncset.done $0x0  }
0x26: {  	s7 =	rddreg [dreg:$0x5];
	[sflag:s4] =	ssyncadd.s32 $0xFFFF0000  }
0x27: {  	[tilespmem:s3], [sflag:$0x2] =	stream.linear.gather [hbm4b:s7+s3], $0x200, $0x38;
	[tilespmem:$0x10200] =	vst v63  }
0x28: {  	_ =	swait.ge [sflag:s4], $0x200  }
0x29: {  	[sflag:s4] =	ssyncset.done $0x0  }
0x2a: {  	[sflag:s4] =	ssyncadd.s32 $0xFFFFFE00  }
0x2b: {  	[tilespmem:s5], [sflag:$0x1] =	stream.indirect.gather [hbm4b:s2+s5], $0x80, s3, s5, $0xb8;
	[tilespmem:$0x10200] =	vst v63  }
0x2c: {  	_ =	swait.ge [sflag:s6], $0x10000  }
0x2d: {  	[sflag:s6] =	ssyncset.done $0x0  }
0x2e: {  	s7 =	rddreg [dreg:$0x6];
	[sflag:s6] =	ssyncadd.s32 $0xFFFF0000  }
0x2f: {  	[hbm4b:s7+s3] =	stream.linear.scatter [tilespmem:s5], [sflag:$0x2], $0x10000, $0x38;
	[tilespmem:$0x10200] =	vst v63  }
0x30: {  	_ =	swait.ge [sflag:s4], $0x10000  }
0x31: {  	[sflag:s4] =	ssyncset.done $0x0  }
0x32: {  	s7 =	rddreg [dreg:$0x7];
	[sflag:s4] =	ssyncadd.s32 $0xFFFF0000  }
0x33: {  	[tilespmem:s3], [sflag:$0x2] =	stream.linear.gather [hbm4b:s7+s3], $0x200, $0x38;
	[tilespmem:$0x10200] =	vst v63  }
0x34: {  	_ =	swait.ge [sflag:s4], $0x200  }
0x35: {  	[sflag:s4] =	ssyncset.done $0x0  }
0x36: {  	[sflag:s4] =	ssyncadd.s32 $0xFFFFFE00  }
0x37: {  	[tilespmem:s5], [sflag:$0x1] =	stream.indirect.gather [hbm4b:s2+s5], $0x80, s3, s5, $0xb8;
	[tilespmem:$0x10200] =	vst v63  }
0x38: {  	_ =	swait.ge [sflag:s6], $0x10000  }
0x39: {  	[sflag:s6] =	ssyncset.done $0x0  }
0x3a: {  	s7 =	rddreg [dreg:$0x8];
	[sflag:s6] =	ssyncadd.s32 $0xFFFF0000  }
0x3b: {  	[hbm4b:s7+s3] =	stream.linear.scatter [tilespmem:s5], [sflag:$0x2], $0x10000, $0x38;
	[tilespmem:$0x10200] =	vst v63  }
0x3c: {  	_ =	swait.ge [sflag:s4], $0x10000  }
0x3d: {  	[sflag:s4] =	ssyncset.done $0x0  }
0x3e: {  	s7 =	rddreg [dreg:$0x9];
	[sflag:s4] =	ssyncadd.s32 $0xFFFF0000  }
0x3f: {  	[tilespmem:s3], [sflag:$0x2] =	stream.linear.gather [hbm4b:s7+s3], $0x200, $0x38;
	[tilespmem:$0x10200] =	vst v63  }
0x40: {  	_ =	swait.ge [sflag:s4], $0x200  }
0x41: {  	[sflag:s4] =	ssyncset.done $0x0  }
0x42: {  	[sflag:s4] =	ssyncadd.s32 $0xFFFFFE00  }
0x43: {  	[tilespmem:s5], [sflag:$0x1] =	stream.indirect.gather [hbm4b:s2+s5], $0x80, s3, s5, $0xb8;
	[tilespmem:$0x10200] =	vst v63  }
0x44: {  	_ =	swait.ge [sflag:s6], $0x10000  }
0x45: {  	[sflag:s6] =	ssyncset.done $0x0  }
0x46: {  	s7 =	rddreg [dreg:$0xa];
	[sflag:s6] =	ssyncadd.s32 $0xFFFF0000  }
0x47: {  	[hbm4b:s7+s3] =	stream.linear.scatter [tilespmem:s5], [sflag:$0x2], $0x10000, $0x38;
	[tilespmem:$0x10200] =	vst v63  }
0x48: {  	_ =	swait.ge [sflag:s4], $0x10000  }
0x49: {  	[sflag:s4] =	ssyncset.done $0x0  }
0x4a: {  	s7 =	rddreg [dreg:$0xb];
	[sflag:s4] =	ssyncadd.s32 $0xFFFF0000  }
0x4b: {  	[tilespmem:s3], [sflag:$0x2] =	stream.linear.gather [hbm4b:s7+s3], $0x200, $0x38;
	[tilespmem:$0x10200] =	vst v63  }
0x4c: {  	_ =	swait.ge [sflag:s4], $0x200  }
0x4d: {  	[sflag:s4] =	ssyncset.done $0x0  }
0x4e: {  	[sflag:s4] =	ssyncadd.s32 $0xFFFFFE00  }
0x4f: {  	[tilespmem:s5], [sflag:$0x1] =	stream.indirect.gather [hbm4b:s2+s5], $0x80, s3, s5, $0xb8;
	[tilespmem:$0x10200] =	vst v63  }
0x50: {  	_ =	swait.ge [sflag:s6], $0x10000  }
0x51: {  	[sflag:s6] =	ssyncset.done $0x0  }
0x52: {  	s7 =	rddreg [dreg:$0xc];
	[sflag:s6] =	ssyncadd.s32 $0xFFFF0000  }
0x53: {  	[hbm4b:s7+s3] =	stream.linear.scatter [tilespmem:s5], [sflag:$0x2], $0x10000, $0x38;
	[tilespmem:$0x10200] =	vst v63  }
0x54: {  	_ =	swait.ge [sflag:s4], $0x10000  }
0x55: {  	[sflag:s4] =	ssyncset.done $0x0  }
0x56: {  	s7 =	rddreg [dreg:$0xd];
	[sflag:s4] =	ssyncadd.s32 $0xFFFF0000  }
0x57: {  	[tilespmem:s3], [sflag:$0x2] =	stream.linear.gather [hbm4b:s7+s3], $0x200, $0x38;
	[tilespmem:$0x10200] =	vst v63  }
0x58: {  	_ =	swait.ge [sflag:s4], $0x200  }
0x59: {  	[sflag:s4] =	ssyncset.done $0x0  }
0x5a: {  	[sflag:s4] =	ssyncadd.s32 $0xFFFFFE00  }
0x5b: {  	[tilespmem:s5], [sflag:$0x1] =	stream.indirect.gather [hbm4b:s2+s5], $0x80, s3, s5, $0xb8;
	[tilespmem:$0x10200] =	vst v63  }
0x5c: {  	_ =	swait.ge [sflag:s6], $0x10000  }
0x5d: {  	[sflag:s6] =	ssyncset.done $0x0  }
0x5e: {  	s7 =	rddreg [dreg:$0xe];
	[sflag:s6] =	ssyncadd.s32 $0xFFFF0000  }
0x5f: {  	[hbm4b:s7+s3] =	stream.linear.scatter [tilespmem:s5], [sflag:$0x2], $0x10000, $0x38;
	[tilespmem:$0x10200] =	vst v63  }
0x60: {  	_ =	swait.ge [sflag:s4], $0x10000  }
0x61: {  	[sflag:s4] =	ssyncset.done $0x0  }
0x62: {  	s7 =	rddreg [dreg:$0xf];
	[sflag:s4] =	ssyncadd.s32 $0xFFFF0000  }
0x63: {  	[tilespmem:s3], [sflag:$0x2] =	stream.linear.gather [hbm4b:s7+s3], $0x200, $0x38;
	[tilespmem:$0x10200] =	vst v63  }
0x64: {  	_ =	swait.ge [sflag:s4], $0x200  }
0x65: {  	[sflag:s4] =	ssyncset.done $0x0  }
0x66: {  	[sflag:s4] =	ssyncadd.s32 $0xFFFFFE00  }
0x67: {  	[tilespmem:s5], [sflag:$0x1] =	stream.indirect.gather [hbm4b:s2+s5], $0x80, s3, s5, $0xb8;
	[tilespmem:$0x10200] =	vst v63  }
0x68: {  	_ =	swait.ge [sflag:s6], $0x10000  }
0x69: {  	[sflag:s6] =	ssyncset.done $0x0  }
0x6a: {  	s7 =	rddreg [dreg:$0x10];
	[sflag:s6] =	ssyncadd.s32 $0xFFFF0000  }
0x6b: {  	[hbm4b:s7+s3] =	stream.linear.scatter [tilespmem:s5], [sflag:$0x2], $0x10000, $0x38;
	[tilespmem:$0x10200] =	vst v63  }
0x6c: {  	_ =	swait.ge [sflag:s4], $0x10000  }
0x6d: {  	[sflag:s4] =	ssyncset.done $0x0  }
0x6e: {  	s7 =	rddreg [dreg:$0x11];
	[sflag:s4] =	ssyncadd.s32 $0xFFFF0000  }
0x6f: {  	[tilespmem:s3], [sflag:$0x2] =	stream.linear.gather [hbm4b:s7+s3], $0x200, $0x38;
	[tilespmem:$0x10200] =	vst v63  }
0x70: {  	_ =	swait.ge [sflag:s4], $0x200  }
0x71: {  	[sflag:s4] =	ssyncset.done $0x0  }
0x72: {  	[sflag:s4] =	ssyncadd.s32 $0xFFFFFE00  }
0x73: {  	[tilespmem:s5], [sflag:$0x1] =	stream.indirect.gather [hbm4b:s2+s5], $0x80, s3, s5, $0xb8;
	[tilespmem:$0x10200] =	vst v63  }
0x74: {  	_ =	swait.ge [sflag:s6], $0x10000  }
0x75: {  	[sflag:s6] =	ssyncset.done $0x0  }
0x76: {  	s7 =	rddreg [dreg:$0x12];
	[sflag:s6] =	ssyncadd.s32 $0xFFFF0000  }
0x77: {  	[hbm4b:s7+s3] =	stream.linear.scatter [tilespmem:s5], [sflag:$0x2], $0x10000, $0x38;
	[tilespmem:$0x10200] =	vst v63  }
0x78: {  	_ =	swait.ge [sflag:s4], $0x10000  }
0x79: {  	[sflag:s4] =	ssyncset.done $0x0  }
0x7a: {  	s7 =	rddreg [dreg:$0x13];
	[sflag:s4] =	ssyncadd.s32 $0xFFFF0000  }
0x7b: {  	[tilespmem:s3], [sflag:$0x2] =	stream.linear.gather [hbm4b:s7+s3], $0x200, $0x38;
	[tilespmem:$0x10200] =	vst v63  }
0x7c: {  	_ =	swait.ge [sflag:s4], $0x200  }
0x7d: {  	[sflag:s4] =	ssyncset.done $0x0  }
0x7e: {  	[sflag:s4] =	ssyncadd.s32 $0xFFFFFE00  }
0x7f: {  	[tilespmem:s5], [sflag:$0x1] =	stream.indirect.gather [hbm4b:s2+s5], $0x80, s3, s5, $0xb8;
	[tilespmem:$0x10200] =	vst v63  }
0x80: {  	_ =	swait.ge [sflag:s6], $0x10000  }
0x81: {  	s29 =	sshll.u32 s0, $0x4;
	[sflag:s6] =	ssyncset.done $0x0  }
0x82: {  	s7 =	sadd.s32 s9, s29;
	[sflag:s6] =	ssyncadd.s32 $0xFFFF0000  }
0x83: {  	[hbm4b:s7+s3] =	stream.linear.scatter [tilespmem:s5], [sflag:$0x2], $0x10000, $0x38;
	[tilespmem:$0x10200] =	vst v63  }
0x84: {  	s11 =	sadd.s32 $0x1200, s11;
	_ =	swait.ge [sflag:s4], $0x10000  }
0x85: {  	s30 =	sshrl.u32 s11, $0x3;
	[sflag:s4] =	ssyncset.done $0x0  }
0x86: {  	s8 =	sadd.s32 s8, s30;
	[sflag:s4] =	ssyncadd.s32 $0xFFFF0000  }
0x87: {  	[tilespmem:s3], [sflag:$0x2] =	stream.linear.gather [hbm4b:s8+s3], $0x200, $0x38;
	[tilespmem:$0x10200] =	vst v63  }
0x88: {  	_ =	swait.ge [sflag:s4], $0x200  }
0x89: {  	[sflag:s4] =	ssyncset.done $0x0  }
0x8a: {  	[sflag:s4] =	ssyncadd.s32 $0xFFFFFE00  }
0x8b: {  	[tilespmem:s5], [sflag:$0x1] =	stream.indirect.gather [hbm4b:s2+s5], $0x80, s3, s5, $0xb8;
	[tilespmem:$0x10200] =	vst v63  }
0x8c: {  	_ =	swait.ge [sflag:s6], $0x10000  }
0x8d: {  	s0 =	sshll.u32 s11, $0x4;
	[sflag:s6] =	ssyncset.done $0x0  }
0x8e: {  	s9 =	sadd.s32 s9, s0;
	[dreg:$0x14] =	wrdreg s0;
	[sflag:s6] =	ssyncadd.s32 $0xFFFF0000  }
0x8f: {  	[hbm4b:s9+s3] =	stream.linear.scatter [tilespmem:s5], [sflag:$0x2], $0x10000, $0x38;
	[tilespmem:$0x10200] =	vst v63  }
0x90: {  	_ =	swait.ge [sflag:s4], $0x10000  }
0x91: {  	s0 =	sadd.s32 $0x47C00, s1;
	[sflag:s4] =	ssyncset.done $0x0  }
0x92: {  	s10 =	sadd.s32 s0, s10;
	[sflag:s4] =	ssyncadd.s32 $0xFFFF0000  }
0x93: {  	[tilespmem:s3], [sflag:$0x2] =	stream.linear.gather [hbm4b:s10+s3], $0x200, $0x38;
	[tilespmem:$0x10200] =	vst v63  }
0x94: {  	_ =	swait.ge [sflag:s4], $0x200  }
0x95: {  	[sflag:s4] =	ssyncset.done $0x0  }
0x96: {  	s11 =	sadd.s32 $0x804600, s1;
	[sflag:s4] =	ssyncadd.s32 $0xFFFFFE00  }
0x97: {  	[tilespmem:s5], [sflag:$0x1] =	stream.indirect.gather [hbm4b:s11+s5], $0x80, s3, s5, $0xb8;
	[tilespmem:$0x10200] =	vst v63  }
0x98: {  	_ =	swait.ge [sflag:s6], $0x10000  }
0x99: {  	s1 =	sadd.s32 $0x4CC00, s1;
	[sflag:s6] =	ssyncset.done $0x0  }
0x9a: {  	s12 =	sadd.s32 s1, s12;
	[sflag:s6] =	ssyncadd.s32 $0xFFFF0000  }
0x9b: {  	[hbm4b:s12+s3] =	stream.linear.scatter [tilespmem:s5], [sflag:$0x2], $0x10000, $0x38;
	[tilespmem:$0x10200] =	vst v63  }
0x9c: {  	_ =	swait.ge [sflag:s4], $0x10000  }
0x9d: {  	[sflag:s4] =	ssyncset.done $0x0  }
0x9e: {  	s13 =	sadd.s32 s0, s13;
	[sflag:s4] =	ssyncadd.s32 $0xFFFF0000  }
0x9f: {  	[tilespmem:s3], [sflag:$0x2] =	stream.linear.gather [hbm4b:s13+s3], $0x200, $0x38;
	[tilespmem:$0x10200] =	vst v63  }
0xa0: {  	_ =	swait.ge [sflag:s4], $0x200  }
0xa1: {  	[sflag:s4] =	ssyncset.done $0x0  }
0xa2: {  	[sflag:s4] =	ssyncadd.s32 $0xFFFFFE00  }
0xa3: {  	[tilespmem:s5], [sflag:$0x1] =	stream.indirect.gather [hbm4b:s11+s5], $0x80, s3, s5, $0xb8;
	[tilespmem:$0x10200] =	vst v63  }
0xa4: {  	_ =	swait.ge [sflag:s6], $0x10000  }
0xa5: {  	[sflag:s6] =	ssyncset.done $0x0  }
0xa6: {  	s14 =	sadd.s32 s1, s14;
	[sflag:s6] =	ssyncadd.s32 $0xFFFF0000  }
0xa7: {  	[hbm4b:s14+s3] =	stream.linear.scatter [tilespmem:s5], [sflag:$0x2], $0x10000, $0x38;
	[tilespmem:$0x10200] =	vst v63  }
0xa8: {  	_ =	swait.ge [sflag:s4], $0x10000  }
0xa9: {  	[sflag:s4] =	ssyncset.done $0x0  }
0xaa: {  	s15 =	sadd.s32 s0, s15;
	[sflag:s4] =	ssyncadd.s32 $0xFFFF0000  }
0xab: {  	[tilespmem:s3], [sflag:$0x2] =	stream.linear.gather [hbm4b:s15+s3], $0x200, $0x38;
	[tilespmem:$0x10200] =	vst v63  }
0xac: {  	_ =	swait.ge [sflag:s4], $0x200  }
0xad: {  	[sflag:s4] =	ssyncset.done $0x0  }
0xae: {  	[sflag:s4] =	ssyncadd.s32 $0xFFFFFE00  }
0xaf: {  	[tilespmem:s5], [sflag:$0x1] =	stream.indirect.gather [hbm4b:s11+s5], $0x80, s3, s5, $0xb8;
	[tilespmem:$0x10200] =	vst v63  }
0xb0: {  	_ =	swait.ge [sflag:s6], $0x10000  }
0xb1: {  	[sflag:s6] =	ssyncset.done $0x0  }
0xb2: {  	s16 =	sadd.s32 s1, s16;
	[sflag:s6] =	ssyncadd.s32 $0xFFFF0000  }
0xb3: {  	[hbm4b:s16+s3] =	stream.linear.scatter [tilespmem:s5], [sflag:$0x2], $0x10000, $0x38;
	[tilespmem:$0x10200] =	vst v63  }
0xb4: {  	_ =	swait.ge [sflag:s4], $0x10000  }
0xb5: {  	[sflag:s4] =	ssyncset.done $0x0  }
0xb6: {  	s17 =	sadd.s32 s0, s17;
	[sflag:s4] =	ssyncadd.s32 $0xFFFF0000  }
0xb7: {  	[tilespmem:s3], [sflag:$0x2] =	stream.linear.gather [hbm4b:s17+s3], $0x200, $0x38;
	[tilespmem:$0x10200] =	vst v63  }
0xb8: {  	_ =	swait.ge [sflag:s4], $0x200  }
0xb9: {  	[sflag:s4] =	ssyncset.done $0x0  }
0xba: {  	[sflag:s4] =	ssyncadd.s32 $0xFFFFFE00  }
0xbb: {  	[tilespmem:s5], [sflag:$0x1] =	stream.indirect.gather [hbm4b:s11+s5], $0x80, s3, s5, $0xb8;
	[tilespmem:$0x10200] =	vst v63  }
0xbc: {  	_ =	swait.ge [sflag:s6], $0x10000  }
0xbd: {  	[sflag:s6] =	ssyncset.done $0x0  }
0xbe: {  	s18 =	sadd.s32 s1, s18;
	[sflag:s6] =	ssyncadd.s32 $0xFFFF0000  }
0xbf: {  	[hbm4b:s18+s3] =	stream.linear.scatter [tilespmem:s5], [sflag:$0x2], $0x10000, $0x38;
	[tilespmem:$0x10200] =	vst v63  }
0xc0: {  	_ =	swait.ge [sflag:s4], $0x10000  }
0xc1: {  	[sflag:s4] =	ssyncset.done $0x0  }
0xc2: {  	s19 =	sadd.s32 s0, s19;
	[sflag:s4] =	ssyncadd.s32 $0xFFFF0000  }
0xc3: {  	[tilespmem:s3], [sflag:$0x2] =	stream.linear.gather [hbm4b:s19+s3], $0x200, $0x38;
	[tilespmem:$0x10200] =	vst v63  }
0xc4: {  	_ =	swait.ge [sflag:s4], $0x200  }
0xc5: {  	[sflag:s4] =	ssyncset.done $0x0  }
0xc6: {  	[sflag:s4] =	ssyncadd.s32 $0xFFFFFE00  }
0xc7: {  	[tilespmem:s5], [sflag:$0x1] =	stream.indirect.gather [hbm4b:s11+s5], $0x80, s3, s5, $0xb8;
	[tilespmem:$0x10200] =	vst v63  }
0xc8: {  	_ =	swait.ge [sflag:s6], $0x10000  }
0xc9: {  	[sflag:s6] =	ssyncset.done $0x0  }
0xca: {  	s20 =	sadd.s32 s1, s20;
	[sflag:s6] =	ssyncadd.s32 $0xFFFF0000  }
0xcb: {  	[hbm4b:s20+s3] =	stream.linear.scatter [tilespmem:s5], [sflag:$0x2], $0x10000, $0x38;
	[tilespmem:$0x10200] =	vst v63  }
0xcc: {  	_ =	swait.ge [sflag:s4], $0x10000  }
0xcd: {  	[sflag:s4] =	ssyncset.done $0x0  }
0xce: {  	s21 =	sadd.s32 s0, s21;
	[sflag:s4] =	ssyncadd.s32 $0xFFFF0000  }
0xcf: {  	[tilespmem:s3], [sflag:$0x2] =	stream.linear.gather [hbm4b:s21+s3], $0x200, $0x38;
	[tilespmem:$0x10200] =	vst v63  }
0xd0: {  	_ =	swait.ge [sflag:s4], $0x200  }
0xd1: {  	[sflag:s4] =	ssyncset.done $0x0  }
0xd2: {  	[sflag:s4] =	ssyncadd.s32 $0xFFFFFE00  }
0xd3: {  	[tilespmem:s5], [sflag:$0x1] =	stream.indirect.gather [hbm4b:s11+s5], $0x80, s3, s5, $0xb8;
	[tilespmem:$0x10200] =	vst v63  }
0xd4: {  	_ =	swait.ge [sflag:s6], $0x10000  }
0xd5: {  	[sflag:s6] =	ssyncset.done $0x0  }
0xd6: {  	s22 =	sadd.s32 s1, s22;
	[sflag:s6] =	ssyncadd.s32 $0xFFFF0000  }
0xd7: {  	[hbm4b:s22+s3] =	stream.linear.scatter [tilespmem:s5], [sflag:$0x2], $0x10000, $0x38;
	[tilespmem:$0x10200] =	vst v63  }
0xd8: {  	_ =	swait.ge [sflag:s4], $0x10000  }
0xd9: {  	[sflag:s4] =	ssyncset.done $0x0  }
0xda: {  	s23 =	sadd.s32 s0, s23;
	[sflag:s4] =	ssyncadd.s32 $0xFFFF0000  }
0xdb: {  	[tilespmem:s3], [sflag:$0x2] =	stream.linear.gather [hbm4b:s23+s3], $0x200, $0x38;
	[tilespmem:$0x10200] =	vst v63  }
0xdc: {  	_ =	swait.ge [sflag:s4], $0x200  }
0xdd: {  	[sflag:s4] =	ssyncset.done $0x0  }
0xde: {  	[sflag:s4] =	ssyncadd.s32 $0xFFFFFE00  }
0xdf: {  	[tilespmem:s5], [sflag:$0x1] =	stream.indirect.gather [hbm4b:s11+s5], $0x80, s3, s5, $0xb8;
	[tilespmem:$0x10200] =	vst v63  }
0xe0: {  	_ =	swait.ge [sflag:s6], $0x10000  }
0xe1: {  	[sflag:s6] =	ssyncset.done $0x0  }
0xe2: {  	s24 =	sadd.s32 s1, s24;
	[sflag:s6] =	ssyncadd.s32 $0xFFFF0000  }
0xe3: {  	[hbm4b:s24+s3] =	stream.linear.scatter [tilespmem:s5], [sflag:$0x2], $0x10000, $0x38;
	[tilespmem:$0x10200] =	vst v63  }
0xe4: {  	_ =	swait.ge [sflag:s4], $0x10000  }
0xe5: {  	[sflag:s4] =	ssyncset.done $0x0  }
0xe6: {  	s25 =	sadd.s32 s0, s25;
	[sflag:s4] =	ssyncadd.s32 $0xFFFF0000  }
0xe7: {  	[tilespmem:s3], [sflag:$0x2] =	stream.linear.gather [hbm4b:s25+s3], $0x200, $0x38;
	[tilespmem:$0x10200] =	vst v63  }
0xe8: {  	_ =	swait.ge [sflag:s4], $0x200  }
0xe9: {  	[sflag:s4] =	ssyncset.done $0x0  }
0xea: {  	[sflag:s4] =	ssyncadd.s32 $0xFFFFFE00  }
0xeb: {  	[tilespmem:s5], [sflag:$0x1] =	stream.indirect.gather [hbm4b:s11+s5], $0x80, s3, s5, $0xb8;
	[tilespmem:$0x10200] =	vst v63  }
0xec: {  	_ =	swait.ge [sflag:s6], $0x10000  }
0xed: {  	[sflag:s6] =	ssyncset.done $0x0  }
0xee: {  	s26 =	sadd.s32 s1, s26;
	[sflag:s6] =	ssyncadd.s32 $0xFFFF0000  }
0xef: {  	[hbm4b:s26+s3] =	stream.linear.scatter [tilespmem:s5], [sflag:$0x2], $0x10000, $0x38;
	[tilespmem:$0x10200] =	vst v63  }
0xf0: {  	_ =	swait.ge [sflag:s4], $0x10000  }
0xf1: {  	[sflag:s4] =	ssyncset.done $0x0  }
0xf2: {  	s28 =	sadd.s32 s0, s28;
	[sflag:s4] =	ssyncadd.s32 $0xFFFF0000  }
0xf3: {  	[tilespmem:s3], [sflag:$0x2] =	stream.linear.gather [hbm4b:s28+s3], $0x200, $0x38;
	[tilespmem:$0x10200] =	vst v63  }
0xf4: {  	_ =	swait.ge [sflag:s4], $0x200  }
0xf5: {  	[sflag:s4] =	ssyncset.done $0x0  }
0xf6: {  	[sflag:s4] =	ssyncadd.s32 $0xFFFFFE00  }
0xf7: {  	[tilespmem:s5], [sflag:$0x1] =	stream.indirect.gather [hbm4b:s11+s5], $0x80, s3, s5, $0xb8;
	[tilespmem:$0x10200] =	vst v63  }
0xf8: {  	_ =	swait.ge [sflag:s6], $0x10000  }
0xf9: {  	[sflag:s6] =	ssyncset.done $0x0  }
0xfa: {  	s29 =	sadd.s32 s1, s29;
	[sflag:s6] =	ssyncadd.s32 $0xFFFF0000  }
0xfb: {  	[hbm4b:s29+s3] =	stream.linear.scatter [tilespmem:s5], [sflag:$0x2], $0x10000, $0x38;
	[tilespmem:$0x10200] =	vst v63  }
0xfc: {  	_ =	swait.ge [sflag:s4], $0x10000  }
0xfd: {  	s30 =	sadd.s32 s0, s30;
	s0 =	ssub.s32 $0x2, s31;
	[sflag:s4] =	ssyncset.done $0x0  }
0xfe: {  	s31 =	sshrl.u32 s0, $0x1;
	[sflag:s4] =	ssyncadd.s32 $0xFFFF0000  }
0xff: {  	[tilespmem:s3], [sflag:$0x2] =	stream.linear.gather [hbm4b:s30+s3], $0x200, $0x38;
	[tilespmem:$0x10200] =	vst v63  }
0x100: {  	s0 =	ssub.s32 s0, s31;
	_ =	swait.ge [sflag:s4], $0x200  }
0x101: {  	s0 =	smax.u32 s0, $0x1;
	[sflag:s4] =	ssyncset.done $0x0  }
0x102: {  	p0 =	sne.s32 s0, $0x1;
	[sflag:s4] =	ssyncadd.s32 $0xFFFFFE00  }
0x103: {  	[tilespmem:s5], [sflag:$0x1] =	stream.indirect.gather [hbm4b:s11+s5], $0x80, s3, s5, $0xb8;
	[tilespmem:$0x10200] =	vst v63  }
.Ltmp0:
0x104: {  	_ =	swait.ge [sflag:s6], $0x10000;
	(pc) =	sbr.rel @!p0 .LBB2_2-.Ltmp0, $4  }
0x105: {  	[sflag:s6] =	ssyncset.done $0x0;
	s31 =	rddreg [dreg:$0x14]  }
0x106: {  	s31 =	sadd.s32 s1, s31;
	[sflag:s6] =	ssyncadd.s32 $0xFFFF0000  }
0x107: {  	[hbm4b:s31+s3] =	stream.linear.scatter [tilespmem:s5], [sflag:$0x2], $0x10000, $0x38;
	[tilespmem:$0x10200] =	vst v63  }
0x108: {  	s1 =	sadd.s32 $0xFFFFFFFF, s0;
	_ =	swait.ge [sflag:s4], $0x10000  }
.LBB2_1:
0x109: {  	[sflag:s4] =	ssyncset.done $0x0  }
0x10a: {  	s0 =	rddreg [dreg:$0x3];
	[sflag:s4] =	ssyncadd.s32 $0xFFFF0000  }
0x10b: {  	[tilespmem:s3], [sflag:$0x2] =	stream.linear.gather [hbm4b:s0+s3], $0x200, $0x38;
	[tilespmem:$0x10200] =	vst v63  }
0x10c: {  	_ =	swait.ge [sflag:s4], $0x200  }
0x10d: {  	[sflag:s4] =	ssyncset.done $0x0  }
0x10e: {  	[sflag:s4] =	ssyncadd.s32 $0xFFFFFE00  }
0x10f: {  	[tilespmem:s5], [sflag:$0x1] =	stream.indirect.gather [hbm4b:s2+s5], $0x80, s3, s5, $0xb8;
	[tilespmem:$0x10200] =	vst v63  }
0x110: {  	_ =	swait.ge [sflag:s6], $0x10000  }
0x111: {  	[sflag:s6] =	ssyncset.done $0x0  }
0x112: {  	s0 =	rddreg [dreg:$0x4];
	[sflag:s6] =	ssyncadd.s32 $0xFFFF0000  }
0x113: {  	[hbm4b:s0+s3] =	stream.linear.scatter [tilespmem:s5], [sflag:$0x2], $0x10000, $0x38;
	[tilespmem:$0x10200] =	vst v63  }
0x114: {  	_ =	swait.ge [sflag:s4], $0x10000  }
0x115: {  	[sflag:s4] =	ssyncset.done $0x0  }
0x116: {  	s0 =	rddreg [dreg:$0x5];
	[sflag:s4] =	ssyncadd.s32 $0xFFFF0000  }
0x117: {  	[tilespmem:s3], [sflag:$0x2] =	stream.linear.gather [hbm4b:s0+s3], $0x200, $0x38;
	[tilespmem:$0x10200] =	vst v63  }
0x118: {  	_ =	swait.ge [sflag:s4], $0x200  }
0x119: {  	[sflag:s4] =	ssyncset.done $0x0  }
0x11a: {  	[sflag:s4] =	ssyncadd.s32 $0xFFFFFE00  }
0x11b: {  	[tilespmem:s5], [sflag:$0x1] =	stream.indirect.gather [hbm4b:s2+s5], $0x80, s3, s5, $0xb8;
	[tilespmem:$0x10200] =	vst v63  }
0x11c: {  	_ =	swait.ge [sflag:s6], $0x10000  }
0x11d: {  	[sflag:s6] =	ssyncset.done $0x0  }
0x11e: {  	s0 =	rddreg [dreg:$0x6];
	[sflag:s6] =	ssyncadd.s32 $0xFFFF0000  }
0x11f: {  	[hbm4b:s0+s3] =	stream.linear.scatter [tilespmem:s5], [sflag:$0x2], $0x10000, $0x38;
	[tilespmem:$0x10200] =	vst v63  }
0x120: {  	_ =	swait.ge [sflag:s4], $0x10000  }
0x121: {  	[sflag:s4] =	ssyncset.done $0x0  }
0x122: {  	s0 =	rddreg [dreg:$0x7];
	[sflag:s4] =	ssyncadd.s32 $0xFFFF0000  }
0x123: {  	[tilespmem:s3], [sflag:$0x2] =	stream.linear.gather [hbm4b:s0+s3], $0x200, $0x38;
	[tilespmem:$0x10200] =	vst v63  }
0x124: {  	_ =	swait.ge [sflag:s4], $0x200  }
0x125: {  	[sflag:s4] =	ssyncset.done $0x0  }
0x126: {  	[sflag:s4] =	ssyncadd.s32 $0xFFFFFE00  }
0x127: {  	[tilespmem:s5], [sflag:$0x1] =	stream.indirect.gather [hbm4b:s2+s5], $0x80, s3, s5, $0xb8;
	[tilespmem:$0x10200] =	vst v63  }
0x128: {  	_ =	swait.ge [sflag:s6], $0x10000  }
0x129: {  	[sflag:s6] =	ssyncset.done $0x0  }
0x12a: {  	s0 =	rddreg [dreg:$0x8];
	[sflag:s6] =	ssyncadd.s32 $0xFFFF0000  }
0x12b: {  	[hbm4b:s0+s3] =	stream.linear.scatter [tilespmem:s5], [sflag:$0x2], $0x10000, $0x38;
	[tilespmem:$0x10200] =	vst v63  }
0x12c: {  	_ =	swait.ge [sflag:s4], $0x10000  }
0x12d: {  	[sflag:s4] =	ssyncset.done $0x0  }
0x12e: {  	s0 =	rddreg [dreg:$0x9];
	[sflag:s4] =	ssyncadd.s32 $0xFFFF0000  }
0x12f: {  	[tilespmem:s3], [sflag:$0x2] =	stream.linear.gather [hbm4b:s0+s3], $0x200, $0x38;
	[tilespmem:$0x10200] =	vst v63  }
0x130: {  	_ =	swait.ge [sflag:s4], $0x200  }
0x131: {  	[sflag:s4] =	ssyncset.done $0x0  }
0x132: {  	[sflag:s4] =	ssyncadd.s32 $0xFFFFFE00  }
0x133: {  	[tilespmem:s5], [sflag:$0x1] =	stream.indirect.gather [hbm4b:s2+s5], $0x80, s3, s5, $0xb8;
	[tilespmem:$0x10200] =	vst v63  }
0x134: {  	_ =	swait.ge [sflag:s6], $0x10000  }
0x135: {  	[sflag:s6] =	ssyncset.done $0x0  }
0x136: {  	s0 =	rddreg [dreg:$0xa];
	[sflag:s6] =	ssyncadd.s32 $0xFFFF0000  }
0x137: {  	[hbm4b:s0+s3] =	stream.linear.scatter [tilespmem:s5], [sflag:$0x2], $0x10000, $0x38;
	[tilespmem:$0x10200] =	vst v63  }
0x138: {  	_ =	swait.ge [sflag:s4], $0x10000  }
0x139: {  	[sflag:s4] =	ssyncset.done $0x0  }
0x13a: {  	s0 =	rddreg [dreg:$0xb];
	[sflag:s4] =	ssyncadd.s32 $0xFFFF0000  }
0x13b: {  	[tilespmem:s3], [sflag:$0x2] =	stream.linear.gather [hbm4b:s0+s3], $0x200, $0x38;
	[tilespmem:$0x10200] =	vst v63  }
0x13c: {  	_ =	swait.ge [sflag:s4], $0x200  }
0x13d: {  	[sflag:s4] =	ssyncset.done $0x0  }
0x13e: {  	[sflag:s4] =	ssyncadd.s32 $0xFFFFFE00  }
0x13f: {  	[tilespmem:s5], [sflag:$0x1] =	stream.indirect.gather [hbm4b:s2+s5], $0x80, s3, s5, $0xb8;
	[tilespmem:$0x10200] =	vst v63  }
0x140: {  	_ =	swait.ge [sflag:s6], $0x10000  }
0x141: {  	[sflag:s6] =	ssyncset.done $0x0  }
0x142: {  	s0 =	rddreg [dreg:$0xc];
	[sflag:s6] =	ssyncadd.s32 $0xFFFF0000  }
0x143: {  	[hbm4b:s0+s3] =	stream.linear.scatter [tilespmem:s5], [sflag:$0x2], $0x10000, $0x38;
	[tilespmem:$0x10200] =	vst v63  }
0x144: {  	_ =	swait.ge [sflag:s4], $0x10000  }
0x145: {  	[sflag:s4] =	ssyncset.done $0x0  }
0x146: {  	s0 =	rddreg [dreg:$0xd];
	[sflag:s4] =	ssyncadd.s32 $0xFFFF0000  }
0x147: {  	[tilespmem:s3], [sflag:$0x2] =	stream.linear.gather [hbm4b:s0+s3], $0x200, $0x38;
	[tilespmem:$0x10200] =	vst v63  }
0x148: {  	_ =	swait.ge [sflag:s4], $0x200  }
0x149: {  	[sflag:s4] =	ssyncset.done $0x0  }
0x14a: {  	[sflag:s4] =	ssyncadd.s32 $0xFFFFFE00  }
0x14b: {  	[tilespmem:s5], [sflag:$0x1] =	stream.indirect.gather [hbm4b:s2+s5], $0x80, s3, s5, $0xb8;
	[tilespmem:$0x10200] =	vst v63  }
0x14c: {  	_ =	swait.ge [sflag:s6], $0x10000  }
0x14d: {  	[sflag:s6] =	ssyncset.done $0x0  }
0x14e: {  	s0 =	rddreg [dreg:$0xe];
	[sflag:s6] =	ssyncadd.s32 $0xFFFF0000  }
0x14f: {  	[hbm4b:s0+s3] =	stream.linear.scatter [tilespmem:s5], [sflag:$0x2], $0x10000, $0x38;
	[tilespmem:$0x10200] =	vst v63  }
0x150: {  	_ =	swait.ge [sflag:s4], $0x10000  }
0x151: {  	[sflag:s4] =	ssyncset.done $0x0  }
0x152: {  	s0 =	rddreg [dreg:$0xf];
	[sflag:s4] =	ssyncadd.s32 $0xFFFF0000  }
0x153: {  	[tilespmem:s3], [sflag:$0x2] =	stream.linear.gather [hbm4b:s0+s3], $0x200, $0x38;
	[tilespmem:$0x10200] =	vst v63  }
0x154: {  	_ =	swait.ge [sflag:s4], $0x200  }
0x155: {  	[sflag:s4] =	ssyncset.done $0x0  }
0x156: {  	[sflag:s4] =	ssyncadd.s32 $0xFFFFFE00  }
0x157: {  	[tilespmem:s5], [sflag:$0x1] =	stream.indirect.gather [hbm4b:s2+s5], $0x80, s3, s5, $0xb8;
	[tilespmem:$0x10200] =	vst v63  }
0x158: {  	_ =	swait.ge [sflag:s6], $0x10000  }
0x159: {  	[sflag:s6] =	ssyncset.done $0x0  }
0x15a: {  	s0 =	rddreg [dreg:$0x10];
	[sflag:s6] =	ssyncadd.s32 $0xFFFF0000  }
0x15b: {  	[hbm4b:s0+s3] =	stream.linear.scatter [tilespmem:s5], [sflag:$0x2], $0x10000, $0x38;
	[tilespmem:$0x10200] =	vst v63  }
0x15c: {  	_ =	swait.ge [sflag:s4], $0x10000  }
0x15d: {  	[sflag:s4] =	ssyncset.done $0x0  }
0x15e: {  	s0 =	rddreg [dreg:$0x11];
	[sflag:s4] =	ssyncadd.s32 $0xFFFF0000  }
0x15f: {  	[tilespmem:s3], [sflag:$0x2] =	stream.linear.gather [hbm4b:s0+s3], $0x200, $0x38;
	[tilespmem:$0x10200] =	vst v63  }
0x160: {  	_ =	swait.ge [sflag:s4], $0x200  }
0x161: {  	[sflag:s4] =	ssyncset.done $0x0  }
0x162: {  	[sflag:s4] =	ssyncadd.s32 $0xFFFFFE00  }
0x163: {  	[tilespmem:s5], [sflag:$0x1] =	stream.indirect.gather [hbm4b:s2+s5], $0x80, s3, s5, $0xb8;
	[tilespmem:$0x10200] =	vst v63  }
0x164: {  	_ =	swait.ge [sflag:s6], $0x10000  }
0x165: {  	[sflag:s6] =	ssyncset.done $0x0  }
0x166: {  	s0 =	rddreg [dreg:$0x12];
	[sflag:s6] =	ssyncadd.s32 $0xFFFF0000  }
0x167: {  	[hbm4b:s0+s3] =	stream.linear.scatter [tilespmem:s5], [sflag:$0x2], $0x10000, $0x38;
	[tilespmem:$0x10200] =	vst v63  }
0x168: {  	_ =	swait.ge [sflag:s4], $0x10000  }
0x169: {  	[sflag:s4] =	ssyncset.done $0x0  }
0x16a: {  	s0 =	rddreg [dreg:$0x13];
	[sflag:s4] =	ssyncadd.s32 $0xFFFF0000  }
0x16b: {  	[tilespmem:s3], [sflag:$0x2] =	stream.linear.gather [hbm4b:s0+s3], $0x200, $0x38;
	[tilespmem:$0x10200] =	vst v63  }
0x16c: {  	_ =	swait.ge [sflag:s4], $0x200  }
0x16d: {  	[sflag:s4] =	ssyncset.done $0x0  }
0x16e: {  	[sflag:s4] =	ssyncadd.s32 $0xFFFFFE00  }
0x16f: {  	[tilespmem:s5], [sflag:$0x1] =	stream.indirect.gather [hbm4b:s2+s5], $0x80, s3, s5, $0xb8;
	[tilespmem:$0x10200] =	vst v63  }
0x170: {  	_ =	swait.ge [sflag:s6], $0x10000  }
0x171: {  	[sflag:s6] =	ssyncset.done $0x0  }
0x172: {  	[sflag:s6] =	ssyncadd.s32 $0xFFFF0000  }
0x173: {  	[hbm4b:s7+s3] =	stream.linear.scatter [tilespmem:s5], [sflag:$0x2], $0x10000, $0x38;
	[tilespmem:$0x10200] =	vst v63  }
0x174: {  	_ =	swait.ge [sflag:s4], $0x10000  }
0x175: {  	[sflag:s4] =	ssyncset.done $0x0  }
0x176: {  	[sflag:s4] =	ssyncadd.s32 $0xFFFF0000  }
0x177: {  	[tilespmem:s3], [sflag:$0x2] =	stream.linear.gather [hbm4b:s8+s3], $0x200, $0x38;
	[tilespmem:$0x10200] =	vst v63  }
0x178: {  	_ =	swait.ge [sflag:s4], $0x200  }
0x179: {  	[sflag:s4] =	ssyncset.done $0x0  }
0x17a: {  	[sflag:s4] =	ssyncadd.s32 $0xFFFFFE00  }
0x17b: {  	[tilespmem:s5], [sflag:$0x1] =	stream.indirect.gather [hbm4b:s2+s5], $0x80, s3, s5, $0xb8;
	[tilespmem:$0x10200] =	vst v63  }
0x17c: {  	_ =	swait.ge [sflag:s6], $0x10000  }
0x17d: {  	[sflag:s6] =	ssyncset.done $0x0  }
0x17e: {  	[sflag:s6] =	ssyncadd.s32 $0xFFFF0000  }
0x17f: {  	[hbm4b:s9+s3] =	stream.linear.scatter [tilespmem:s5], [sflag:$0x2], $0x10000, $0x38;
	[tilespmem:$0x10200] =	vst v63  }
0x180: {  	_ =	swait.ge [sflag:s4], $0x10000  }
0x181: {  	[sflag:s4] =	ssyncset.done $0x0  }
0x182: {  	[sflag:s4] =	ssyncadd.s32 $0xFFFF0000  }
0x183: {  	[tilespmem:s3], [sflag:$0x2] =	stream.linear.gather [hbm4b:s10+s3], $0x200, $0x38;
	[tilespmem:$0x10200] =	vst v63  }
0x184: {  	_ =	swait.ge [sflag:s4], $0x200  }
0x185: {  	[sflag:s4] =	ssyncset.done $0x0  }
0x186: {  	[sflag:s4] =	ssyncadd.s32 $0xFFFFFE00  }
0x187: {  	[tilespmem:s5], [sflag:$0x1] =	stream.indirect.gather [hbm4b:s11+s5], $0x80, s3, s5, $0xb8;
	[tilespmem:$0x10200] =	vst v63  }
0x188: {  	_ =	swait.ge [sflag:s6], $0x10000  }
0x189: {  	[sflag:s6] =	ssyncset.done $0x0  }
0x18a: {  	[sflag:s6] =	ssyncadd.s32 $0xFFFF0000  }
0x18b: {  	[hbm4b:s12+s3] =	stream.linear.scatter [tilespmem:s5], [sflag:$0x2], $0x10000, $0x38;
	[tilespmem:$0x10200] =	vst v63  }
0x18c: {  	_ =	swait.ge [sflag:s4], $0x10000  }
0x18d: {  	[sflag:s4] =	ssyncset.done $0x0  }
0x18e: {  	[sflag:s4] =	ssyncadd.s32 $0xFFFF0000  }
0x18f: {  	[tilespmem:s3], [sflag:$0x2] =	stream.linear.gather [hbm4b:s13+s3], $0x200, $0x38;
	[tilespmem:$0x10200] =	vst v63  }
0x190: {  	_ =	swait.ge [sflag:s4], $0x200  }
0x191: {  	[sflag:s4] =	ssyncset.done $0x0  }
0x192: {  	[sflag:s4] =	ssyncadd.s32 $0xFFFFFE00  }
0x193: {  	[tilespmem:s5], [sflag:$0x1] =	stream.indirect.gather [hbm4b:s11+s5], $0x80, s3, s5, $0xb8;
	[tilespmem:$0x10200] =	vst v63  }
0x194: {  	_ =	swait.ge [sflag:s6], $0x10000  }
0x195: {  	[sflag:s6] =	ssyncset.done $0x0  }
0x196: {  	[sflag:s6] =	ssyncadd.s32 $0xFFFF0000  }
0x197: {  	[hbm4b:s14+s3] =	stream.linear.scatter [tilespmem:s5], [sflag:$0x2], $0x10000, $0x38;
	[tilespmem:$0x10200] =	vst v63  }
0x198: {  	_ =	swait.ge [sflag:s4], $0x10000  }
0x199: {  	[sflag:s4] =	ssyncset.done $0x0  }
0x19a: {  	[sflag:s4] =	ssyncadd.s32 $0xFFFF0000  }
0x19b: {  	[tilespmem:s3], [sflag:$0x2] =	stream.linear.gather [hbm4b:s15+s3], $0x200, $0x38;
	[tilespmem:$0x10200] =	vst v63  }
0x19c: {  	_ =	swait.ge [sflag:s4], $0x200  }
0x19d: {  	[sflag:s4] =	ssyncset.done $0x0  }
0x19e: {  	[sflag:s4] =	ssyncadd.s32 $0xFFFFFE00  }
0x19f: {  	[tilespmem:s5], [sflag:$0x1] =	stream.indirect.gather [hbm4b:s11+s5], $0x80, s3, s5, $0xb8;
	[tilespmem:$0x10200] =	vst v63  }
0x1a0: {  	_ =	swait.ge [sflag:s6], $0x10000  }
0x1a1: {  	[sflag:s6] =	ssyncset.done $0x0  }
0x1a2: {  	[sflag:s6] =	ssyncadd.s32 $0xFFFF0000  }
0x1a3: {  	[hbm4b:s16+s3] =	stream.linear.scatter [tilespmem:s5], [sflag:$0x2], $0x10000, $0x38;
	[tilespmem:$0x10200] =	vst v63  }
0x1a4: {  	_ =	swait.ge [sflag:s4], $0x10000  }
0x1a5: {  	[sflag:s4] =	ssyncset.done $0x0  }
0x1a6: {  	[sflag:s4] =	ssyncadd.s32 $0xFFFF0000  }
0x1a7: {  	[tilespmem:s3], [sflag:$0x2] =	stream.linear.gather [hbm4b:s17+s3], $0x200, $0x38;
	[tilespmem:$0x10200] =	vst v63  }
0x1a8: {  	_ =	swait.ge [sflag:s4], $0x200  }
0x1a9: {  	[sflag:s4] =	ssyncset.done $0x0  }
0x1aa: {  	[sflag:s4] =	ssyncadd.s32 $0xFFFFFE00  }
0x1ab: {  	[tilespmem:s5], [sflag:$0x1] =	stream.indirect.gather [hbm4b:s11+s5], $0x80, s3, s5, $0xb8;
	[tilespmem:$0x10200] =	vst v63  }
0x1ac: {  	_ =	swait.ge [sflag:s6], $0x10000  }
0x1ad: {  	[sflag:s6] =	ssyncset.done $0x0  }
0x1ae: {  	[sflag:s6] =	ssyncadd.s32 $0xFFFF0000  }
0x1af: {  	[hbm4b:s18+s3] =	stream.linear.scatter [tilespmem:s5], [sflag:$0x2], $0x10000, $0x38;
	[tilespmem:$0x10200] =	vst v63  }
0x1b0: {  	_ =	swait.ge [sflag:s4], $0x10000  }
0x1b1: {  	[sflag:s4] =	ssyncset.done $0x0  }
0x1b2: {  	[sflag:s4] =	ssyncadd.s32 $0xFFFF0000  }
0x1b3: {  	[tilespmem:s3], [sflag:$0x2] =	stream.linear.gather [hbm4b:s19+s3], $0x200, $0x38;
	[tilespmem:$0x10200] =	vst v63  }
0x1b4: {  	_ =	swait.ge [sflag:s4], $0x200  }
0x1b5: {  	[sflag:s4] =	ssyncset.done $0x0  }
0x1b6: {  	[sflag:s4] =	ssyncadd.s32 $0xFFFFFE00  }
0x1b7: {  	[tilespmem:s5], [sflag:$0x1] =	stream.indirect.gather [hbm4b:s11+s5], $0x80, s3, s5, $0xb8;
	[tilespmem:$0x10200] =	vst v63  }
0x1b8: {  	_ =	swait.ge [sflag:s6], $0x10000  }
0x1b9: {  	[sflag:s6] =	ssyncset.done $0x0  }
0x1ba: {  	[sflag:s6] =	ssyncadd.s32 $0xFFFF0000  }
0x1bb: {  	[hbm4b:s20+s3] =	stream.linear.scatter [tilespmem:s5], [sflag:$0x2], $0x10000, $0x38;
	[tilespmem:$0x10200] =	vst v63  }
0x1bc: {  	_ =	swait.ge [sflag:s4], $0x10000  }
0x1bd: {  	[sflag:s4] =	ssyncset.done $0x0  }
0x1be: {  	[sflag:s4] =	ssyncadd.s32 $0xFFFF0000  }
0x1bf: {  	[tilespmem:s3], [sflag:$0x2] =	stream.linear.gather [hbm4b:s21+s3], $0x200, $0x38;
	[tilespmem:$0x10200] =	vst v63  }
0x1c0: {  	_ =	swait.ge [sflag:s4], $0x200  }
0x1c1: {  	[sflag:s4] =	ssyncset.done $0x0  }
0x1c2: {  	[sflag:s4] =	ssyncadd.s32 $0xFFFFFE00  }
0x1c3: {  	[tilespmem:s5], [sflag:$0x1] =	stream.indirect.gather [hbm4b:s11+s5], $0x80, s3, s5, $0xb8;
	[tilespmem:$0x10200] =	vst v63  }
0x1c4: {  	_ =	swait.ge [sflag:s6], $0x10000  }
0x1c5: {  	[sflag:s6] =	ssyncset.done $0x0  }
0x1c6: {  	[sflag:s6] =	ssyncadd.s32 $0xFFFF0000  }
0x1c7: {  	[hbm4b:s22+s3] =	stream.linear.scatter [tilespmem:s5], [sflag:$0x2], $0x10000, $0x38;
	[tilespmem:$0x10200] =	vst v63  }
0x1c8: {  	_ =	swait.ge [sflag:s4], $0x10000  }
0x1c9: {  	[sflag:s4] =	ssyncset.done $0x0  }
0x1ca: {  	[sflag:s4] =	ssyncadd.s32 $0xFFFF0000  }
0x1cb: {  	[tilespmem:s3], [sflag:$0x2] =	stream.linear.gather [hbm4b:s23+s3], $0x200, $0x38;
	[tilespmem:$0x10200] =	vst v63  }
0x1cc: {  	_ =	swait.ge [sflag:s4], $0x200  }
0x1cd: {  	[sflag:s4] =	ssyncset.done $0x0  }
0x1ce: {  	[sflag:s4] =	ssyncadd.s32 $0xFFFFFE00  }
0x1cf: {  	[tilespmem:s5], [sflag:$0x1] =	stream.indirect.gather [hbm4b:s11+s5], $0x80, s3, s5, $0xb8;
	[tilespmem:$0x10200] =	vst v63  }
0x1d0: {  	_ =	swait.ge [sflag:s6], $0x10000  }
0x1d1: {  	[sflag:s6] =	ssyncset.done $0x0  }
0x1d2: {  	[sflag:s6] =	ssyncadd.s32 $0xFFFF0000  }
0x1d3: {  	[hbm4b:s24+s3] =	stream.linear.scatter [tilespmem:s5], [sflag:$0x2], $0x10000, $0x38;
	[tilespmem:$0x10200] =	vst v63  }
0x1d4: {  	_ =	swait.ge [sflag:s4], $0x10000  }
0x1d5: {  	[sflag:s4] =	ssyncset.done $0x0  }
0x1d6: {  	[sflag:s4] =	ssyncadd.s32 $0xFFFF0000  }
0x1d7: {  	[tilespmem:s3], [sflag:$0x2] =	stream.linear.gather [hbm4b:s25+s3], $0x200, $0x38;
	[tilespmem:$0x10200] =	vst v63  }
0x1d8: {  	_ =	swait.ge [sflag:s4], $0x200  }
0x1d9: {  	[sflag:s4] =	ssyncset.done $0x0  }
0x1da: {  	[sflag:s4] =	ssyncadd.s32 $0xFFFFFE00  }
0x1db: {  	[tilespmem:s5], [sflag:$0x1] =	stream.indirect.gather [hbm4b:s11+s5], $0x80, s3, s5, $0xb8;
	[tilespmem:$0x10200] =	vst v63  }
0x1dc: {  	_ =	swait.ge [sflag:s6], $0x10000  }
0x1dd: {  	[sflag:s6] =	ssyncset.done $0x0  }
0x1de: {  	[sflag:s6] =	ssyncadd.s32 $0xFFFF0000  }
0x1df: {  	[hbm4b:s26+s3] =	stream.linear.scatter [tilespmem:s5], [sflag:$0x2], $0x10000, $0x38;
	[tilespmem:$0x10200] =	vst v63  }
0x1e0: {  	_ =	swait.ge [sflag:s4], $0x10000  }
0x1e1: {  	[sflag:s4] =	ssyncset.done $0x0  }
0x1e2: {  	[sflag:s4] =	ssyncadd.s32 $0xFFFF0000  }
0x1e3: {  	[tilespmem:s3], [sflag:$0x2] =	stream.linear.gather [hbm4b:s28+s3], $0x200, $0x38;
	[tilespmem:$0x10200] =	vst v63  }
0x1e4: {  	_ =	swait.ge [sflag:s4], $0x200  }
0x1e5: {  	[sflag:s4] =	ssyncset.done $0x0  }
0x1e6: {  	[sflag:s4] =	ssyncadd.s32 $0xFFFFFE00  }
0x1e7: {  	[tilespmem:s5], [sflag:$0x1] =	stream.indirect.gather [hbm4b:s11+s5], $0x80, s3, s5, $0xb8;
	[tilespmem:$0x10200] =	vst v63  }
0x1e8: {  	_ =	swait.ge [sflag:s6], $0x10000  }
0x1e9: {  	[sflag:s6] =	ssyncset.done $0x0  }
0x1ea: {  	[sflag:s6] =	ssyncadd.s32 $0xFFFF0000  }
0x1eb: {  	[hbm4b:s29+s3] =	stream.linear.scatter [tilespmem:s5], [sflag:$0x2], $0x10000, $0x38;
	[tilespmem:$0x10200] =	vst v63  }
0x1ec: {  	_ =	swait.ge [sflag:s4], $0x10000  }
0x1ed: {  	[sflag:s4] =	ssyncset.done $0x0  }
0x1ee: {  	[sflag:s4] =	ssyncadd.s32 $0xFFFF0000  }
0x1ef: {  	[tilespmem:s3], [sflag:$0x2] =	stream.linear.gather [hbm4b:s30+s3], $0x200, $0x38;
	[tilespmem:$0x10200] =	vst v63  }
0x1f0: {  	_ =	swait.ge [sflag:s4], $0x200  }
0x1f1: {  	[sflag:s4] =	ssyncset.done $0x0  }
0x1f2: {  	p0 =	sne.s32 s1, $0x1;
	[sflag:s4] =	ssyncadd.s32 $0xFFFFFE00  }
0x1f3: {  	[tilespmem:s5], [sflag:$0x1] =	stream.indirect.gather [hbm4b:s11+s5], $0x80, s3, s5, $0xb8;
	[tilespmem:$0x10200] =	vst v63  }
.Ltmp1:
0x1f4: {  	_ =	swait.ge [sflag:s6], $0x10000;
	(pc) =	sbr.rel @p0 .LBB2_1-.Ltmp1, $4  }
0x1f5: {  	[sflag:s6] =	ssyncset.done $0x0  }
0x1f6: {  	[sflag:s6] =	ssyncadd.s32 $0xFFFF0000  }
0x1f7: {  	[hbm4b:s31+s3] =	stream.linear.scatter [tilespmem:s5], [sflag:$0x2], $0x10000, $0x38;
	[tilespmem:$0x10200] =	vst v63  }
0x1f8: {  	s1 =	sadd.s32 $0xFFFFFFFF, s1;
	_ =	swait.ge [sflag:s4], $0x10000  }
.LBB2_2:
0x1f9: {  	[sflag:s4] =	ssyncset.done $0x0  }
0x1fa: {  	[sflag:s4] =	ssyncadd.s32 $0xFFFF0000  }
0x1fb: {  	_ =	sfence.sel $0x180000  }
0x1fc: {  	[bflag:$0x0] =	sbarrier.arrive $0xFFFF  }
0x1fd: {  	_ =	strace $0x90000047  }
0x1fe: {  	s0 =	stileid.u32;
	[bflag:$0x2] =	sbarrier.arrive $0xFFFF  }
0x1ff: {  	p0 =	sne.s32 s0, $0x0;
	s0 =	rddreg [dreg:$0x2]  }
0x200: {  	s0 =	sadd.s32 @!p0 $0x100000, s0  }
0x201: {  	[sflag:s0] =	ssyncadd.tile.s32 @!p0 $0x1;
	_ =	shalt  }
.Lfunc_end2:
_tile_overlayer_lowered:
.L_overlay_start_2:
0x202: {  	(tag) =	ssettag $0x2  }
0x203: {  	s0 =	rddreg [dreg:$0x0];
	s2 =	stileid.u32  }
0x204: {  	s1 =	rddreg [dreg:$0x1];
	p0 =	sne.s32 s2, $0x0  }
0x205: {  	s3 =	rddreg [dreg:$0x2];
	[bflag:$0x3] =	sbarrier.arrive $0xFFFF;
	s2 =	simm.s32 @!p0 $0x1C02  }
0x206: {  	[timem:s3], [sflag:s2] =	dma.local @!p0 [hbm:s0], s1  }
0x207: {  	s0 =	simm.s32 @!p0 $0x2  }
0x208: {  	_ =	swait.ge @!p0 [sflag:s0], s1  }
0x209: {  	s1 =	ssub.s32 @!p0 $0x0, s1;
	[sflag:s0] =	ssyncset.done @!p0 $0x0  }
0x20a: {  	[sflag:s0] =	ssyncadd.s32 @!p0 s1  }
0x20b: {  	[bflag:$0x3] =	sbarrier.arrive $0xFFFF  }
0x20c: {  	_ =	shalt  }

// kernel: sparse-core-data-format-call.cloned.1.call-start
scs
called_computation_lowered:
.L_overlay_start_0:
0x0: {  	s2 =	sld [smem:$0x3FD9]  }
0x1: {  	s3 =	sld [smem:$0x3FFE];
	_ =	sdelay $0x1  }
0x2: {  	s1 =	srdreg.scid  }
0x3: {  	s0 =	sand.u32 $0x1, s1  }
0x4: {  	s18 =	sshll.u32 s0, $0xA;
	s2 =	sadd.s32 s3, s2  }
0x5: {  	s2 =	sadd.s32 s2, s18  }
0x6: {  	[smem:$0x3FC0] =	sst s2  }
0x7: {  	_ = 	snop  }
0x8: {  	s2 =	sld [smem:$0x3FD0];
	(tm) =	ssettm $0x1  }
0x9: {  	s19 =	sld [smem:$0x3FFB];
	_ =	sdelay $0x3  }
0xa: {  	_ =	strace s19  }
0xb: {  	s3 =	sld [smem:$0x3FFC];
	_ =	sdelay $0x3  }
0xc: {  	_ =	strace s3  }
0xd: {  	s3 =	sld [smem:$0x3FFD];
	_ =	sdelay $0x3  }
0xe: {  	_ =	strace s3  }
0xf: {  	_ =	strace $0x8FFFFFFF  }
0x10: {  	s20 =	sld [smem:$0x3FDB];
	_ =	sdelay $0x1  }
0x11: {  	s4 =	simm.s32 $_scs_section_size  }
0x12: {  	s5 =	simm.s32 $_size__tile_overlayer_lowered;
	s6 =	simm.s32 $_tile_overlayer_lowered  }
0x13: {  	s23 =	simm.s32 $0x1BFF;
	s22 =	sshll.u32 s6, $0x1;
	s3 =	sadd.s32 s4, s20  }
0x14: {  	s7 =	simm.s32 $0x0;
	s21 =	sshll.u32 s5, $0x1;
	s5 =	sadd.s32 s22, s3  }
0x15: {  	[timem:s7], [sflag:s23] =	dma.local [hbm:s5], s21  }
0x16: {  	_ =	swait.ge [sflag:s23], s21  }
0x17: {  	s4 =	ssub.s32 $0x0, s21;
	[sflag:s23] =	ssyncset.done $0x0  }
0x18: {  	[sflag:s23] =	ssyncadd.s32 s4;
	_ =	sdelay $0x1  }
0x19: {  	s24 =	simm.s32 $0x1B8B  }
0x1a: {  	_ =	swait.ge [sflag:s24], $0x1  }
0x1b: {  	[sflag:s24] =	ssyncset.done $0x0  }
0x1c: {  	s26 =	simm.s32 $0x1B8E;
	s25 =	sld [smem:$0x3FFE];
	[sflag:s24] =	ssyncadd.s32 $0xFFFFFFFF  }
0x1d: {  	s27 =	simm.s32 $execute0_lowered;
	[smem:$0x3FD2] =	sst s26  }
0x1e: {  	s5 =	sshll.u32 s27, $0x1;
	_ =	strace $0x80000049;
	[dreg:$0x1] =	wrdreg $0xFFFFFFFF  }
0x1f: {  	s28 =	simm.s32 $_size_execute0_lowered;
	s3 =	sadd.s32 s3, s5;
	[dreg:$0x0] =	wrdreg $0x0  }
0x20: {  	s5 =	sshll.u32 s28, $0x1;
	[dreg:$0x2] =	wrdreg s3  }
0x21: {  	[dreg:$0x3] =	wrdreg s5  }
0x22: {  	[dreg:$0x4] =	wrdreg $0xC0  }
0x23: {  	_ =	task [dreg:s7], $0x5FFFF  }
0x24: {  	[dreg:$0x1] =	wrdreg $0xFFFFFFFF  }
0x25: {  	[dreg:$0x0] =	wrdreg $0x60  }
0x26: {  	[dreg:$0x2] =	wrdreg s25  }
0x27: {  	[dreg:$0x3] =	wrdreg s2  }
0x28: {  	[dreg:$0x4] =	wrdreg $0x9  }
0x29: {  	_ =	task.clear_ibuf [dreg:s7], $0x5FFFF;
	_ =	strace $0x90000049  }
0x2a: {  	s29 =	simm.s32 $0x9;
	_ =	strace $0x8000004B  }
0x2b: {  	_ =	swait.ge [sflag:s29], $0x1  }
0x2c: {  	[sflag:s29] =	ssyncadd.s32 $0xFFFFFFFF  }
0x2d: {  	_ =	strace $0x9000004B  }
0x2e: {  	_ =	sfence  }
0x2f: {  	s30 =	sld [smem:$0x0];
	_ =	sdelay $0x2  }
0x30: {  	s31 =	sshll.u32 s1, $0xD;
	s1 =	sshrl.u32 s1, $0x2  }
0x31: {  	s3 =	sand.u32 $0x4000, s31;
	s1 =	sadd.s32 s1, s30  }
0x32: {  	s0 =	sor.u32 s3, s0;
	s1 =	sshll.u32 s1, $0x11  }
0x33: {  	s0 =	sor.u32 s1, s0  }
0x34: {  	s0 =	sadd.s32 $0x8F2B, s0  }
0x35: {  	[sflag:s0] =	ssyncadd.remote.s32 $0x1  }
0x36: {  	_ =	sfence.sel $0xFFFF  }
0x37: {  	[dreg:$0x0] =	wrdreg $0xFFFFFFFF;
	(pc) =	sbr.abs _section_cstart, $3  }
0x38: {  	[dreg:$0x1] =	wrdreg $0xFFFFFFFF  }
0x39: {  	_ =	task.clear_ibuf [dreg:s7], $0x2FFFF;
	_ =	strace $0x9FFFFFFF  }
0x3a: {  	(tm) =	ssettm $0x7FFFFFFF  }
0x3b: {  	_ =	shalt  }
tec
execute0_lowered:
.L_overlay_start_1:
0x0: {  	(tag) =	ssettag $0x1  }
0x1: {  	s0 =	srdreg.scid  }
0x2: {  	s1 =	sshll.u32 s0, $0x4  }
0x3: {  	s0 =	stileid.u32;
	s1 =	sand.u32 $0x10, s1  }
0x4: {  	s1 =	sor.u32 s0, s1  }
0x5: {  	s6 =	rddreg [dreg:$0x0];
	s4 =	simm.s32 $0x1;
	s2 =	sshll.u32 s1, $0x7  }
0x6: {  	s7 =	simm.s32 $0x2;
	s12 =	simm.s32 $0x0;
	s1 =	ssub.s32 $0x4000, s2  }
0x7: {  	s8 =	simm.s32 $0x20000;
	s13 =	simm.s32 $0x0;
	s3 =	sand.u32 $0xF80, s1  }
0x8: {  	s9 =	simm.s32 $0x0;
	s5 =	sshrl.u32 s1, $0xC;
	p0 =	sne.s32 s3, $0x0  }
.Ltmp0:
0x9: {  	s1 =	rddreg [dreg:$0x2];
	s4 =	simm.s32 @!p0 $0x0;
	(pc) =	sbr.rel .LBB1_1-.Ltmp0, $4  }
0xa: {  	s11 =	simm.s32 $0x0;
	s3 =	rddreg [dreg:$0x1];
	s5 =	sadd.s32 s4, s5  }
0xb: {  	_ =	strace $0x8000004A;
	s4 =	simm.s32 $0x1;
	s5 =	smul.u32 $0x64, s5  }
0xc: {  	s6 =	sadd.s32 $0xF4CC00, s6;
	s10 =	smov.u32 s2;
	[sflag:s4] =	ssyncpa.u1 $0x0  }
0xd: {  	p0 =	por $0x0, $0x0;
	[sflag:s7] =	ssyncpa.u1 $0x0;
	s7 =	sor.u32 $0x1, s5  }
.LBB1_4:
0xe: {  	s16 =	sshll.u32 s13, $0x3;
	s17 =	sand.u32 $0x78, s13  }
0xf: {  	s30 =	sand.u32 $0xF800, s13;
	s12 =	sshll.u32 s12, $0x10;
	s16 =	sand.u32 $0x3C00, s16  }
0x10: {  	s31 =	sand.u32 $0x7, s13;
	s16 =	sor.u32 s17, s16;
	s17 =	sadd.s32 s3, s30  }
0x11: {  	s13 =	sshll.u32 s31, $0x12;
	s16 =	sshrl.u32 s16, $0x3;
	s12 =	sadd.s32 s12, s17  }
0x12: {  	[tilespmem:s15+$0x0 ss:$0x81] =	vst.msk $0xffff, v0;
	s13 =	sor.u32 $0x400, s13;
	s12 =	sadd.s32 s16, s12  }
0x13: {  	[hbm4b:s12+s13] =	stream.strided.scatter [tilespmem:s14], [sflag:$0x2], $0x1000, s8, s13, $0x20;
	[tilespmem:$0x4040] =	vst v63  }
.LBB1_5:
0x14: {  	s14 =	sadd.s32 $0x1, s9  }
0x15: {  	s12 =	sadd.s32 $0x1000, s10;
	s16 =	smov.u32 s10;
	p2 =	sgt.s32 s14, $0x63  }
0x16: {  	s16 =	smov.u32 @p2 s12  }
0x17: {  	s14 =	simm.s32 @p2 $0x0;
	p2 =	sgt.s32 s16, $0x3FFF  }
0x18: {  	s16 =	smov.u32 @p2 s2;
	p2 =	sne.s32 s11, s7  }
.Ltmp1:
0x19: {  	p1 =	slt.u32 s11, $0x2;
	(pc) =	sbr.rel @!p2 .LBB1_6-.Ltmp1, $4  }
0x1a: {  	s15 =	simm.s32 @!p1 $0x2  }
0x1b: {  	s13 =	smov.u32 s10;
	p0 =	por !p0, !p0;
	_ =	swait.ge @!p1 [sflag:s15], $0x1000  }
0x1c: {  	s12 =	smov.u32 s9;
	[sflag:s15] =	ssyncset.done @!p1 $0x0;
	s9 =	smov.u32 s14  }
0x1d: {  	s11 =	sadd.s32 $0x1, s11;
	[sflag:s15] =	ssyncadd.s32 @!p1 $0xFFFFF000;
	s10 =	smov.u32 s16  }
.LBB1_1:
0x1e: {  	p1 =	sge.u32 s11, s5  }
0x1f: {  	s14 =	sand.u32 @!p1 $0x1FFFFFF, s9  }
0x20: {  	s15 =	smulhi.u32 @!p1 $0x2762763, s14;
	_ =	sdelay $0x1  }
0x21: {  	s15 =	smul.u32 @!p1 $0x68, s15  }
0x22: {  	s16 =	sxor.u32 @!p1 $0xFFFFFFFF, s11;
	s17 =	smul.u32 @!p1 $0x680, s10  }
0x23: {  	s31 =	sadd.s32 $0xFFFFFFFF, s11;
	s16 =	sshll.u32 @!p1 s16, $0xC;
	s14 =	ssub.s32 @!p1 s14, s15  }
0x24: {  	s15 =	sand.u32 @!p1 $0x1000, s16;
	s16 =	sadd.s32 @!p1 s6, s17;
	s14 =	sshll.u32 @!p1 s14, $0x4  }
0x25: {  	s17 =	simm.s32 @!p1 $0x3400;
	s14 =	sadd.s32 @!p1 s14, s16;
	s16 =	simm.s32 @!p1 $0x20  }
0x26: {  	[tilespmem:s15], [sflag:$0x1] =	stream.strided.gather @!p1 [hbm4b:s14+s16], $0x1000, s17, s16, $0x38;
	[tilespmem:$0x4040] =	vst v63  }
0x27: {  	p1 =	sge.u32 s31, s5  }
.Ltmp2:
0x28: {  	_ = 	snop;
	(pc) =	sbr.rel @p1 .LBB1_5-.Ltmp2, $1  }
0x29: {  	_ =	sdelay $0x3  }
0x2a: {  	s14 =	simm.s32 $0x1  }
0x2b: {  	_ =	swait.ge [sflag:s4], $0x1000;
	s14 =	simm.s32 @!p0 $0x0  }
0x2c: {  	[sflag:s4] =	ssyncset.done $0x0;
	s15 =	sshll.u32 s14, $0xC  }
0x2d: {  	[sflag:s4] =	ssyncadd.s32 $0xFFFFF000;
	s18 =	sor.u32 $0x10, s15  }
0x2e: {  	s14 =	smul.u32 $0x4080, s14;
	v1 =	vld [tilespmem:s18+$0x0]  }
0x2f: {  	s30 =	sand.u32 $0x1, s11;
	v0 =	vld [tilespmem:s18+$0xFFFFFFF0]  }
0x30: {  	s15 =	smul.u32 $0x4080, s30;
	s14 =	sshrl.u32 s14, $0x2  }
0x31: {  	s16 =	sor.u32 $0x2000, s14  }
0x32: {  	s31 =	sshrl.u32 s15, $0x2;
	s15 =	sadd.s32 $0x0, s16  }
0x33: {  	s17 =	simm.s32 $0x4;
	s18 =	sadd.s32 $0x20, s18;
	s14 =	sor.u32 $0x2000, s31;
	[tilespmem:s15+$0x810 ss:$0x81] =	vst.msk $0xffff, v1  }
.LBB1_3:
0x34: {  	v1 =	vld [tilespmem:s18+$0x0];
	p1 =	sne.s32 s17, $0x1FC;
	[tilespmem:s15+$0x0 ss:$0x81] =	vst.msk $0xffff, v0;
	s15 =	smov.u32 s17;
	s17 =	sadd.s32 $0x4, s17  }
.Ltmp3:
0x35: {  	v0 =	vld [tilespmem:s18+$0xFFFFFFF0];
	(pc) =	sbr.rel @p1 .LBB1_3-.Ltmp3, $4  }
0x36: {  	_ = 	snop  }
0x37: {  	s15 =	sshra.s32 s15, $0x2  }
0x38: {  	s15 =	sadd.s32 s15, s16  }
0x39: {  	s18 =	sadd.s32 $0x20, s18;
	[tilespmem:s15+$0x810 ss:$0x81] =	vst.msk $0xffff, v1  }
.Ltmp4:
0x3a: {  	_ = 	snop;
	(pc) =	sbr.rel .LBB1_4-.Ltmp4, $1  }
0x3b: {  	_ =	sdelay $0x3  }
.LBB1_6:
0x3c: {  	_ =	sfence.sel $0x180000  }
0x3d: {  	s2 =	simm.s32 $0x1;
	[bflag:$0x0] =	sbarrier.arrive $0xFFFF  }
0x3e: {  	s31 =	simm.s32 $0x2;
	[sflag:s2] =	ssyncpa.u1 $0x1  }
0x3f: {  	[sflag:s31] =	ssyncpa.u1 $0x1  }
0x40: {  	p0 =	sne.s32 s0, $0x0;
	_ =	strace $0x9000004A  }
0x41: {  	s0 =	sadd.s32 @!p0 $0x100000, s1;
	[bflag:$0x2] =	sbarrier.arrive $0xFFFF  }
0x42: {  	[sflag:s0] =	ssyncadd.tile.s32 @!p0 $0x1;
	_ =	shalt  }
.Lfunc_end1:
_tile_overlayer_lowered:
.L_overlay_start_2:
0x43: {  	(tag) =	ssettag $0x2  }
0x44: {  	s0 =	rddreg [dreg:$0x0];
	s2 =	stileid.u32  }
0x45: {  	s1 =	rddreg [dreg:$0x1];
	p0 =	sne.s32 s2, $0x0  }
0x46: {  	s3 =	rddreg [dreg:$0x2];
	[bflag:$0x3] =	sbarrier.arrive $0xFFFF;
	s2 =	simm.s32 @!p0 $0x1C01  }
0x47: {  	[timem:s3], [sflag:s2] =	dma.local @!p0 [hbm:s0], s1  }
0x48: {  	s0 =	simm.s32 @!p0 $0x1  }
0x49: {  	_ =	swait.ge @!p0 [sflag:s0], s1  }
0x4a: {  	s1 =	ssub.s32 @!p0 $0x0, s1;
	[sflag:s0] =	ssyncset.done @!p0 $0x0  }
0x4b: {  	[sflag:s0] =	ssyncadd.s32 @!p0 s1  }
0x4c: {  	[bflag:$0x3] =	sbarrier.arrive $0xFFFF  }
0x4d: {  	_ =	shalt  }

</sc_bundles>
